<compile_context>
chip_gen: v7x
topology: tpu7x:2x2x1
jax: 0.10.2.dev20260603
libtpu: 0.0.44.dev20260713+nightly
codegen_flags: <defaults>
</compile_context>

<pallas_src>
import functools
import jax
import jax.numpy as jnp
from jax import lax
from jax.experimental import pallas as pl
from jax.experimental.pallas import tpu as pltpu
from jax.experimental.pallas import tpu_sc as plsc


B, P, Q, O = 1024, 32, 32, 32
BB = 32
NSTEP = B // BB
NW = 32
BPW = B // NW



def _pass1_body(x_ref, wd_ref, w2_ref, rec_ref, stats_ref):
    i = pl.program_id(0)
    X = x_ref[...]
    Wd = wd_ref[...]
    W2 = w2_ref[...]

    dn = (((2,), (1,)), ((), ()))
    U = jax.lax.dot_general(X, Wd, dn, preferred_element_type=jnp.float32)
    V = jax.lax.dot_general(X, W2, dn, preferred_element_type=jnp.float32)

    sq = jnp.sum(X * X, axis=1)
    G = jax.lax.dot_general(X, X, (((1,), (1,)), ((0,), (0,))),
                            preferred_element_type=jnp.float32)
    d2 = sq[:, :, None] + sq[:, None, :] - 2.0 * G
    d2 = jnp.maximum(d2, 0.0)

    a = d2[:, :, :, None]
    bb = d2[:, :, None, :]
    rp = jax.lax.broadcasted_iota(jnp.int32, (1, 1, Q, Q), 2)
    rr = jax.lax.broadcasted_iota(jnp.int32, (1, 1, Q, Q), 3)
    cmp = (a < bb) | ((a == bb) & (rp < rr))
    rank = jnp.sum(cmp.astype(jnp.float32), axis=2)

    jj = jax.lax.broadcasted_iota(jnp.int32, (1, 1, 1, Q), 3).astype(jnp.float32)
    oh = (rank[:, :, :, None] == jj).astype(jnp.float32)
    rf = jax.lax.broadcasted_iota(jnp.int32, (1, 1, Q, 1), 2).astype(jnp.float32)
    idxf = jnp.sum(oh * rf, axis=2)

    rec_ref[...] = jnp.concatenate([U, V, idxf], axis=1)

    ub = jnp.sum(U, axis=1)
    vb = jnp.sum(V, axis=1)
    su = jnp.sum(ub, axis=0)
    sv = jnp.sum(vb, axis=0)
    su2 = jnp.sum(U * U, axis=(0, 1))
    sv2 = jnp.sum(V * V, axis=(0, 1))
    sx = jnp.sum(ub * vb, axis=0)
    zero = jnp.zeros((O,), jnp.float32)
    new = jnp.stack([su, sv, su2, sv2, sx, zero, zero, zero], axis=0)

    @pl.when(i == 0)
    def _():
        stats_ref[...] = new

    @pl.when(i != 0)
    def _():
        stats_ref[...] = stats_ref[...] + new


def _run_pass1(x, Wd, W2):
    return pl.pallas_call(
        _pass1_body,
        grid=(NSTEP,),
        in_specs=[
            pl.BlockSpec((BB, P, Q), lambda i: (i, 0, 0)),
            pl.BlockSpec((O, Q), lambda i: (0, 0)),
            pl.BlockSpec((O, Q), lambda i: (0, 0)),
        ],
        out_specs=[
            pl.BlockSpec((BB, 3 * P, Q), lambda i: (i, 0, 0)),
            pl.BlockSpec((8, O), lambda i: (0, 0)),
        ],
        out_shape=[
            jax.ShapeDtypeStruct((B, 3 * P, Q), jnp.float32),
            jax.ShapeDtypeStruct((8, O), jnp.float32),
        ],
    )(x, Wd, W2)



def _lane_splat(vec, lane):
    idxs = jnp.full((16, 1), lane, jnp.int32)
    return jax.lax.gather(
        vec, idxs,
        jax.lax.GatherDimensionNumbers(
            offset_dims=(), collapsed_slice_dims=(0,), start_index_map=(0,)),
        slice_sizes=(1,),
        mode=jax.lax.GatherScatterMode.PROMISE_IN_BOUNDS)


def _pass2_body(rec_hbm, ss_hbm, out_hbm, rec_v, ss_v, us_v, vs_v, out_v):
    wid = lax.axis_index("s") * 2 + lax.axis_index("c")
    pltpu.sync_copy(ss_hbm, ss_v)

    def batch_body(t, carry):
        b = wid * BPW + t
        pltpu.sync_copy(rec_hbm.at[b], rec_v)

        for p in range(P):
            for h in range(2):
                sv = ss_v[pl.ds(16 * h, 16)]
                sh = ss_v[pl.ds(32 + 16 * h, 16)]
                us_v[pl.ds(p * 32 + 16 * h, 16)] = (
                    rec_v[p, pl.ds(16 * h, 16)] * sv + sh)
                vs_v[pl.ds(p * 32 + 16 * h, 16)] = (
                    rec_v[P + p, pl.ds(16 * h, 16)] * sv)

        def p_body(p, c):
            idx_lo = rec_v[2 * P + p, pl.ds(0, 16)].astype(jnp.int32)
            idx_hi = rec_v[2 * P + p, pl.ds(16, 16)].astype(jnp.int32)
            base_lo = idx_lo * 32
            base_hi = idx_hi * 32
            us_lo = us_v[pl.ds(p * 32, 16)]
            us_hi = us_v[pl.ds(p * 32 + 16, 16)]
            for o in range(O):
                usp = _lane_splat(us_lo if o < 16 else us_hi, o % 16)
                vlo = plsc.load_gather(vs_v, [base_lo + o])
                vhi = plsc.load_gather(vs_v, [base_hi + o])
                out_v[pl.ds(o * 1024 + p * 32, 16)] = jnp.maximum(vlo + usp, 0.0)
                out_v[pl.ds(o * 1024 + p * 32 + 16, 16)] = jnp.maximum(vhi + usp, 0.0)
            return c

        lax.fori_loop(0, P, p_body, 0, unroll=False)
        pltpu.sync_copy(out_v, out_hbm.at[b])
        return carry

    lax.fori_loop(0, BPW, batch_body, 0, unroll=False)


def _run_pass2(rec, ss):
    mesh = plsc.VectorSubcoreMesh(core_axis_name="c", subcore_axis_name="s")
    f = pl.kernel(
        _pass2_body,
        out_type=jax.ShapeDtypeStruct((B, O * P * Q), jnp.float32),
        mesh=mesh,
        compiler_params=pltpu.CompilerParams(needs_layout_passes=False),
        scratch_types=[
            pltpu.VMEM((3 * P, Q), jnp.float32),
            pltpu.VMEM((64,), jnp.float32),
            pltpu.VMEM((P * O,), jnp.float32),
            pltpu.VMEM((P * O,), jnp.float32),
            pltpu.VMEM((O * P * Q,), jnp.float32),
        ],
    )
    return f(rec, ss)



def kernel(x, W, gamma, beta, k):
    W2d = W[:, :, 0, 0]
    W1 = W2d[:, :Q]
    W2 = W2d[:, Q:]
    rec, stats = _run_pass1(x, W1 - W2, W2)

    su, sv, su2, sv2, sx = stats[0], stats[1], stats[2], stats[3], stats[4]
    kf = jnp.asarray(k, jnp.float32)
    n = B * P * kf
    mean = (kf * su + P * sv) / n
    e2 = (kf * su2 + 2.0 * sx + P * sv2) / n
    var = e2 - mean * mean
    s = gamma * jax.lax.rsqrt(var + 1e-5)
    shift = beta - mean * s
    ss = jnp.concatenate([s, shift], axis=0)

    out = _run_pass2(rec, ss)
    return out.reshape(B, O, P, Q)

# --- scband reference (transcript-rebuilt; emitter-appended) ---
"""Pipeline reference for scband-edge-conv-59648505807254 (READ-ONLY COPY).

The authoritative reference and input builder live on the scoring server;
editing this copy changes nothing except your own understanding.
"""

import jax, jax.numpy as jnp
import numpy as np


def setup_inputs(seed: int = 0) -> dict:
    key = jax.random.key(seed)
    k1, k2 = jax.random.split(key, 2)
    B, P, Q = 1024, 32, 32
    in_channels, out_channels = 32, 32
    x = jax.random.normal(k1, (B, P, Q), dtype=jnp.float32)
    # Conv2d(2*in_channels, out_channels, kernel_size=1, bias=False) weight
    fan_in = 2 * in_channels
    W = jax.random.normal(k2, (out_channels, 2 * in_channels, 1, 1), dtype=jnp.float32) * (1.0 / np.sqrt(fan_in))
    # BatchNorm2d affine params (fresh module: gamma=1, beta=0), training mode -> batch stats
    gamma = jnp.ones((out_channels,), dtype=jnp.float32)
    beta = jnp.zeros((out_channels,), dtype=jnp.float32)
    return {"x": x, "W": W, "gamma": gamma, "beta": beta, "k": 32}


def reference(x, W, gamma, beta, k):
    B, P, Q = x.shape  # batch_size, num_points, num_dims
    xt = jnp.transpose(x, (0, 2, 1))  # [B, Q, P]
    # torch.cdist(xt, xt): pairwise euclidean distances between rows of xt.
    # Indices of k smallest distances are identical for squared distances
    # (sqrt is monotonic); indices carry no gradient in torch, so stop_gradient.
    sq = jnp.sum(xt * xt, axis=-1)  # [B, Q]
    d2 = sq[:, :, None] + sq[:, None, :] - 2.0 * jnp.einsum('bqp,brp->bqr', xt, xt)
    d2 = jax.lax.stop_gradient(jnp.maximum(d2, 0.0))  # [B, Q, Q]
    k_static = x.shape[2]
    _, idx = jax.lax.top_k(-d2, k_static)  # k smallest -> idx [B, Q, k]
    idx = idx + jnp.asarray(k - k_static, dtype=idx.dtype)
    idx_base = (jnp.arange(B, dtype=idx.dtype) * P).reshape(-1, 1, 1)
    idx_flat = (idx + idx_base).reshape(-1)
    feature = jnp.take(x.reshape(B * P, Q), idx_flat, axis=0)  # [B*Q*k, Q]
    feature = feature.reshape(B, k_static, Q, Q)
    xe = jnp.tile(x.reshape(B, P, 1, Q), (1, 1, k_static, 1))  # [B, P, k, Q]
    edge_feature = jnp.concatenate((xe, feature - xe), axis=3)  # [B, P, k, 2Q]
    edge_feature = jnp.transpose(edge_feature, (0, 3, 1, 2))  # [B, 2Q, P, k]
    # 1x1 conv, bias=False
    out = jnp.einsum('oc,bchw->bohw', W[:, :, 0, 0], edge_feature)
    # BatchNorm2d, training-mode forward (batch statistics, biased var, eps=1e-5)
    mean = jnp.mean(out, axis=(0, 2, 3), keepdims=True)
    var = jnp.var(out, axis=(0, 2, 3), keepdims=True)
    out = (out - mean) / jnp.sqrt(var + 1e-5)
    out = out * gamma.reshape(1, -1, 1, 1) + beta.reshape(1, -1, 1, 1)
    return jax.nn.relu(out)

if __name__ == "__main__":
    import jax
    _d = setup_inputs()
    print(jax.jit(kernel)(*tuple(_d.values())))

</pallas_src>

<mosaic_0001>
#map = affine_map<(d0, d1) -> (0, 0, 0)>
#map1 = affine_map<(d0, d1) -> (0)>
#map2 = affine_map<(d0, d1) -> (0, 0)>
module attributes {stable_mosaic.version = 14 : i64} {
  func.func @_pass2_body(%arg0: i32, %arg1: i32, %arg2: memref<1024x96x32xf32, #tpu.memory_space<hbm>>, %arg3: memref<64xf32, #tpu.memory_space<hbm>>, %arg4: memref<1024x32768xf32, #tpu.memory_space<hbm>>, %arg5: memref<96x32xf32, #tpu.memory_space<vmem>>, %arg6: memref<64xf32, #tpu.memory_space<vmem>>, %arg7: memref<1024xf32, #tpu.memory_space<vmem>>, %arg8: memref<1024xf32, #tpu.memory_space<vmem>>, %arg9: memref<32768xf32, #tpu.memory_space<vmem>>) attributes {dimension_semantics = [#tpu.dimension_semantics<core_parallel>, #tpu.dimension_semantics<subcore_parallel>], iteration_bounds = array<i64: 2, 16>, scalar_prefetch = 0 : i64, scratch_operands = 5 : i64, tpu.core_type = #tpu.core_type<sc_vector_subcore>, window_params = [{transform_indices = #map}, {transform_indices = #map1}, {transform_indices = #map2}]} {
    %mul3A = arith.constant 2 : i32
    %mul3A_0 = arith.muli %arg1, %mul3A : i32
    %add3A = arith.addi %mul3A_0, %arg0 : i32
    "tpu.region"() ({
      %run_scoped3A = tpu.sem_alloc : memref<!tpu.dma_semaphore, #tpu.memory_space<semaphore_mem>>
      tpu.enqueue_dma source(%arg3 : memref<64xf32, #tpu.memory_space<hbm>>) target(%arg6 : memref<64xf32, #tpu.memory_space<vmem>>) target_semaphore(%run_scoped3A : memref<!tpu.dma_semaphore, #tpu.memory_space<semaphore_mem>>)
      tpu.wait_dma2 semaphore(%run_scoped3A : memref<!tpu.dma_semaphore, #tpu.memory_space<semaphore_mem>>) src(%arg3 : memref<64xf32, #tpu.memory_space<hbm>>) dst(%arg6 : memref<64xf32, #tpu.memory_space<vmem>>)
      tpu.yield
    }) : () -> ()
    %scan3A = arith.constant 0 : i32
    %scan3A_1 = arith.constant 0 : i32
    %scan3A_2 = arith.constant 32 : i32
    %scan3A_3 = arith.addi %scan3A_1, %scan3A_2 : i32
    %scan3A_4 = arith.constant 1 : i32
    scf.for %scan3A_6 = %scan3A_1 to %scan3A_3 step %scan3A_4  : i32 {
      %mul3A_7 = arith.constant 32 : i32
      %mul3A_8 = arith.muli %add3A, %mul3A_7 : i32
      %add3A_9 = arith.addi %mul3A_8, %scan3A_6 : i32
      "tpu.region"() ({
        %run_scoped3A = tpu.sem_alloc : memref<!tpu.dma_semaphore, #tpu.memory_space<semaphore_mem>>
        %dma_start3A = arith.constant 0 : i32
        %dma_start3A_1230 = arith.constant 0 : i32
        %dma_start3A_1231 = tpu.memref_slice %arg2[%add3A_9, %dma_start3A, %dma_start3A_1230] : memref<1024x96x32xf32, #tpu.memory_space<hbm>> -> memref<1x96x32xf32, #tpu.memory_space<hbm>>
        %dma_start3A_1232 = tpu.memref_squeeze %dma_start3A_1231 : memref<1x96x32xf32, #tpu.memory_space<hbm>> -> memref<96x32xf32, #tpu.memory_space<hbm>>
        %dma_start3A_1233 = arith.constant 0 : i32
        %dma_start3A_1234 = arith.constant 0 : i32
        %dma_start3A_1235 = tpu.memref_slice %arg2[%add3A_9, %dma_start3A_1233, %dma_start3A_1234] : memref<1024x96x32xf32, #tpu.memory_space<hbm>> -> memref<1x96x32xf32, #tpu.memory_space<hbm>>
        %dma_start3A_1236 = tpu.memref_squeeze %dma_start3A_1235 : memref<1x96x32xf32, #tpu.memory_space<hbm>> -> memref<96x32xf32, #tpu.memory_space<hbm>>
        tpu.enqueue_dma source(%dma_start3A_1236 : memref<96x32xf32, #tpu.memory_space<hbm>>) target(%arg5 : memref<96x32xf32, #tpu.memory_space<vmem>>) target_semaphore(%run_scoped3A : memref<!tpu.dma_semaphore, #tpu.memory_space<semaphore_mem>>)
        %dma_wait3A = arith.constant 0 : i32
        %dma_wait3A_1237 = arith.constant 0 : i32
        %dma_wait3A_1238 = tpu.memref_slice %arg2[%add3A_9, %dma_wait3A, %dma_wait3A_1237] : memref<1024x96x32xf32, #tpu.memory_space<hbm>> -> memref<1x96x32xf32, #tpu.memory_space<hbm>>
        %dma_wait3A_1239 = tpu.memref_squeeze %dma_wait3A_1238 : memref<1x96x32xf32, #tpu.memory_space<hbm>> -> memref<96x32xf32, #tpu.memory_space<hbm>>
        %dma_wait3A_1240 = arith.constant 0 : i32
        %dma_wait3A_1241 = arith.constant 0 : i32
        %dma_wait3A_1242 = tpu.memref_slice %arg2[%add3A_9, %dma_wait3A_1240, %dma_wait3A_1241] : memref<1024x96x32xf32, #tpu.memory_space<hbm>> -> memref<1x96x32xf32, #tpu.memory_space<hbm>>
        %dma_wait3A_1243 = tpu.memref_squeeze %dma_wait3A_1242 : memref<1x96x32xf32, #tpu.memory_space<hbm>> -> memref<96x32xf32, #tpu.memory_space<hbm>>
        tpu.wait_dma2 semaphore(%run_scoped3A : memref<!tpu.dma_semaphore, #tpu.memory_space<semaphore_mem>>) src(%dma_wait3A_1243 : memref<96x32xf32, #tpu.memory_space<hbm>>) dst(%arg5 : memref<96x32xf32, #tpu.memory_space<vmem>>)
        tpu.yield
      }) : () -> ()
      %get3A = arith.constant 0 : index
      %get3A_10 = tpu.vector_load %arg6[%get3A] {strides = array<i32>} : memref<64xf32, #tpu.memory_space<vmem>>, vector<16xf32>,
      %get3A_11 = arith.constant 32 : index
      %get3A_12 = tpu.vector_load %arg6[%get3A_11] {strides = array<i32>} : memref<64xf32, #tpu.memory_space<vmem>>, vector<16xf32>,
      %get3A_13 = arith.constant 0 : i32
      %get3A_14 = arith.index_cast %get3A_13 : i32 to index
      %get3A_15 = arith.constant 0 : index
      %get3A_16 = tpu.vector_load %arg5[%get3A_14, %get3A_15] {strides = array<i32>} : memref<96x32xf32, #tpu.memory_space<vmem>>, vector<16xf32>,
      %mul3A_17 = arith.mulf %get3A_16, %get3A_10 : vector<16xf32>
      %add3A_18 = arith.addf %mul3A_17, %get3A_12 : vector<16xf32>
      %swap3A = arith.constant 0 : index
      %swap3A_19 = tpu.vector_load %arg7[%swap3A] {strides = array<i32>} : memref<1024xf32, #tpu.memory_space<vmem>>, vector<16xf32>,
      tpu.vector_store %arg7[%swap3A], %add3A_18 {strides = array<i32>} : memref<1024xf32, #tpu.memory_space<vmem>>, vector<16xf32>,
      %get3A_20 = arith.constant 32 : i32
      %get3A_21 = arith.index_cast %get3A_20 : i32 to index
      %get3A_22 = arith.constant 0 : index
      %get3A_23 = tpu.vector_load %arg5[%get3A_21, %get3A_22] {strides = array<i32>} : memref<96x32xf32, #tpu.memory_space<vmem>>, vector<16xf32>,
      %mul3A_24 = arith.mulf %get3A_23, %get3A_10 : vector<16xf32>
      %swap3A_25 = arith.constant 0 : index
      %swap3A_26 = tpu.vector_load %arg8[%swap3A_25] {strides = array<i32>} : memref<1024xf32, #tpu.memory_space<vmem>>, vector<16xf32>,
      tpu.vector_store %arg8[%swap3A_25], %mul3A_24 {strides = array<i32>} : memref<1024xf32, #tpu.memory_space<vmem>>, vector<16xf32>,
      %get3A_27 = arith.constant 16 : index
      %get3A_28 = tpu.vector_load %arg6[%get3A_27] {strides = array<i32>} : memref<64xf32, #tpu.memory_space<vmem>>, vector<16xf32>,
      %get3A_29 = arith.constant 48 : index
      %get3A_30 = tpu.vector_load %arg6[%get3A_29] {strides = array<i32>} : memref<64xf32, #tpu.memory_space<vmem>>, vector<16xf32>,
      %get3A_31 = arith.constant 0 : i32
      %get3A_32 = arith.index_cast %get3A_31 : i32 to index
      %get3A_33 = arith.constant 16 : index
      %get3A_34 = tpu.vector_load %arg5[%get3A_32, %get3A_33] {strides = array<i32>} : memref<96x32xf32, #tpu.memory_space<vmem>>, vector<16xf32>,
      %mul3A_35 = arith.mulf %get3A_34, %get3A_28 : vector<16xf32>
      %add3A_36 = arith.addf %mul3A_35, %get3A_30 : vector<16xf32>
      %swap3A_37 = arith.constant 16 : index
      %swap3A_38 = tpu.vector_load %arg7[%swap3A_37] {strides = array<i32>} : memref<1024xf32, #tpu.memory_space<vmem>>, vector<16xf32>,
      tpu.vector_store %arg7[%swap3A_37], %add3A_36 {strides = array<i32>} : memref<1024xf32, #tpu.memory_space<vmem>>, vector<16xf32>,
      %get3A_39 = arith.constant 32 : i32
      %get3A_40 = arith.index_cast %get3A_39 : i32 to index
      %get3A_41 = arith.constant 16 : index
      %get3A_42 = tpu.vector_load %arg5[%get3A_40, %get3A_41] {strides = array<i32>} : memref<96x32xf32, #tpu.memory_space<vmem>>, vector<16xf32>,
      %mul3A_43 = arith.mulf %get3A_42, %get3A_28 : vector<16xf32>
      %swap3A_44 = arith.constant 16 : index
      %swap3A_45 = tpu.vector_load %arg8[%swap3A_44] {strides = array<i32>} : memref<1024xf32, #tpu.memory_space<vmem>>, vector<16xf32>,
      tpu.vector_store %arg8[%swap3A_44], %mul3A_43 {strides = array<i32>} : memref<1024xf32, #tpu.memory_space<vmem>>, vector<16xf32>,
      %get3A_46 = arith.constant 0 : index
      %get3A_47 = tpu.vector_load %arg6[%get3A_46] {strides = array<i32>} : memref<64xf32, #tpu.memory_space<vmem>>, vector<16xf32>,
      %get3A_48 = arith.constant 32 : index
      %get3A_49 = tpu.vector_load %arg6[%get3A_48] {strides = array<i32>} : memref<64xf32, #tpu.memory_space<vmem>>, vector<16xf32>,
      %get3A_50 = arith.constant 1 : i32
      %get3A_51 = arith.index_cast %get3A_50 : i32 to index
      %get3A_52 = arith.constant 0 : index
      %get3A_53 = tpu.vector_load %arg5[%get3A_51, %get3A_52] {strides = array<i32>} : memref<96x32xf32, #tpu.memory_space<vmem>>, vector<16xf32>,
      %mul3A_54 = arith.mulf %get3A_53, %get3A_47 : vector<16xf32>
      %add3A_55 = arith.addf %mul3A_54, %get3A_49 : vector<16xf32>
      %swap3A_56 = arith.constant 32 : index
      %swap3A_57 = tpu.vector_load %arg7[%swap3A_56] {strides = array<i32>} : memref<1024xf32, #tpu.memory_space<vmem>>, vector<16xf32>,
      tpu.vector_store %arg7[%swap3A_56], %add3A_55 {strides = array<i32>} : memref<1024xf32, #tpu.memory_space<vmem>>, vector<16xf32>,
      %get3A_58 = arith.constant 33 : i32
      %get3A_59 = arith.index_cast %get3A_58 : i32 to index
      %get3A_60 = arith.constant 0 : index
      %get3A_61 = tpu.vector_load %arg5[%get3A_59, %get3A_60] {strides = array<i32>} : memref<96x32xf32, #tpu.memory_space<vmem>>, vector<16xf32>,
      %mul3A_62 = arith.mulf %get3A_61, %get3A_47 : vector<16xf32>
      %swap3A_63 = arith.constant 32 : index
      %swap3A_64 = tpu.vector_load %arg8[%swap3A_63] {strides = array<i32>} : memref<1024xf32, #tpu.memory_space<vmem>>, vector<16xf32>,
      tpu.vector_store %arg8[%swap3A_63], %mul3A_62 {strides = array<i32>} : memref<1024xf32, #tpu.memory_space<vmem>>, vector<16xf32>,
      %get3A_65 = arith.constant 16 : index
      %get3A_66 = tpu.vector_load %arg6[%get3A_65] {strides = array<i32>} : memref<64xf32, #tpu.memory_space<vmem>>, vector<16xf32>,
      %get3A_67 = arith.constant 48 : index
      %get3A_68 = tpu.vector_load %arg6[%get3A_67] {strides = array<i32>} : memref<64xf32, #tpu.memory_space<vmem>>, vector<16xf32>,
      %get3A_69 = arith.constant 1 : i32
      %get3A_70 = arith.index_cast %get3A_69 : i32 to index
      %get3A_71 = arith.constant 16 : index
      %get3A_72 = tpu.vector_load %arg5[%get3A_70, %get3A_71] {strides = array<i32>} : memref<96x32xf32, #tpu.memory_space<vmem>>, vector<16xf32>,
      %mul3A_73 = arith.mulf %get3A_72, %get3A_66 : vector<16xf32>
      %add3A_74 = arith.addf %mul3A_73, %get3A_68 : vector<16xf32>
      %swap3A_75 = arith.constant 48 : index
      %swap3A_76 = tpu.vector_load %arg7[%swap3A_75] {strides = array<i32>} : memref<1024xf32, #tpu.memory_space<vmem>>, vector<16xf32>,
      tpu.vector_store %arg7[%swap3A_75], %add3A_74 {strides = array<i32>} : memref<1024xf32, #tpu.memory_space<vmem>>, vector<16xf32>,
      %get3A_77 = arith.constant 33 : i32
      %get3A_78 = arith.index_cast %get3A_77 : i32 to index
      %get3A_79 = arith.constant 16 : index
      %get3A_80 = tpu.vector_load %arg5[%get3A_78, %get3A_79] {strides = array<i32>} : memref<96x32xf32, #tpu.memory_space<vmem>>, vector<16xf32>,
      %mul3A_81 = arith.mulf %get3A_80, %get3A_66 : vector<16xf32>
      %swap3A_82 = arith.constant 48 : index
      %swap3A_83 = tpu.vector_load %arg8[%swap3A_82] {strides = array<i32>} : memref<1024xf32, #tpu.memory_space<vmem>>, vector<16xf32>,
      tpu.vector_store %arg8[%swap3A_82], %mul3A_81 {strides = array<i32>} : memref<1024xf32, #tpu.memory_space<vmem>>, vector<16xf32>,
      %get3A_84 = arith.constant 0 : index
      %get3A_85 = tpu.vector_load %arg6[%get3A_84] {strides = array<i32>} : memref<64xf32, #tpu.memory_space<vmem>>, vector<16xf32>,
      %get3A_86 = arith.constant 32 : index
      %get3A_87 = tpu.vector_load %arg6[%get3A_86] {strides = array<i32>} : memref<64xf32, #tpu.memory_space<vmem>>, vector<16xf32>,
      %get3A_88 = arith.constant 2 : i32
      %get3A_89 = arith.index_cast %get3A_88 : i32 to index
      %get3A_90 = arith.constant 0 : index
      %get3A_91 = tpu.vector_load %arg5[%get3A_89, %get3A_90] {strides = array<i32>} : memref<96x32xf32, #tpu.memory_space<vmem>>, vector<16xf32>,
      %mul3A_92 = arith.mulf %get3A_91, %get3A_85 : vector<16xf32>
      %add3A_93 = arith.addf %mul3A_92, %get3A_87 : vector<16xf32>
      %swap3A_94 = arith.constant 64 : index
      %swap3A_95 = tpu.vector_load %arg7[%swap3A_94] {strides = array<i32>} : memref<1024xf32, #tpu.memory_space<vmem>>, vector<16xf32>,
      tpu.vector_store %arg7[%swap3A_94], %add3A_93 {strides = array<i32>} : memref<1024xf32, #tpu.memory_space<vmem>>, vector<16xf32>,
      %get3A_96 = arith.constant 34 : i32
      %get3A_97 = arith.index_cast %get3A_96 : i32 to index
      %get3A_98 = arith.constant 0 : index
      %get3A_99 = tpu.vector_load %arg5[%get3A_97, %get3A_98] {strides = array<i32>} : memref<96x32xf32, #tpu.memory_space<vmem>>, vector<16xf32>,
      %mul3A_100 = arith.mulf %get3A_99, %get3A_85 : vector<16xf32>
      %swap3A_101 = arith.constant 64 : index
      %swap3A_102 = tpu.vector_load %arg8[%swap3A_101] {strides = array<i32>} : memref<1024xf32, #tpu.memory_space<vmem>>, vector<16xf32>,
      tpu.vector_store %arg8[%swap3A_101], %mul3A_100 {strides = array<i32>} : memref<1024xf32, #tpu.memory_space<vmem>>, vector<16xf32>,
      %get3A_103 = arith.constant 16 : index
      %get3A_104 = tpu.vector_load %arg6[%get3A_103] {strides = array<i32>} : memref<64xf32, #tpu.memory_space<vmem>>, vector<16xf32>,
      %get3A_105 = arith.constant 48 : index
      %get3A_106 = tpu.vector_load %arg6[%get3A_105] {strides = array<i32>} : memref<64xf32, #tpu.memory_space<vmem>>, vector<16xf32>,
      %get3A_107 = arith.constant 2 : i32
      %get3A_108 = arith.index_cast %get3A_107 : i32 to index
      %get3A_109 = arith.constant 16 : index
      %get3A_110 = tpu.vector_load %arg5[%get3A_108, %get3A_109] {strides = array<i32>} : memref<96x32xf32, #tpu.memory_space<vmem>>, vector<16xf32>,
      %mul3A_111 = arith.mulf %get3A_110, %get3A_104 : vector<16xf32>
      %add3A_112 = arith.addf %mul3A_111, %get3A_106 : vector<16xf32>
      %swap3A_113 = arith.constant 80 : index
      %swap3A_114 = tpu.vector_load %arg7[%swap3A_113] {strides = array<i32>} : memref<1024xf32, #tpu.memory_space<vmem>>, vector<16xf32>,
      tpu.vector_store %arg7[%swap3A_113], %add3A_112 {strides = array<i32>} : memref<1024xf32, #tpu.memory_space<vmem>>, vector<16xf32>,
      %get3A_115 = arith.constant 34 : i32
      %get3A_116 = arith.index_cast %get3A_115 : i32 to index
      %get3A_117 = arith.constant 16 : index
      %get3A_118 = tpu.vector_load %arg5[%get3A_116, %get3A_117] {strides = array<i32>} : memref<96x32xf32, #tpu.memory_space<vmem>>, vector<16xf32>,
      %mul3A_119 = arith.mulf %get3A_118, %get3A_104 : vector<16xf32>
      %swap3A_120 = arith.constant 80 : index
      %swap3A_121 = tpu.vector_load %arg8[%swap3A_120] {strides = array<i32>} : memref<1024xf32, #tpu.memory_space<vmem>>, vector<16xf32>,
      tpu.vector_store %arg8[%swap3A_120], %mul3A_119 {strides = array<i32>} : memref<1024xf32, #tpu.memory_space<vmem>>, vector<16xf32>,
      %get3A_122 = arith.constant 0 : index
      %get3A_123 = tpu.vector_load %arg6[%get3A_122] {strides = array<i32>} : memref<64xf32, #tpu.memory_space<vmem>>, vector<16xf32>,
      %get3A_124 = arith.constant 32 : index
      %get3A_125 = tpu.vector_load %arg6[%get3A_124] {strides = array<i32>} : memref<64xf32, #tpu.memory_space<vmem>>, vector<16xf32>,
      %get3A_126 = arith.constant 3 : i32
      %get3A_127 = arith.index_cast %get3A_126 : i32 to index
      %get3A_128 = arith.constant 0 : index
      %get3A_129 = tpu.vector_load %arg5[%get3A_127, %get3A_128] {strides = array<i32>} : memref<96x32xf32, #tpu.memory_space<vmem>>, vector<16xf32>,
      %mul3A_130 = arith.mulf %get3A_129, %get3A_123 : vector<16xf32>
      %add3A_131 = arith.addf %mul3A_130, %get3A_125 : vector<16xf32>
      %swap3A_132 = arith.constant 96 : index
      %swap3A_133 = tpu.vector_load %arg7[%swap3A_132] {strides = array<i32>} : memref<1024xf32, #tpu.memory_space<vmem>>, vector<16xf32>,
      tpu.vector_store %arg7[%swap3A_132], %add3A_131 {strides = array<i32>} : memref<1024xf32, #tpu.memory_space<vmem>>, vector<16xf32>,
      %get3A_134 = arith.constant 35 : i32
      %get3A_135 = arith.index_cast %get3A_134 : i32 to index
      %get3A_136 = arith.constant 0 : index
      %get3A_137 = tpu.vector_load %arg5[%get3A_135, %get3A_136] {strides = array<i32>} : memref<96x32xf32, #tpu.memory_space<vmem>>, vector<16xf32>,
      %mul3A_138 = arith.mulf %get3A_137, %get3A_123 : vector<16xf32>
      %swap3A_139 = arith.constant 96 : index
      %swap3A_140 = tpu.vector_load %arg8[%swap3A_139] {strides = array<i32>} : memref<1024xf32, #tpu.memory_space<vmem>>, vector<16xf32>,
      tpu.vector_store %arg8[%swap3A_139], %mul3A_138 {strides = array<i32>} : memref<1024xf32, #tpu.memory_space<vmem>>, vector<16xf32>,
      %get3A_141 = arith.constant 16 : index
      %get3A_142 = tpu.vector_load %arg6[%get3A_141] {strides = array<i32>} : memref<64xf32, #tpu.memory_space<vmem>>, vector<16xf32>,
      %get3A_143 = arith.constant 48 : index
      %get3A_144 = tpu.vector_load %arg6[%get3A_143] {strides = array<i32>} : memref<64xf32, #tpu.memory_space<vmem>>, vector<16xf32>,
      %get3A_145 = arith.constant 3 : i32
      %get3A_146 = arith.index_cast %get3A_145 : i32 to index
      %get3A_147 = arith.constant 16 : index
      %get3A_148 = tpu.vector_load %arg5[%get3A_146, %get3A_147] {strides = array<i32>} : memref<96x32xf32, #tpu.memory_space<vmem>>, vector<16xf32>,
      %mul3A_149 = arith.mulf %get3A_148, %get3A_142 : vector<16xf32>
      %add3A_150 = arith.addf %mul3A_149, %get3A_144 : vector<16xf32>
      %swap3A_151 = arith.constant 112 : index
      %swap3A_152 = tpu.vector_load %arg7[%swap3A_151] {strides = array<i32>} : memref<1024xf32, #tpu.memory_space<vmem>>, vector<16xf32>,
      tpu.vector_store %arg7[%swap3A_151], %add3A_150 {strides = array<i32>} : memref<1024xf32, #tpu.memory_space<vmem>>, vector<16xf32>,
      %get3A_153 = arith.constant 35 : i32
      %get3A_154 = arith.index_cast %get3A_153 : i32 to index
      %get3A_155 = arith.constant 16 : index
      %get3A_156 = tpu.vector_load %arg5[%get3A_154, %get3A_155] {strides = array<i32>} : memref<96x32xf32, #tpu.memory_space<vmem>>, vector<16xf32>,
      %mul3A_157 = arith.mulf %get3A_156, %get3A_142 : vector<16xf32>
      %swap3A_158 = arith.constant 112 : index
      %swap3A_159 = tpu.vector_load %arg8[%swap3A_158] {strides = array<i32>} : memref<1024xf32, #tpu.memory_space<vmem>>, vector<16xf32>,
      tpu.vector_store %arg8[%swap3A_158], %mul3A_157 {strides = array<i32>} : memref<1024xf32, #tpu.memory_space<vmem>>, vector<16xf32>,
      %get3A_160 = arith.constant 0 : index
      %get3A_161 = tpu.vector_load %arg6[%get3A_160] {strides = array<i32>} : memref<64xf32, #tpu.memory_space<vmem>>, vector<16xf32>,
      %get3A_162 = arith.constant 32 : index
      %get3A_163 = tpu.vector_load %arg6[%get3A_162] {strides = array<i32>} : memref<64xf32, #tpu.memory_space<vmem>>, vector<16xf32>,
      %get3A_164 = arith.constant 4 : i32
      %get3A_165 = arith.index_cast %get3A_164 : i32 to index
      %get3A_166 = arith.constant 0 : index
      %get3A_167 = tpu.vector_load %arg5[%get3A_165, %get3A_166] {strides = array<i32>} : memref<96x32xf32, #tpu.memory_space<vmem>>, vector<16xf32>,
      %mul3A_168 = arith.mulf %get3A_167, %get3A_161 : vector<16xf32>
      %add3A_169 = arith.addf %mul3A_168, %get3A_163 : vector<16xf32>
      %swap3A_170 = arith.constant 128 : index
      %swap3A_171 = tpu.vector_load %arg7[%swap3A_170] {strides = array<i32>} : memref<1024xf32, #tpu.memory_space<vmem>>, vector<16xf32>,
      tpu.vector_store %arg7[%swap3A_170], %add3A_169 {strides = array<i32>} : memref<1024xf32, #tpu.memory_space<vmem>>, vector<16xf32>,
      %get3A_172 = arith.constant 36 : i32
      %get3A_173 = arith.index_cast %get3A_172 : i32 to index
      %get3A_174 = arith.constant 0 : index
      %get3A_175 = tpu.vector_load %arg5[%get3A_173, %get3A_174] {strides = array<i32>} : memref<96x32xf32, #tpu.memory_space<vmem>>, vector<16xf32>,
      %mul3A_176 = arith.mulf %get3A_175, %get3A_161 : vector<16xf32>
      %swap3A_177 = arith.constant 128 : index
      %swap3A_178 = tpu.vector_load %arg8[%swap3A_177] {strides = array<i32>} : memref<1024xf32, #tpu.memory_space<vmem>>, vector<16xf32>,
      tpu.vector_store %arg8[%swap3A_177], %mul3A_176 {strides = array<i32>} : memref<1024xf32, #tpu.memory_space<vmem>>, vector<16xf32>,
      %get3A_179 = arith.constant 16 : index
      %get3A_180 = tpu.vector_load %arg6[%get3A_179] {strides = array<i32>} : memref<64xf32, #tpu.memory_space<vmem>>, vector<16xf32>,
      %get3A_181 = arith.constant 48 : index
      %get3A_182 = tpu.vector_load %arg6[%get3A_181] {strides = array<i32>} : memref<64xf32, #tpu.memory_space<vmem>>, vector<16xf32>,
      %get3A_183 = arith.constant 4 : i32
      %get3A_184 = arith.index_cast %get3A_183 : i32 to index
      %get3A_185 = arith.constant 16 : index
      %get3A_186 = tpu.vector_load %arg5[%get3A_184, %get3A_185] {strides = array<i32>} : memref<96x32xf32, #tpu.memory_space<vmem>>, vector<16xf32>,
      %mul3A_187 = arith.mulf %get3A_186, %get3A_180 : vector<16xf32>
      %add3A_188 = arith.addf %mul3A_187, %get3A_182 : vector<16xf32>
      %swap3A_189 = arith.constant 144 : index
      %swap3A_190 = tpu.vector_load %arg7[%swap3A_189] {strides = array<i32>} : memref<1024xf32, #tpu.memory_space<vmem>>, vector<16xf32>,
      tpu.vector_store %arg7[%swap3A_189], %add3A_188 {strides = array<i32>} : memref<1024xf32, #tpu.memory_space<vmem>>, vector<16xf32>,
      %get3A_191 = arith.constant 36 : i32
      %get3A_192 = arith.index_cast %get3A_191 : i32 to index
      %get3A_193 = arith.constant 16 : index
      %get3A_194 = tpu.vector_load %arg5[%get3A_192, %get3A_193] {strides = array<i32>} : memref<96x32xf32, #tpu.memory_space<vmem>>, vector<16xf32>,
      %mul3A_195 = arith.mulf %get3A_194, %get3A_180 : vector<16xf32>
      %swap3A_196 = arith.constant 144 : index
      %swap3A_197 = tpu.vector_load %arg8[%swap3A_196] {strides = array<i32>} : memref<1024xf32, #tpu.memory_space<vmem>>, vector<16xf32>,
      tpu.vector_store %arg8[%swap3A_196], %mul3A_195 {strides = array<i32>} : memref<1024xf32, #tpu.memory_space<vmem>>, vector<16xf32>,
      %get3A_198 = arith.constant 0 : index
      %get3A_199 = tpu.vector_load %arg6[%get3A_198] {strides = array<i32>} : memref<64xf32, #tpu.memory_space<vmem>>, vector<16xf32>,
      %get3A_200 = arith.constant 32 : index
      %get3A_201 = tpu.vector_load %arg6[%get3A_200] {strides = array<i32>} : memref<64xf32, #tpu.memory_space<vmem>>, vector<16xf32>,
      %get3A_202 = arith.constant 5 : i32
      %get3A_203 = arith.index_cast %get3A_202 : i32 to index
      %get3A_204 = arith.constant 0 : index
      %get3A_205 = tpu.vector_load %arg5[%get3A_203, %get3A_204] {strides = array<i32>} : memref<96x32xf32, #tpu.memory_space<vmem>>, vector<16xf32>,
      %mul3A_206 = arith.mulf %get3A_205, %get3A_199 : vector<16xf32>
      %add3A_207 = arith.addf %mul3A_206, %get3A_201 : vector<16xf32>
      %swap3A_208 = arith.constant 160 : index
      %swap3A_209 = tpu.vector_load %arg7[%swap3A_208] {strides = array<i32>} : memref<1024xf32, #tpu.memory_space<vmem>>, vector<16xf32>,
      tpu.vector_store %arg7[%swap3A_208], %add3A_207 {strides = array<i32>} : memref<1024xf32, #tpu.memory_space<vmem>>, vector<16xf32>,
      %get3A_210 = arith.constant 37 : i32
      %get3A_211 = arith.index_cast %get3A_210 : i32 to index
      %get3A_212 = arith.constant 0 : index
      %get3A_213 = tpu.vector_load %arg5[%get3A_211, %get3A_212] {strides = array<i32>} : memref<96x32xf32, #tpu.memory_space<vmem>>, vector<16xf32>,
      %mul3A_214 = arith.mulf %get3A_213, %get3A_199 : vector<16xf32>
      %swap3A_215 = arith.constant 160 : index
      %swap3A_216 = tpu.vector_load %arg8[%swap3A_215] {strides = array<i32>} : memref<1024xf32, #tpu.memory_space<vmem>>, vector<16xf32>,
      tpu.vector_store %arg8[%swap3A_215], %mul3A_214 {strides = array<i32>} : memref<1024xf32, #tpu.memory_space<vmem>>, vector<16xf32>,
      %get3A_217 = arith.constant 16 : index
      %get3A_218 = tpu.vector_load %arg6[%get3A_217] {strides = array<i32>} : memref<64xf32, #tpu.memory_space<vmem>>, vector<16xf32>,
      %get3A_219 = arith.constant 48 : index
      %get3A_220 = tpu.vector_load %arg6[%get3A_219] {strides = array<i32>} : memref<64xf32, #tpu.memory_space<vmem>>, vector<16xf32>,
      %get3A_221 = arith.constant 5 : i32
      %get3A_222 = arith.index_cast %get3A_221 : i32 to index
      %get3A_223 = arith.constant 16 : index
      %get3A_224 = tpu.vector_load %arg5[%get3A_222, %get3A_223] {strides = array<i32>} : memref<96x32xf32, #tpu.memory_space<vmem>>, vector<16xf32>,
      %mul3A_225 = arith.mulf %get3A_224, %get3A_218 : vector<16xf32>
      %add3A_226 = arith.addf %mul3A_225, %get3A_220 : vector<16xf32>
      %swap3A_227 = arith.constant 176 : index
      %swap3A_228 = tpu.vector_load %arg7[%swap3A_227] {strides = array<i32>} : memref<1024xf32, #tpu.memory_space<vmem>>, vector<16xf32>,
      tpu.vector_store %arg7[%swap3A_227], %add3A_226 {strides = array<i32>} : memref<1024xf32, #tpu.memory_space<vmem>>, vector<16xf32>,
      %get3A_229 = arith.constant 37 : i32
      %get3A_230 = arith.index_cast %get3A_229 : i32 to index
      %get3A_231 = arith.constant 16 : index
      %get3A_232 = tpu.vector_load %arg5[%get3A_230, %get3A_231] {strides = array<i32>} : memref<96x32xf32, #tpu.memory_space<vmem>>, vector<16xf32>,
      %mul3A_233 = arith.mulf %get3A_232, %get3A_218 : vector<16xf32>
      %swap3A_234 = arith.constant 176 : index
      %swap3A_235 = tpu.vector_load %arg8[%swap3A_234] {strides = array<i32>} : memref<1024xf32, #tpu.memory_space<vmem>>, vector<16xf32>,
      tpu.vector_store %arg8[%swap3A_234], %mul3A_233 {strides = array<i32>} : memref<1024xf32, #tpu.memory_space<vmem>>, vector<16xf32>,
      %get3A_236 = arith.constant 0 : index
      %get3A_237 = tpu.vector_load %arg6[%get3A_236] {strides = array<i32>} : memref<64xf32, #tpu.memory_space<vmem>>, vector<16xf32>,
      %get3A_238 = arith.constant 32 : index
      %get3A_239 = tpu.vector_load %arg6[%get3A_238] {strides = array<i32>} : memref<64xf32, #tpu.memory_space<vmem>>, vector<16xf32>,
      %get3A_240 = arith.constant 6 : i32
      %get3A_241 = arith.index_cast %get3A_240 : i32 to index
      %get3A_242 = arith.constant 0 : index
      %get3A_243 = tpu.vector_load %arg5[%get3A_241, %get3A_242] {strides = array<i32>} : memref<96x32xf32, #tpu.memory_space<vmem>>, vector<16xf32>,
      %mul3A_244 = arith.mulf %get3A_243, %get3A_237 : vector<16xf32>
      %add3A_245 = arith.addf %mul3A_244, %get3A_239 : vector<16xf32>
      %swap3A_246 = arith.constant 192 : index
      %swap3A_247 = tpu.vector_load %arg7[%swap3A_246] {strides = array<i32>} : memref<1024xf32, #tpu.memory_space<vmem>>, vector<16xf32>,
      tpu.vector_store %arg7[%swap3A_246], %add3A_245 {strides = array<i32>} : memref<1024xf32, #tpu.memory_space<vmem>>, vector<16xf32>,
      %get3A_248 = arith.constant 38 : i32
      %get3A_249 = arith.index_cast %get3A_248 : i32 to index
      %get3A_250 = arith.constant 0 : index
      %get3A_251 = tpu.vector_load %arg5[%get3A_249, %get3A_250] {strides = array<i32>} : memref<96x32xf32, #tpu.memory_space<vmem>>, vector<16xf32>,
      %mul3A_252 = arith.mulf %get3A_251, %get3A_237 : vector<16xf32>
      %swap3A_253 = arith.constant 192 : index
      %swap3A_254 = tpu.vector_load %arg8[%swap3A_253] {strides = array<i32>} : memref<1024xf32, #tpu.memory_space<vmem>>, vector<16xf32>,
      tpu.vector_store %arg8[%swap3A_253], %mul3A_252 {strides = array<i32>} : memref<1024xf32, #tpu.memory_space<vmem>>, vector<16xf32>,
      %get3A_255 = arith.constant 16 : index
      %get3A_256 = tpu.vector_load %arg6[%get3A_255] {strides = array<i32>} : memref<64xf32, #tpu.memory_space<vmem>>, vector<16xf32>,
      %get3A_257 = arith.constant 48 : index
      %get3A_258 = tpu.vector_load %arg6[%get3A_257] {strides = array<i32>} : memref<64xf32, #tpu.memory_space<vmem>>, vector<16xf32>,
      %get3A_259 = arith.constant 6 : i32
      %get3A_260 = arith.index_cast %get3A_259 : i32 to index
      %get3A_261 = arith.constant 16 : index
      %get3A_262 = tpu.vector_load %arg5[%get3A_260, %get3A_261] {strides = array<i32>} : memref<96x32xf32, #tpu.memory_space<vmem>>, vector<16xf32>,
      %mul3A_263 = arith.mulf %get3A_262, %get3A_256 : vector<16xf32>
      %add3A_264 = arith.addf %mul3A_263, %get3A_258 : vector<16xf32>
      %swap3A_265 = arith.constant 208 : index
      %swap3A_266 = tpu.vector_load %arg7[%swap3A_265] {strides = array<i32>} : memref<1024xf32, #tpu.memory_space<vmem>>, vector<16xf32>,
      tpu.vector_store %arg7[%swap3A_265], %add3A_264 {strides = array<i32>} : memref<1024xf32, #tpu.memory_space<vmem>>, vector<16xf32>,
      %get3A_267 = arith.constant 38 : i32
      %get3A_268 = arith.index_cast %get3A_267 : i32 to index
      %get3A_269 = arith.constant 16 : index
      %get3A_270 = tpu.vector_load %arg5[%get3A_268, %get3A_269] {strides = array<i32>} : memref<96x32xf32, #tpu.memory_space<vmem>>, vector<16xf32>,
      %mul3A_271 = arith.mulf %get3A_270, %get3A_256 : vector<16xf32>
      %swap3A_272 = arith.constant 208 : index
      %swap3A_273 = tpu.vector_load %arg8[%swap3A_272] {strides = array<i32>} : memref<1024xf32, #tpu.memory_space<vmem>>, vector<16xf32>,
      tpu.vector_store %arg8[%swap3A_272], %mul3A_271 {strides = array<i32>} : memref<1024xf32, #tpu.memory_space<vmem>>, vector<16xf32>,
      %get3A_274 = arith.constant 0 : index
      %get3A_275 = tpu.vector_load %arg6[%get3A_274] {strides = array<i32>} : memref<64xf32, #tpu.memory_space<vmem>>, vector<16xf32>,
      %get3A_276 = arith.constant 32 : index
      %get3A_277 = tpu.vector_load %arg6[%get3A_276] {strides = array<i32>} : memref<64xf32, #tpu.memory_space<vmem>>, vector<16xf32>,
      %get3A_278 = arith.constant 7 : i32
      %get3A_279 = arith.index_cast %get3A_278 : i32 to index
      %get3A_280 = arith.constant 0 : index
      %get3A_281 = tpu.vector_load %arg5[%get3A_279, %get3A_280] {strides = array<i32>} : memref<96x32xf32, #tpu.memory_space<vmem>>, vector<16xf32>,
      %mul3A_282 = arith.mulf %get3A_281, %get3A_275 : vector<16xf32>
      %add3A_283 = arith.addf %mul3A_282, %get3A_277 : vector<16xf32>
      %swap3A_284 = arith.constant 224 : index
      %swap3A_285 = tpu.vector_load %arg7[%swap3A_284] {strides = array<i32>} : memref<1024xf32, #tpu.memory_space<vmem>>, vector<16xf32>,
      tpu.vector_store %arg7[%swap3A_284], %add3A_283 {strides = array<i32>} : memref<1024xf32, #tpu.memory_space<vmem>>, vector<16xf32>,
      %get3A_286 = arith.constant 39 : i32
      %get3A_287 = arith.index_cast %get3A_286 : i32 to index
      %get3A_288 = arith.constant 0 : index
      %get3A_289 = tpu.vector_load %arg5[%get3A_287, %get3A_288] {strides = array<i32>} : memref<96x32xf32, #tpu.memory_space<vmem>>, vector<16xf32>,
      %mul3A_290 = arith.mulf %get3A_289, %get3A_275 : vector<16xf32>
      %swap3A_291 = arith.constant 224 : index
      %swap3A_292 = tpu.vector_load %arg8[%swap3A_291] {strides = array<i32>} : memref<1024xf32, #tpu.memory_space<vmem>>, vector<16xf32>,
      tpu.vector_store %arg8[%swap3A_291], %mul3A_290 {strides = array<i32>} : memref<1024xf32, #tpu.memory_space<vmem>>, vector<16xf32>,
      %get3A_293 = arith.constant 16 : index
      %get3A_294 = tpu.vector_load %arg6[%get3A_293] {strides = array<i32>} : memref<64xf32, #tpu.memory_space<vmem>>, vector<16xf32>,
      %get3A_295 = arith.constant 48 : index
      %get3A_296 = tpu.vector_load %arg6[%get3A_295] {strides = array<i32>} : memref<64xf32, #tpu.memory_space<vmem>>, vector<16xf32>,
      %get3A_297 = arith.constant 7 : i32
      %get3A_298 = arith.index_cast %get3A_297 : i32 to index
      %get3A_299 = arith.constant 16 : index
      %get3A_300 = tpu.vector_load %arg5[%get3A_298, %get3A_299] {strides = array<i32>} : memref<96x32xf32, #tpu.memory_space<vmem>>, vector<16xf32>,
      %mul3A_301 = arith.mulf %get3A_300, %get3A_294 : vector<16xf32>
      %add3A_302 = arith.addf %mul3A_301, %get3A_296 : vector<16xf32>
      %swap3A_303 = arith.constant 240 : index
      %swap3A_304 = tpu.vector_load %arg7[%swap3A_303] {strides = array<i32>} : memref<1024xf32, #tpu.memory_space<vmem>>, vector<16xf32>,
      tpu.vector_store %arg7[%swap3A_303], %add3A_302 {strides = array<i32>} : memref<1024xf32, #tpu.memory_space<vmem>>, vector<16xf32>,
      %get3A_305 = arith.constant 39 : i32
      %get3A_306 = arith.index_cast %get3A_305 : i32 to index
      %get3A_307 = arith.constant 16 : index
      %get3A_308 = tpu.vector_load %arg5[%get3A_306, %get3A_307] {strides = array<i32>} : memref<96x32xf32, #tpu.memory_space<vmem>>, vector<16xf32>,
      %mul3A_309 = arith.mulf %get3A_308, %get3A_294 : vector<16xf32>
      %swap3A_310 = arith.constant 240 : index
      %swap3A_311 = tpu.vector_load %arg8[%swap3A_310] {strides = array<i32>} : memref<1024xf32, #tpu.memory_space<vmem>>, vector<16xf32>,
      tpu.vector_store %arg8[%swap3A_310], %mul3A_309 {strides = array<i32>} : memref<1024xf32, #tpu.memory_space<vmem>>, vector<16xf32>,
      %get3A_312 = arith.constant 0 : index
      %get3A_313 = tpu.vector_load %arg6[%get3A_312] {strides = array<i32>} : memref<64xf32, #tpu.memory_space<vmem>>, vector<16xf32>,
      %get3A_314 = arith.constant 32 : index
      %get3A_315 = tpu.vector_load %arg6[%get3A_314] {strides = array<i32>} : memref<64xf32, #tpu.memory_space<vmem>>, vector<16xf32>,
      %get3A_316 = arith.constant 8 : i32
      %get3A_317 = arith.index_cast %get3A_316 : i32 to index
      %get3A_318 = arith.constant 0 : index
      %get3A_319 = tpu.vector_load %arg5[%get3A_317, %get3A_318] {strides = array<i32>} : memref<96x32xf32, #tpu.memory_space<vmem>>, vector<16xf32>,
      %mul3A_320 = arith.mulf %get3A_319, %get3A_313 : vector<16xf32>
      %add3A_321 = arith.addf %mul3A_320, %get3A_315 : vector<16xf32>
      %swap3A_322 = arith.constant 256 : index
      %swap3A_323 = tpu.vector_load %arg7[%swap3A_322] {strides = array<i32>} : memref<1024xf32, #tpu.memory_space<vmem>>, vector<16xf32>,
      tpu.vector_store %arg7[%swap3A_322], %add3A_321 {strides = array<i32>} : memref<1024xf32, #tpu.memory_space<vmem>>, vector<16xf32>,
      %get3A_324 = arith.constant 40 : i32
      %get3A_325 = arith.index_cast %get3A_324 : i32 to index
      %get3A_326 = arith.constant 0 : index
      %get3A_327 = tpu.vector_load %arg5[%get3A_325, %get3A_326] {strides = array<i32>} : memref<96x32xf32, #tpu.memory_space<vmem>>, vector<16xf32>,
      %mul3A_328 = arith.mulf %get3A_327, %get3A_313 : vector<16xf32>
      %swap3A_329 = arith.constant 256 : index
      %swap3A_330 = tpu.vector_load %arg8[%swap3A_329] {strides = array<i32>} : memref<1024xf32, #tpu.memory_space<vmem>>, vector<16xf32>,
      tpu.vector_store %arg8[%swap3A_329], %mul3A_328 {strides = array<i32>} : memref<1024xf32, #tpu.memory_space<vmem>>, vector<16xf32>,
      %get3A_331 = arith.constant 16 : index
      %get3A_332 = tpu.vector_load %arg6[%get3A_331] {strides = array<i32>} : memref<64xf32, #tpu.memory_space<vmem>>, vector<16xf32>,
      %get3A_333 = arith.constant 48 : index
      %get3A_334 = tpu.vector_load %arg6[%get3A_333] {strides = array<i32>} : memref<64xf32, #tpu.memory_space<vmem>>, vector<16xf32>,
      %get3A_335 = arith.constant 8 : i32
      %get3A_336 = arith.index_cast %get3A_335 : i32 to index
      %get3A_337 = arith.constant 16 : index
      %get3A_338 = tpu.vector_load %arg5[%get3A_336, %get3A_337] {strides = array<i32>} : memref<96x32xf32, #tpu.memory_space<vmem>>, vector<16xf32>,
      %mul3A_339 = arith.mulf %get3A_338, %get3A_332 : vector<16xf32>
      %add3A_340 = arith.addf %mul3A_339, %get3A_334 : vector<16xf32>
      %swap3A_341 = arith.constant 272 : index
      %swap3A_342 = tpu.vector_load %arg7[%swap3A_341] {strides = array<i32>} : memref<1024xf32, #tpu.memory_space<vmem>>, vector<16xf32>,
      tpu.vector_store %arg7[%swap3A_341], %add3A_340 {strides = array<i32>} : memref<1024xf32, #tpu.memory_space<vmem>>, vector<16xf32>,
      %get3A_343 = arith.constant 40 : i32
      %get3A_344 = arith.index_cast %get3A_343 : i32 to index
      %get3A_345 = arith.constant 16 : index
      %get3A_346 = tpu.vector_load %arg5[%get3A_344, %get3A_345] {strides = array<i32>} : memref<96x32xf32, #tpu.memory_space<vmem>>, vector<16xf32>,
      %mul3A_347 = arith.mulf %get3A_346, %get3A_332 : vector<16xf32>
      %swap3A_348 = arith.constant 272 : index
      %swap3A_349 = tpu.vector_load %arg8[%swap3A_348] {strides = array<i32>} : memref<1024xf32, #tpu.memory_space<vmem>>, vector<16xf32>,
      tpu.vector_store %arg8[%swap3A_348], %mul3A_347 {strides = array<i32>} : memref<1024xf32, #tpu.memory_space<vmem>>, vector<16xf32>,
      %get3A_350 = arith.constant 0 : index
      %get3A_351 = tpu.vector_load %arg6[%get3A_350] {strides = array<i32>} : memref<64xf32, #tpu.memory_space<vmem>>, vector<16xf32>,
      %get3A_352 = arith.constant 32 : index
      %get3A_353 = tpu.vector_load %arg6[%get3A_352] {strides = array<i32>} : memref<64xf32, #tpu.memory_space<vmem>>, vector<16xf32>,
      %get3A_354 = arith.constant 9 : i32
      %get3A_355 = arith.index_cast %get3A_354 : i32 to index
      %get3A_356 = arith.constant 0 : index
      %get3A_357 = tpu.vector_load %arg5[%get3A_355, %get3A_356] {strides = array<i32>} : memref<96x32xf32, #tpu.memory_space<vmem>>, vector<16xf32>,
      %mul3A_358 = arith.mulf %get3A_357, %get3A_351 : vector<16xf32>
      %add3A_359 = arith.addf %mul3A_358, %get3A_353 : vector<16xf32>
      %swap3A_360 = arith.constant 288 : index
      %swap3A_361 = tpu.vector_load %arg7[%swap3A_360] {strides = array<i32>} : memref<1024xf32, #tpu.memory_space<vmem>>, vector<16xf32>,
      tpu.vector_store %arg7[%swap3A_360], %add3A_359 {strides = array<i32>} : memref<1024xf32, #tpu.memory_space<vmem>>, vector<16xf32>,
      %get3A_362 = arith.constant 41 : i32
      %get3A_363 = arith.index_cast %get3A_362 : i32 to index
      %get3A_364 = arith.constant 0 : index
      %get3A_365 = tpu.vector_load %arg5[%get3A_363, %get3A_364] {strides = array<i32>} : memref<96x32xf32, #tpu.memory_space<vmem>>, vector<16xf32>,
      %mul3A_366 = arith.mulf %get3A_365, %get3A_351 : vector<16xf32>
      %swap3A_367 = arith.constant 288 : index
      %swap3A_368 = tpu.vector_load %arg8[%swap3A_367] {strides = array<i32>} : memref<1024xf32, #tpu.memory_space<vmem>>, vector<16xf32>,
      tpu.vector_store %arg8[%swap3A_367], %mul3A_366 {strides = array<i32>} : memref<1024xf32, #tpu.memory_space<vmem>>, vector<16xf32>,
      %get3A_369 = arith.constant 16 : index
      %get3A_370 = tpu.vector_load %arg6[%get3A_369] {strides = array<i32>} : memref<64xf32, #tpu.memory_space<vmem>>, vector<16xf32>,
      %get3A_371 = arith.constant 48 : index
      %get3A_372 = tpu.vector_load %arg6[%get3A_371] {strides = array<i32>} : memref<64xf32, #tpu.memory_space<vmem>>, vector<16xf32>,
      %get3A_373 = arith.constant 9 : i32
      %get3A_374 = arith.index_cast %get3A_373 : i32 to index
      %get3A_375 = arith.constant 16 : index
      %get3A_376 = tpu.vector_load %arg5[%get3A_374, %get3A_375] {strides = array<i32>} : memref<96x32xf32, #tpu.memory_space<vmem>>, vector<16xf32>,
      %mul3A_377 = arith.mulf %get3A_376, %get3A_370 : vector<16xf32>
      %add3A_378 = arith.addf %mul3A_377, %get3A_372 : vector<16xf32>
      %swap3A_379 = arith.constant 304 : index
      %swap3A_380 = tpu.vector_load %arg7[%swap3A_379] {strides = array<i32>} : memref<1024xf32, #tpu.memory_space<vmem>>, vector<16xf32>,
      tpu.vector_store %arg7[%swap3A_379], %add3A_378 {strides = array<i32>} : memref<1024xf32, #tpu.memory_space<vmem>>, vector<16xf32>,
      %get3A_381 = arith.constant 41 : i32
      %get3A_382 = arith.index_cast %get3A_381 : i32 to index
      %get3A_383 = arith.constant 16 : index
      %get3A_384 = tpu.vector_load %arg5[%get3A_382, %get3A_383] {strides = array<i32>} : memref<96x32xf32, #tpu.memory_space<vmem>>, vector<16xf32>,
      %mul3A_385 = arith.mulf %get3A_384, %get3A_370 : vector<16xf32>
      %swap3A_386 = arith.constant 304 : index
      %swap3A_387 = tpu.vector_load %arg8[%swap3A_386] {strides = array<i32>} : memref<1024xf32, #tpu.memory_space<vmem>>, vector<16xf32>,
      tpu.vector_store %arg8[%swap3A_386], %mul3A_385 {strides = array<i32>} : memref<1024xf32, #tpu.memory_space<vmem>>, vector<16xf32>,
      %get3A_388 = arith.constant 0 : index
      %get3A_389 = tpu.vector_load %arg6[%get3A_388] {strides = array<i32>} : memref<64xf32, #tpu.memory_space<vmem>>, vector<16xf32>,
      %get3A_390 = arith.constant 32 : index
      %get3A_391 = tpu.vector_load %arg6[%get3A_390] {strides = array<i32>} : memref<64xf32, #tpu.memory_space<vmem>>, vector<16xf32>,
      %get3A_392 = arith.constant 10 : i32
      %get3A_393 = arith.index_cast %get3A_392 : i32 to index
      %get3A_394 = arith.constant 0 : index
      %get3A_395 = tpu.vector_load %arg5[%get3A_393, %get3A_394] {strides = array<i32>} : memref<96x32xf32, #tpu.memory_space<vmem>>, vector<16xf32>,
      %mul3A_396 = arith.mulf %get3A_395, %get3A_389 : vector<16xf32>
      %add3A_397 = arith.addf %mul3A_396, %get3A_391 : vector<16xf32>
      %swap3A_398 = arith.constant 320 : index
      %swap3A_399 = tpu.vector_load %arg7[%swap3A_398] {strides = array<i32>} : memref<1024xf32, #tpu.memory_space<vmem>>, vector<16xf32>,
      tpu.vector_store %arg7[%swap3A_398], %add3A_397 {strides = array<i32>} : memref<1024xf32, #tpu.memory_space<vmem>>, vector<16xf32>,
      %get3A_400 = arith.constant 42 : i32
      %get3A_401 = arith.index_cast %get3A_400 : i32 to index
      %get3A_402 = arith.constant 0 : index
      %get3A_403 = tpu.vector_load %arg5[%get3A_401, %get3A_402] {strides = array<i32>} : memref<96x32xf32, #tpu.memory_space<vmem>>, vector<16xf32>,
      %mul3A_404 = arith.mulf %get3A_403, %get3A_389 : vector<16xf32>
      %swap3A_405 = arith.constant 320 : index
      %swap3A_406 = tpu.vector_load %arg8[%swap3A_405] {strides = array<i32>} : memref<1024xf32, #tpu.memory_space<vmem>>, vector<16xf32>,
      tpu.vector_store %arg8[%swap3A_405], %mul3A_404 {strides = array<i32>} : memref<1024xf32, #tpu.memory_space<vmem>>, vector<16xf32>,
      %get3A_407 = arith.constant 16 : index
      %get3A_408 = tpu.vector_load %arg6[%get3A_407] {strides = array<i32>} : memref<64xf32, #tpu.memory_space<vmem>>, vector<16xf32>,
      %get3A_409 = arith.constant 48 : index
      %get3A_410 = tpu.vector_load %arg6[%get3A_409] {strides = array<i32>} : memref<64xf32, #tpu.memory_space<vmem>>, vector<16xf32>,
      %get3A_411 = arith.constant 10 : i32
      %get3A_412 = arith.index_cast %get3A_411 : i32 to index
      %get3A_413 = arith.constant 16 : index
      %get3A_414 = tpu.vector_load %arg5[%get3A_412, %get3A_413] {strides = array<i32>} : memref<96x32xf32, #tpu.memory_space<vmem>>, vector<16xf32>,
      %mul3A_415 = arith.mulf %get3A_414, %get3A_408 : vector<16xf32>
      %add3A_416 = arith.addf %mul3A_415, %get3A_410 : vector<16xf32>
      %swap3A_417 = arith.constant 336 : index
      %swap3A_418 = tpu.vector_load %arg7[%swap3A_417] {strides = array<i32>} : memref<1024xf32, #tpu.memory_space<vmem>>, vector<16xf32>,
      tpu.vector_store %arg7[%swap3A_417], %add3A_416 {strides = array<i32>} : memref<1024xf32, #tpu.memory_space<vmem>>, vector<16xf32>,
      %get3A_419 = arith.constant 42 : i32
      %get3A_420 = arith.index_cast %get3A_419 : i32 to index
      %get3A_421 = arith.constant 16 : index
      %get3A_422 = tpu.vector_load %arg5[%get3A_420, %get3A_421] {strides = array<i32>} : memref<96x32xf32, #tpu.memory_space<vmem>>, vector<16xf32>,
      %mul3A_423 = arith.mulf %get3A_422, %get3A_408 : vector<16xf32>
      %swap3A_424 = arith.constant 336 : index
      %swap3A_425 = tpu.vector_load %arg8[%swap3A_424] {strides = array<i32>} : memref<1024xf32, #tpu.memory_space<vmem>>, vector<16xf32>,
      tpu.vector_store %arg8[%swap3A_424], %mul3A_423 {strides = array<i32>} : memref<1024xf32, #tpu.memory_space<vmem>>, vector<16xf32>,
      %get3A_426 = arith.constant 0 : index
      %get3A_427 = tpu.vector_load %arg6[%get3A_426] {strides = array<i32>} : memref<64xf32, #tpu.memory_space<vmem>>, vector<16xf32>,
      %get3A_428 = arith.constant 32 : index
      %get3A_429 = tpu.vector_load %arg6[%get3A_428] {strides = array<i32>} : memref<64xf32, #tpu.memory_space<vmem>>, vector<16xf32>,
      %get3A_430 = arith.constant 11 : i32
      %get3A_431 = arith.index_cast %get3A_430 : i32 to index
      %get3A_432 = arith.constant 0 : index
      %get3A_433 = tpu.vector_load %arg5[%get3A_431, %get3A_432] {strides = array<i32>} : memref<96x32xf32, #tpu.memory_space<vmem>>, vector<16xf32>,
      %mul3A_434 = arith.mulf %get3A_433, %get3A_427 : vector<16xf32>
      %add3A_435 = arith.addf %mul3A_434, %get3A_429 : vector<16xf32>
      %swap3A_436 = arith.constant 352 : index
      %swap3A_437 = tpu.vector_load %arg7[%swap3A_436] {strides = array<i32>} : memref<1024xf32, #tpu.memory_space<vmem>>, vector<16xf32>,
      tpu.vector_store %arg7[%swap3A_436], %add3A_435 {strides = array<i32>} : memref<1024xf32, #tpu.memory_space<vmem>>, vector<16xf32>,
      %get3A_438 = arith.constant 43 : i32
      %get3A_439 = arith.index_cast %get3A_438 : i32 to index
      %get3A_440 = arith.constant 0 : index
      %get3A_441 = tpu.vector_load %arg5[%get3A_439, %get3A_440] {strides = array<i32>} : memref<96x32xf32, #tpu.memory_space<vmem>>, vector<16xf32>,
      %mul3A_442 = arith.mulf %get3A_441, %get3A_427 : vector<16xf32>
      %swap3A_443 = arith.constant 352 : index
      %swap3A_444 = tpu.vector_load %arg8[%swap3A_443] {strides = array<i32>} : memref<1024xf32, #tpu.memory_space<vmem>>, vector<16xf32>,
      tpu.vector_store %arg8[%swap3A_443], %mul3A_442 {strides = array<i32>} : memref<1024xf32, #tpu.memory_space<vmem>>, vector<16xf32>,
      %get3A_445 = arith.constant 16 : index
      %get3A_446 = tpu.vector_load %arg6[%get3A_445] {strides = array<i32>} : memref<64xf32, #tpu.memory_space<vmem>>, vector<16xf32>,
      %get3A_447 = arith.constant 48 : index
      %get3A_448 = tpu.vector_load %arg6[%get3A_447] {strides = array<i32>} : memref<64xf32, #tpu.memory_space<vmem>>, vector<16xf32>,
      %get3A_449 = arith.constant 11 : i32
      %get3A_450 = arith.index_cast %get3A_449 : i32 to index
      %get3A_451 = arith.constant 16 : index
      %get3A_452 = tpu.vector_load %arg5[%get3A_450, %get3A_451] {strides = array<i32>} : memref<96x32xf32, #tpu.memory_space<vmem>>, vector<16xf32>,
      %mul3A_453 = arith.mulf %get3A_452, %get3A_446 : vector<16xf32>
      %add3A_454 = arith.addf %mul3A_453, %get3A_448 : vector<16xf32>
      %swap3A_455 = arith.constant 368 : index
      %swap3A_456 = tpu.vector_load %arg7[%swap3A_455] {strides = array<i32>} : memref<1024xf32, #tpu.memory_space<vmem>>, vector<16xf32>,
      tpu.vector_store %arg7[%swap3A_455], %add3A_454 {strides = array<i32>} : memref<1024xf32, #tpu.memory_space<vmem>>, vector<16xf32>,
      %get3A_457 = arith.constant 43 : i32
      %get3A_458 = arith.index_cast %get3A_457 : i32 to index
      %get3A_459 = arith.constant 16 : index
      %get3A_460 = tpu.vector_load %arg5[%get3A_458, %get3A_459] {strides = array<i32>} : memref<96x32xf32, #tpu.memory_space<vmem>>, vector<16xf32>,
      %mul3A_461 = arith.mulf %get3A_460, %get3A_446 : vector<16xf32>
      %swap3A_462 = arith.constant 368 : index
      %swap3A_463 = tpu.vector_load %arg8[%swap3A_462] {strides = array<i32>} : memref<1024xf32, #tpu.memory_space<vmem>>, vector<16xf32>,
      tpu.vector_store %arg8[%swap3A_462], %mul3A_461 {strides = array<i32>} : memref<1024xf32, #tpu.memory_space<vmem>>, vector<16xf32>,
      %get3A_464 = arith.constant 0 : index
      %get3A_465 = tpu.vector_load %arg6[%get3A_464] {strides = array<i32>} : memref<64xf32, #tpu.memory_space<vmem>>, vector<16xf32>,
      %get3A_466 = arith.constant 32 : index
      %get3A_467 = tpu.vector_load %arg6[%get3A_466] {strides = array<i32>} : memref<64xf32, #tpu.memory_space<vmem>>, vector<16xf32>,
      %get3A_468 = arith.constant 12 : i32
      %get3A_469 = arith.index_cast %get3A_468 : i32 to index
      %get3A_470 = arith.constant 0 : index
      %get3A_471 = tpu.vector_load %arg5[%get3A_469, %get3A_470] {strides = array<i32>} : memref<96x32xf32, #tpu.memory_space<vmem>>, vector<16xf32>,
      %mul3A_472 = arith.mulf %get3A_471, %get3A_465 : vector<16xf32>
      %add3A_473 = arith.addf %mul3A_472, %get3A_467 : vector<16xf32>
      %swap3A_474 = arith.constant 384 : index
      %swap3A_475 = tpu.vector_load %arg7[%swap3A_474] {strides = array<i32>} : memref<1024xf32, #tpu.memory_space<vmem>>, vector<16xf32>,
      tpu.vector_store %arg7[%swap3A_474], %add3A_473 {strides = array<i32>} : memref<1024xf32, #tpu.memory_space<vmem>>, vector<16xf32>,
      %get3A_476 = arith.constant 44 : i32
      %get3A_477 = arith.index_cast %get3A_476 : i32 to index
      %get3A_478 = arith.constant 0 : index
      %get3A_479 = tpu.vector_load %arg5[%get3A_477, %get3A_478] {strides = array<i32>} : memref<96x32xf32, #tpu.memory_space<vmem>>, vector<16xf32>,
      %mul3A_480 = arith.mulf %get3A_479, %get3A_465 : vector<16xf32>
      %swap3A_481 = arith.constant 384 : index
      %swap3A_482 = tpu.vector_load %arg8[%swap3A_481] {strides = array<i32>} : memref<1024xf32, #tpu.memory_space<vmem>>, vector<16xf32>,
      tpu.vector_store %arg8[%swap3A_481], %mul3A_480 {strides = array<i32>} : memref<1024xf32, #tpu.memory_space<vmem>>, vector<16xf32>,
      %get3A_483 = arith.constant 16 : index
      %get3A_484 = tpu.vector_load %arg6[%get3A_483] {strides = array<i32>} : memref<64xf32, #tpu.memory_space<vmem>>, vector<16xf32>,
      %get3A_485 = arith.constant 48 : index
      %get3A_486 = tpu.vector_load %arg6[%get3A_485] {strides = array<i32>} : memref<64xf32, #tpu.memory_space<vmem>>, vector<16xf32>,
      %get3A_487 = arith.constant 12 : i32
      %get3A_488 = arith.index_cast %get3A_487 : i32 to index
      %get3A_489 = arith.constant 16 : index
      %get3A_490 = tpu.vector_load %arg5[%get3A_488, %get3A_489] {strides = array<i32>} : memref<96x32xf32, #tpu.memory_space<vmem>>, vector<16xf32>,
      %mul3A_491 = arith.mulf %get3A_490, %get3A_484 : vector<16xf32>
      %add3A_492 = arith.addf %mul3A_491, %get3A_486 : vector<16xf32>
      %swap3A_493 = arith.constant 400 : index
      %swap3A_494 = tpu.vector_load %arg7[%swap3A_493] {strides = array<i32>} : memref<1024xf32, #tpu.memory_space<vmem>>, vector<16xf32>,
      tpu.vector_store %arg7[%swap3A_493], %add3A_492 {strides = array<i32>} : memref<1024xf32, #tpu.memory_space<vmem>>, vector<16xf32>,
      %get3A_495 = arith.constant 44 : i32
      %get3A_496 = arith.index_cast %get3A_495 : i32 to index
      %get3A_497 = arith.constant 16 : index
      %get3A_498 = tpu.vector_load %arg5[%get3A_496, %get3A_497] {strides = array<i32>} : memref<96x32xf32, #tpu.memory_space<vmem>>, vector<16xf32>,
      %mul3A_499 = arith.mulf %get3A_498, %get3A_484 : vector<16xf32>
      %swap3A_500 = arith.constant 400 : index
      %swap3A_501 = tpu.vector_load %arg8[%swap3A_500] {strides = array<i32>} : memref<1024xf32, #tpu.memory_space<vmem>>, vector<16xf32>,
      tpu.vector_store %arg8[%swap3A_500], %mul3A_499 {strides = array<i32>} : memref<1024xf32, #tpu.memory_space<vmem>>, vector<16xf32>,
      %get3A_502 = arith.constant 0 : index
      %get3A_503 = tpu.vector_load %arg6[%get3A_502] {strides = array<i32>} : memref<64xf32, #tpu.memory_space<vmem>>, vector<16xf32>,
      %get3A_504 = arith.constant 32 : index
      %get3A_505 = tpu.vector_load %arg6[%get3A_504] {strides = array<i32>} : memref<64xf32, #tpu.memory_space<vmem>>, vector<16xf32>,
      %get3A_506 = arith.constant 13 : i32
      %get3A_507 = arith.index_cast %get3A_506 : i32 to index
      %get3A_508 = arith.constant 0 : index
      %get3A_509 = tpu.vector_load %arg5[%get3A_507, %get3A_508] {strides = array<i32>} : memref<96x32xf32, #tpu.memory_space<vmem>>, vector<16xf32>,
      %mul3A_510 = arith.mulf %get3A_509, %get3A_503 : vector<16xf32>
      %add3A_511 = arith.addf %mul3A_510, %get3A_505 : vector<16xf32>
      %swap3A_512 = arith.constant 416 : index
      %swap3A_513 = tpu.vector_load %arg7[%swap3A_512] {strides = array<i32>} : memref<1024xf32, #tpu.memory_space<vmem>>, vector<16xf32>,
      tpu.vector_store %arg7[%swap3A_512], %add3A_511 {strides = array<i32>} : memref<1024xf32, #tpu.memory_space<vmem>>, vector<16xf32>,
      %get3A_514 = arith.constant 45 : i32
      %get3A_515 = arith.index_cast %get3A_514 : i32 to index
      %get3A_516 = arith.constant 0 : index
      %get3A_517 = tpu.vector_load %arg5[%get3A_515, %get3A_516] {strides = array<i32>} : memref<96x32xf32, #tpu.memory_space<vmem>>, vector<16xf32>,
      %mul3A_518 = arith.mulf %get3A_517, %get3A_503 : vector<16xf32>
      %swap3A_519 = arith.constant 416 : index
      %swap3A_520 = tpu.vector_load %arg8[%swap3A_519] {strides = array<i32>} : memref<1024xf32, #tpu.memory_space<vmem>>, vector<16xf32>,
      tpu.vector_store %arg8[%swap3A_519], %mul3A_518 {strides = array<i32>} : memref<1024xf32, #tpu.memory_space<vmem>>, vector<16xf32>,
      %get3A_521 = arith.constant 16 : index
      %get3A_522 = tpu.vector_load %arg6[%get3A_521] {strides = array<i32>} : memref<64xf32, #tpu.memory_space<vmem>>, vector<16xf32>,
      %get3A_523 = arith.constant 48 : index
      %get3A_524 = tpu.vector_load %arg6[%get3A_523] {strides = array<i32>} : memref<64xf32, #tpu.memory_space<vmem>>, vector<16xf32>,
      %get3A_525 = arith.constant 13 : i32
      %get3A_526 = arith.index_cast %get3A_525 : i32 to index
      %get3A_527 = arith.constant 16 : index
      %get3A_528 = tpu.vector_load %arg5[%get3A_526, %get3A_527] {strides = array<i32>} : memref<96x32xf32, #tpu.memory_space<vmem>>, vector<16xf32>,
      %mul3A_529 = arith.mulf %get3A_528, %get3A_522 : vector<16xf32>
      %add3A_530 = arith.addf %mul3A_529, %get3A_524 : vector<16xf32>
      %swap3A_531 = arith.constant 432 : index
      %swap3A_532 = tpu.vector_load %arg7[%swap3A_531] {strides = array<i32>} : memref<1024xf32, #tpu.memory_space<vmem>>, vector<16xf32>,
      tpu.vector_store %arg7[%swap3A_531], %add3A_530 {strides = array<i32>} : memref<1024xf32, #tpu.memory_space<vmem>>, vector<16xf32>,
      %get3A_533 = arith.constant 45 : i32
      %get3A_534 = arith.index_cast %get3A_533 : i32 to index
      %get3A_535 = arith.constant 16 : index
      %get3A_536 = tpu.vector_load %arg5[%get3A_534, %get3A_535] {strides = array<i32>} : memref<96x32xf32, #tpu.memory_space<vmem>>, vector<16xf32>,
      %mul3A_537 = arith.mulf %get3A_536, %get3A_522 : vector<16xf32>
      %swap3A_538 = arith.constant 432 : index
      %swap3A_539 = tpu.vector_load %arg8[%swap3A_538] {strides = array<i32>} : memref<1024xf32, #tpu.memory_space<vmem>>, vector<16xf32>,
      tpu.vector_store %arg8[%swap3A_538], %mul3A_537 {strides = array<i32>} : memref<1024xf32, #tpu.memory_space<vmem>>, vector<16xf32>,
      %get3A_540 = arith.constant 0 : index
      %get3A_541 = tpu.vector_load %arg6[%get3A_540] {strides = array<i32>} : memref<64xf32, #tpu.memory_space<vmem>>, vector<16xf32>,
      %get3A_542 = arith.constant 32 : index
      %get3A_543 = tpu.vector_load %arg6[%get3A_542] {strides = array<i32>} : memref<64xf32, #tpu.memory_space<vmem>>, vector<16xf32>,
      %get3A_544 = arith.constant 14 : i32
      %get3A_545 = arith.index_cast %get3A_544 : i32 to index
      %get3A_546 = arith.constant 0 : index
      %get3A_547 = tpu.vector_load %arg5[%get3A_545, %get3A_546] {strides = array<i32>} : memref<96x32xf32, #tpu.memory_space<vmem>>, vector<16xf32>,
      %mul3A_548 = arith.mulf %get3A_547, %get3A_541 : vector<16xf32>
      %add3A_549 = arith.addf %mul3A_548, %get3A_543 : vector<16xf32>
      %swap3A_550 = arith.constant 448 : index
      %swap3A_551 = tpu.vector_load %arg7[%swap3A_550] {strides = array<i32>} : memref<1024xf32, #tpu.memory_space<vmem>>, vector<16xf32>,
      tpu.vector_store %arg7[%swap3A_550], %add3A_549 {strides = array<i32>} : memref<1024xf32, #tpu.memory_space<vmem>>, vector<16xf32>,
      %get3A_552 = arith.constant 46 : i32
      %get3A_553 = arith.index_cast %get3A_552 : i32 to index
      %get3A_554 = arith.constant 0 : index
      %get3A_555 = tpu.vector_load %arg5[%get3A_553, %get3A_554] {strides = array<i32>} : memref<96x32xf32, #tpu.memory_space<vmem>>, vector<16xf32>,
      %mul3A_556 = arith.mulf %get3A_555, %get3A_541 : vector<16xf32>
      %swap3A_557 = arith.constant 448 : index
      %swap3A_558 = tpu.vector_load %arg8[%swap3A_557] {strides = array<i32>} : memref<1024xf32, #tpu.memory_space<vmem>>, vector<16xf32>,
      tpu.vector_store %arg8[%swap3A_557], %mul3A_556 {strides = array<i32>} : memref<1024xf32, #tpu.memory_space<vmem>>, vector<16xf32>,
      %get3A_559 = arith.constant 16 : index
      %get3A_560 = tpu.vector_load %arg6[%get3A_559] {strides = array<i32>} : memref<64xf32, #tpu.memory_space<vmem>>, vector<16xf32>,
      %get3A_561 = arith.constant 48 : index
      %get3A_562 = tpu.vector_load %arg6[%get3A_561] {strides = array<i32>} : memref<64xf32, #tpu.memory_space<vmem>>, vector<16xf32>,
      %get3A_563 = arith.constant 14 : i32
      %get3A_564 = arith.index_cast %get3A_563 : i32 to index
      %get3A_565 = arith.constant 16 : index
      %get3A_566 = tpu.vector_load %arg5[%get3A_564, %get3A_565] {strides = array<i32>} : memref<96x32xf32, #tpu.memory_space<vmem>>, vector<16xf32>,
      %mul3A_567 = arith.mulf %get3A_566, %get3A_560 : vector<16xf32>
      %add3A_568 = arith.addf %mul3A_567, %get3A_562 : vector<16xf32>
      %swap3A_569 = arith.constant 464 : index
      %swap3A_570 = tpu.vector_load %arg7[%swap3A_569] {strides = array<i32>} : memref<1024xf32, #tpu.memory_space<vmem>>, vector<16xf32>,
      tpu.vector_store %arg7[%swap3A_569], %add3A_568 {strides = array<i32>} : memref<1024xf32, #tpu.memory_space<vmem>>, vector<16xf32>,
      %get3A_571 = arith.constant 46 : i32
      %get3A_572 = arith.index_cast %get3A_571 : i32 to index
      %get3A_573 = arith.constant 16 : index
      %get3A_574 = tpu.vector_load %arg5[%get3A_572, %get3A_573] {strides = array<i32>} : memref<96x32xf32, #tpu.memory_space<vmem>>, vector<16xf32>,
      %mul3A_575 = arith.mulf %get3A_574, %get3A_560 : vector<16xf32>
      %swap3A_576 = arith.constant 464 : index
      %swap3A_577 = tpu.vector_load %arg8[%swap3A_576] {strides = array<i32>} : memref<1024xf32, #tpu.memory_space<vmem>>, vector<16xf32>,
      tpu.vector_store %arg8[%swap3A_576], %mul3A_575 {strides = array<i32>} : memref<1024xf32, #tpu.memory_space<vmem>>, vector<16xf32>,
      %get3A_578 = arith.constant 0 : index
      %get3A_579 = tpu.vector_load %arg6[%get3A_578] {strides = array<i32>} : memref<64xf32, #tpu.memory_space<vmem>>, vector<16xf32>,
      %get3A_580 = arith.constant 32 : index
      %get3A_581 = tpu.vector_load %arg6[%get3A_580] {strides = array<i32>} : memref<64xf32, #tpu.memory_space<vmem>>, vector<16xf32>,
      %get3A_582 = arith.constant 15 : i32
      %get3A_583 = arith.index_cast %get3A_582 : i32 to index
      %get3A_584 = arith.constant 0 : index
      %get3A_585 = tpu.vector_load %arg5[%get3A_583, %get3A_584] {strides = array<i32>} : memref<96x32xf32, #tpu.memory_space<vmem>>, vector<16xf32>,
      %mul3A_586 = arith.mulf %get3A_585, %get3A_579 : vector<16xf32>
      %add3A_587 = arith.addf %mul3A_586, %get3A_581 : vector<16xf32>
      %swap3A_588 = arith.constant 480 : index
      %swap3A_589 = tpu.vector_load %arg7[%swap3A_588] {strides = array<i32>} : memref<1024xf32, #tpu.memory_space<vmem>>, vector<16xf32>,
      tpu.vector_store %arg7[%swap3A_588], %add3A_587 {strides = array<i32>} : memref<1024xf32, #tpu.memory_space<vmem>>, vector<16xf32>,
      %get3A_590 = arith.constant 47 : i32
      %get3A_591 = arith.index_cast %get3A_590 : i32 to index
      %get3A_592 = arith.constant 0 : index
      %get3A_593 = tpu.vector_load %arg5[%get3A_591, %get3A_592] {strides = array<i32>} : memref<96x32xf32, #tpu.memory_space<vmem>>, vector<16xf32>,
      %mul3A_594 = arith.mulf %get3A_593, %get3A_579 : vector<16xf32>
      %swap3A_595 = arith.constant 480 : index
      %swap3A_596 = tpu.vector_load %arg8[%swap3A_595] {strides = array<i32>} : memref<1024xf32, #tpu.memory_space<vmem>>, vector<16xf32>,
      tpu.vector_store %arg8[%swap3A_595], %mul3A_594 {strides = array<i32>} : memref<1024xf32, #tpu.memory_space<vmem>>, vector<16xf32>,
      %get3A_597 = arith.constant 16 : index
      %get3A_598 = tpu.vector_load %arg6[%get3A_597] {strides = array<i32>} : memref<64xf32, #tpu.memory_space<vmem>>, vector<16xf32>,
      %get3A_599 = arith.constant 48 : index
      %get3A_600 = tpu.vector_load %arg6[%get3A_599] {strides = array<i32>} : memref<64xf32, #tpu.memory_space<vmem>>, vector<16xf32>,
      %get3A_601 = arith.constant 15 : i32
      %get3A_602 = arith.index_cast %get3A_601 : i32 to index
      %get3A_603 = arith.constant 16 : index
      %get3A_604 = tpu.vector_load %arg5[%get3A_602, %get3A_603] {strides = array<i32>} : memref<96x32xf32, #tpu.memory_space<vmem>>, vector<16xf32>,
      %mul3A_605 = arith.mulf %get3A_604, %get3A_598 : vector<16xf32>
      %add3A_606 = arith.addf %mul3A_605, %get3A_600 : vector<16xf32>
      %swap3A_607 = arith.constant 496 : index
      %swap3A_608 = tpu.vector_load %arg7[%swap3A_607] {strides = array<i32>} : memref<1024xf32, #tpu.memory_space<vmem>>, vector<16xf32>,
      tpu.vector_store %arg7[%swap3A_607], %add3A_606 {strides = array<i32>} : memref<1024xf32, #tpu.memory_space<vmem>>, vector<16xf32>,
      %get3A_609 = arith.constant 47 : i32
      %get3A_610 = arith.index_cast %get3A_609 : i32 to index
      %get3A_611 = arith.constant 16 : index
      %get3A_612 = tpu.vector_load %arg5[%get3A_610, %get3A_611] {strides = array<i32>} : memref<96x32xf32, #tpu.memory_space<vmem>>, vector<16xf32>,
      %mul3A_613 = arith.mulf %get3A_612, %get3A_598 : vector<16xf32>
      %swap3A_614 = arith.constant 496 : index
      %swap3A_615 = tpu.vector_load %arg8[%swap3A_614] {strides = array<i32>} : memref<1024xf32, #tpu.memory_space<vmem>>, vector<16xf32>,
      tpu.vector_store %arg8[%swap3A_614], %mul3A_613 {strides = array<i32>} : memref<1024xf32, #tpu.memory_space<vmem>>, vector<16xf32>,
      %get3A_616 = arith.constant 0 : index
      %get3A_617 = tpu.vector_load %arg6[%get3A_616] {strides = array<i32>} : memref<64xf32, #tpu.memory_space<vmem>>, vector<16xf32>,
      %get3A_618 = arith.constant 32 : index
      %get3A_619 = tpu.vector_load %arg6[%get3A_618] {strides = array<i32>} : memref<64xf32, #tpu.memory_space<vmem>>, vector<16xf32>,
      %get3A_620 = arith.constant 16 : i32
      %get3A_621 = arith.index_cast %get3A_620 : i32 to index
      %get3A_622 = arith.constant 0 : index
      %get3A_623 = tpu.vector_load %arg5[%get3A_621, %get3A_622] {strides = array<i32>} : memref<96x32xf32, #tpu.memory_space<vmem>>, vector<16xf32>,
      %mul3A_624 = arith.mulf %get3A_623, %get3A_617 : vector<16xf32>
      %add3A_625 = arith.addf %mul3A_624, %get3A_619 : vector<16xf32>
      %swap3A_626 = arith.constant 512 : index
      %swap3A_627 = tpu.vector_load %arg7[%swap3A_626] {strides = array<i32>} : memref<1024xf32, #tpu.memory_space<vmem>>, vector<16xf32>,
      tpu.vector_store %arg7[%swap3A_626], %add3A_625 {strides = array<i32>} : memref<1024xf32, #tpu.memory_space<vmem>>, vector<16xf32>,
      %get3A_628 = arith.constant 48 : i32
      %get3A_629 = arith.index_cast %get3A_628 : i32 to index
      %get3A_630 = arith.constant 0 : index
      %get3A_631 = tpu.vector_load %arg5[%get3A_629, %get3A_630] {strides = array<i32>} : memref<96x32xf32, #tpu.memory_space<vmem>>, vector<16xf32>,
      %mul3A_632 = arith.mulf %get3A_631, %get3A_617 : vector<16xf32>
      %swap3A_633 = arith.constant 512 : index
      %swap3A_634 = tpu.vector_load %arg8[%swap3A_633] {strides = array<i32>} : memref<1024xf32, #tpu.memory_space<vmem>>, vector<16xf32>,
      tpu.vector_store %arg8[%swap3A_633], %mul3A_632 {strides = array<i32>} : memref<1024xf32, #tpu.memory_space<vmem>>, vector<16xf32>,
      %get3A_635 = arith.constant 16 : index
      %get3A_636 = tpu.vector_load %arg6[%get3A_635] {strides = array<i32>} : memref<64xf32, #tpu.memory_space<vmem>>, vector<16xf32>,
      %get3A_637 = arith.constant 48 : index
      %get3A_638 = tpu.vector_load %arg6[%get3A_637] {strides = array<i32>} : memref<64xf32, #tpu.memory_space<vmem>>, vector<16xf32>,
      %get3A_639 = arith.constant 16 : i32
      %get3A_640 = arith.index_cast %get3A_639 : i32 to index
      %get3A_641 = arith.constant 16 : index
      %get3A_642 = tpu.vector_load %arg5[%get3A_640, %get3A_641] {strides = array<i32>} : memref<96x32xf32, #tpu.memory_space<vmem>>, vector<16xf32>,
      %mul3A_643 = arith.mulf %get3A_642, %get3A_636 : vector<16xf32>
      %add3A_644 = arith.addf %mul3A_643, %get3A_638 : vector<16xf32>
      %swap3A_645 = arith.constant 528 : index
      %swap3A_646 = tpu.vector_load %arg7[%swap3A_645] {strides = array<i32>} : memref<1024xf32, #tpu.memory_space<vmem>>, vector<16xf32>,
      tpu.vector_store %arg7[%swap3A_645], %add3A_644 {strides = array<i32>} : memref<1024xf32, #tpu.memory_space<vmem>>, vector<16xf32>,
      %get3A_647 = arith.constant 48 : i32
      %get3A_648 = arith.index_cast %get3A_647 : i32 to index
      %get3A_649 = arith.constant 16 : index
      %get3A_650 = tpu.vector_load %arg5[%get3A_648, %get3A_649] {strides = array<i32>} : memref<96x32xf32, #tpu.memory_space<vmem>>, vector<16xf32>,
      %mul3A_651 = arith.mulf %get3A_650, %get3A_636 : vector<16xf32>
      %swap3A_652 = arith.constant 528 : index
      %swap3A_653 = tpu.vector_load %arg8[%swap3A_652] {strides = array<i32>} : memref<1024xf32, #tpu.memory_space<vmem>>, vector<16xf32>,
      tpu.vector_store %arg8[%swap3A_652], %mul3A_651 {strides = array<i32>} : memref<1024xf32, #tpu.memory_space<vmem>>, vector<16xf32>,
      %get3A_654 = arith.constant 0 : index
      %get3A_655 = tpu.vector_load %arg6[%get3A_654] {strides = array<i32>} : memref<64xf32, #tpu.memory_space<vmem>>, vector<16xf32>,
      %get3A_656 = arith.constant 32 : index
      %get3A_657 = tpu.vector_load %arg6[%get3A_656] {strides = array<i32>} : memref<64xf32, #tpu.memory_space<vmem>>, vector<16xf32>,
      %get3A_658 = arith.constant 17 : i32
      %get3A_659 = arith.index_cast %get3A_658 : i32 to index
      %get3A_660 = arith.constant 0 : index
      %get3A_661 = tpu.vector_load %arg5[%get3A_659, %get3A_660] {strides = array<i32>} : memref<96x32xf32, #tpu.memory_space<vmem>>, vector<16xf32>,
      %mul3A_662 = arith.mulf %get3A_661, %get3A_655 : vector<16xf32>
      %add3A_663 = arith.addf %mul3A_662, %get3A_657 : vector<16xf32>
      %swap3A_664 = arith.constant 544 : index
      %swap3A_665 = tpu.vector_load %arg7[%swap3A_664] {strides = array<i32>} : memref<1024xf32, #tpu.memory_space<vmem>>, vector<16xf32>,
      tpu.vector_store %arg7[%swap3A_664], %add3A_663 {strides = array<i32>} : memref<1024xf32, #tpu.memory_space<vmem>>, vector<16xf32>,
      %get3A_666 = arith.constant 49 : i32
      %get3A_667 = arith.index_cast %get3A_666 : i32 to index
      %get3A_668 = arith.constant 0 : index
      %get3A_669 = tpu.vector_load %arg5[%get3A_667, %get3A_668] {strides = array<i32>} : memref<96x32xf32, #tpu.memory_space<vmem>>, vector<16xf32>,
      %mul3A_670 = arith.mulf %get3A_669, %get3A_655 : vector<16xf32>
      %swap3A_671 = arith.constant 544 : index
      %swap3A_672 = tpu.vector_load %arg8[%swap3A_671] {strides = array<i32>} : memref<1024xf32, #tpu.memory_space<vmem>>, vector<16xf32>,
      tpu.vector_store %arg8[%swap3A_671], %mul3A_670 {strides = array<i32>} : memref<1024xf32, #tpu.memory_space<vmem>>, vector<16xf32>,
      %get3A_673 = arith.constant 16 : index
      %get3A_674 = tpu.vector_load %arg6[%get3A_673] {strides = array<i32>} : memref<64xf32, #tpu.memory_space<vmem>>, vector<16xf32>,
      %get3A_675 = arith.constant 48 : index
      %get3A_676 = tpu.vector_load %arg6[%get3A_675] {strides = array<i32>} : memref<64xf32, #tpu.memory_space<vmem>>, vector<16xf32>,
      %get3A_677 = arith.constant 17 : i32
      %get3A_678 = arith.index_cast %get3A_677 : i32 to index
      %get3A_679 = arith.constant 16 : index
      %get3A_680 = tpu.vector_load %arg5[%get3A_678, %get3A_679] {strides = array<i32>} : memref<96x32xf32, #tpu.memory_space<vmem>>, vector<16xf32>,
      %mul3A_681 = arith.mulf %get3A_680, %get3A_674 : vector<16xf32>
      %add3A_682 = arith.addf %mul3A_681, %get3A_676 : vector<16xf32>
      %swap3A_683 = arith.constant 560 : index
      %swap3A_684 = tpu.vector_load %arg7[%swap3A_683] {strides = array<i32>} : memref<1024xf32, #tpu.memory_space<vmem>>, vector<16xf32>,
      tpu.vector_store %arg7[%swap3A_683], %add3A_682 {strides = array<i32>} : memref<1024xf32, #tpu.memory_space<vmem>>, vector<16xf32>,
      %get3A_685 = arith.constant 49 : i32
      %get3A_686 = arith.index_cast %get3A_685 : i32 to index
      %get3A_687 = arith.constant 16 : index
      %get3A_688 = tpu.vector_load %arg5[%get3A_686, %get3A_687] {strides = array<i32>} : memref<96x32xf32, #tpu.memory_space<vmem>>, vector<16xf32>,
      %mul3A_689 = arith.mulf %get3A_688, %get3A_674 : vector<16xf32>
      %swap3A_690 = arith.constant 560 : index
      %swap3A_691 = tpu.vector_load %arg8[%swap3A_690] {strides = array<i32>} : memref<1024xf32, #tpu.memory_space<vmem>>, vector<16xf32>,
      tpu.vector_store %arg8[%swap3A_690], %mul3A_689 {strides = array<i32>} : memref<1024xf32, #tpu.memory_space<vmem>>, vector<16xf32>,
      %get3A_692 = arith.constant 0 : index
      %get3A_693 = tpu.vector_load %arg6[%get3A_692] {strides = array<i32>} : memref<64xf32, #tpu.memory_space<vmem>>, vector<16xf32>,
      %get3A_694 = arith.constant 32 : index
      %get3A_695 = tpu.vector_load %arg6[%get3A_694] {strides = array<i32>} : memref<64xf32, #tpu.memory_space<vmem>>, vector<16xf32>,
      %get3A_696 = arith.constant 18 : i32
      %get3A_697 = arith.index_cast %get3A_696 : i32 to index
      %get3A_698 = arith.constant 0 : index
      %get3A_699 = tpu.vector_load %arg5[%get3A_697, %get3A_698] {strides = array<i32>} : memref<96x32xf32, #tpu.memory_space<vmem>>, vector<16xf32>,
      %mul3A_700 = arith.mulf %get3A_699, %get3A_693 : vector<16xf32>
      %add3A_701 = arith.addf %mul3A_700, %get3A_695 : vector<16xf32>
      %swap3A_702 = arith.constant 576 : index
      %swap3A_703 = tpu.vector_load %arg7[%swap3A_702] {strides = array<i32>} : memref<1024xf32, #tpu.memory_space<vmem>>, vector<16xf32>,
      tpu.vector_store %arg7[%swap3A_702], %add3A_701 {strides = array<i32>} : memref<1024xf32, #tpu.memory_space<vmem>>, vector<16xf32>,
      %get3A_704 = arith.constant 50 : i32
      %get3A_705 = arith.index_cast %get3A_704 : i32 to index
      %get3A_706 = arith.constant 0 : index
      %get3A_707 = tpu.vector_load %arg5[%get3A_705, %get3A_706] {strides = array<i32>} : memref<96x32xf32, #tpu.memory_space<vmem>>, vector<16xf32>,
      %mul3A_708 = arith.mulf %get3A_707, %get3A_693 : vector<16xf32>
      %swap3A_709 = arith.constant 576 : index
      %swap3A_710 = tpu.vector_load %arg8[%swap3A_709] {strides = array<i32>} : memref<1024xf32, #tpu.memory_space<vmem>>, vector<16xf32>,
      tpu.vector_store %arg8[%swap3A_709], %mul3A_708 {strides = array<i32>} : memref<1024xf32, #tpu.memory_space<vmem>>, vector<16xf32>,
      %get3A_711 = arith.constant 16 : index
      %get3A_712 = tpu.vector_load %arg6[%get3A_711] {strides = array<i32>} : memref<64xf32, #tpu.memory_space<vmem>>, vector<16xf32>,
      %get3A_713 = arith.constant 48 : index
      %get3A_714 = tpu.vector_load %arg6[%get3A_713] {strides = array<i32>} : memref<64xf32, #tpu.memory_space<vmem>>, vector<16xf32>,
      %get3A_715 = arith.constant 18 : i32
      %get3A_716 = arith.index_cast %get3A_715 : i32 to index
      %get3A_717 = arith.constant 16 : index
      %get3A_718 = tpu.vector_load %arg5[%get3A_716, %get3A_717] {strides = array<i32>} : memref<96x32xf32, #tpu.memory_space<vmem>>, vector<16xf32>,
      %mul3A_719 = arith.mulf %get3A_718, %get3A_712 : vector<16xf32>
      %add3A_720 = arith.addf %mul3A_719, %get3A_714 : vector<16xf32>
      %swap3A_721 = arith.constant 592 : index
      %swap3A_722 = tpu.vector_load %arg7[%swap3A_721] {strides = array<i32>} : memref<1024xf32, #tpu.memory_space<vmem>>, vector<16xf32>,
      tpu.vector_store %arg7[%swap3A_721], %add3A_720 {strides = array<i32>} : memref<1024xf32, #tpu.memory_space<vmem>>, vector<16xf32>,
      %get3A_723 = arith.constant 50 : i32
      %get3A_724 = arith.index_cast %get3A_723 : i32 to index
      %get3A_725 = arith.constant 16 : index
      %get3A_726 = tpu.vector_load %arg5[%get3A_724, %get3A_725] {strides = array<i32>} : memref<96x32xf32, #tpu.memory_space<vmem>>, vector<16xf32>,
      %mul3A_727 = arith.mulf %get3A_726, %get3A_712 : vector<16xf32>
      %swap3A_728 = arith.constant 592 : index
      %swap3A_729 = tpu.vector_load %arg8[%swap3A_728] {strides = array<i32>} : memref<1024xf32, #tpu.memory_space<vmem>>, vector<16xf32>,
      tpu.vector_store %arg8[%swap3A_728], %mul3A_727 {strides = array<i32>} : memref<1024xf32, #tpu.memory_space<vmem>>, vector<16xf32>,
      %get3A_730 = arith.constant 0 : index
      %get3A_731 = tpu.vector_load %arg6[%get3A_730] {strides = array<i32>} : memref<64xf32, #tpu.memory_space<vmem>>, vector<16xf32>,
      %get3A_732 = arith.constant 32 : index
      %get3A_733 = tpu.vector_load %arg6[%get3A_732] {strides = array<i32>} : memref<64xf32, #tpu.memory_space<vmem>>, vector<16xf32>,
      %get3A_734 = arith.constant 19 : i32
      %get3A_735 = arith.index_cast %get3A_734 : i32 to index
      %get3A_736 = arith.constant 0 : index
      %get3A_737 = tpu.vector_load %arg5[%get3A_735, %get3A_736] {strides = array<i32>} : memref<96x32xf32, #tpu.memory_space<vmem>>, vector<16xf32>,
      %mul3A_738 = arith.mulf %get3A_737, %get3A_731 : vector<16xf32>
      %add3A_739 = arith.addf %mul3A_738, %get3A_733 : vector<16xf32>
      %swap3A_740 = arith.constant 608 : index
      %swap3A_741 = tpu.vector_load %arg7[%swap3A_740] {strides = array<i32>} : memref<1024xf32, #tpu.memory_space<vmem>>, vector<16xf32>,
      tpu.vector_store %arg7[%swap3A_740], %add3A_739 {strides = array<i32>} : memref<1024xf32, #tpu.memory_space<vmem>>, vector<16xf32>,
      %get3A_742 = arith.constant 51 : i32
      %get3A_743 = arith.index_cast %get3A_742 : i32 to index
      %get3A_744 = arith.constant 0 : index
      %get3A_745 = tpu.vector_load %arg5[%get3A_743, %get3A_744] {strides = array<i32>} : memref<96x32xf32, #tpu.memory_space<vmem>>, vector<16xf32>,
      %mul3A_746 = arith.mulf %get3A_745, %get3A_731 : vector<16xf32>
      %swap3A_747 = arith.constant 608 : index
      %swap3A_748 = tpu.vector_load %arg8[%swap3A_747] {strides = array<i32>} : memref<1024xf32, #tpu.memory_space<vmem>>, vector<16xf32>,
      tpu.vector_store %arg8[%swap3A_747], %mul3A_746 {strides = array<i32>} : memref<1024xf32, #tpu.memory_space<vmem>>, vector<16xf32>,
      %get3A_749 = arith.constant 16 : index
      %get3A_750 = tpu.vector_load %arg6[%get3A_749] {strides = array<i32>} : memref<64xf32, #tpu.memory_space<vmem>>, vector<16xf32>,
      %get3A_751 = arith.constant 48 : index
      %get3A_752 = tpu.vector_load %arg6[%get3A_751] {strides = array<i32>} : memref<64xf32, #tpu.memory_space<vmem>>, vector<16xf32>,
      %get3A_753 = arith.constant 19 : i32
      %get3A_754 = arith.index_cast %get3A_753 : i32 to index
      %get3A_755 = arith.constant 16 : index
      %get3A_756 = tpu.vector_load %arg5[%get3A_754, %get3A_755] {strides = array<i32>} : memref<96x32xf32, #tpu.memory_space<vmem>>, vector<16xf32>,
      %mul3A_757 = arith.mulf %get3A_756, %get3A_750 : vector<16xf32>
      %add3A_758 = arith.addf %mul3A_757, %get3A_752 : vector<16xf32>
      %swap3A_759 = arith.constant 624 : index
      %swap3A_760 = tpu.vector_load %arg7[%swap3A_759] {strides = array<i32>} : memref<1024xf32, #tpu.memory_space<vmem>>, vector<16xf32>,
      tpu.vector_store %arg7[%swap3A_759], %add3A_758 {strides = array<i32>} : memref<1024xf32, #tpu.memory_space<vmem>>, vector<16xf32>,
      %get3A_761 = arith.constant 51 : i32
      %get3A_762 = arith.index_cast %get3A_761 : i32 to index
      %get3A_763 = arith.constant 16 : index
      %get3A_764 = tpu.vector_load %arg5[%get3A_762, %get3A_763] {strides = array<i32>} : memref<96x32xf32, #tpu.memory_space<vmem>>, vector<16xf32>,
      %mul3A_765 = arith.mulf %get3A_764, %get3A_750 : vector<16xf32>
      %swap3A_766 = arith.constant 624 : index
      %swap3A_767 = tpu.vector_load %arg8[%swap3A_766] {strides = array<i32>} : memref<1024xf32, #tpu.memory_space<vmem>>, vector<16xf32>,
      tpu.vector_store %arg8[%swap3A_766], %mul3A_765 {strides = array<i32>} : memref<1024xf32, #tpu.memory_space<vmem>>, vector<16xf32>,
      %get3A_768 = arith.constant 0 : index
      %get3A_769 = tpu.vector_load %arg6[%get3A_768] {strides = array<i32>} : memref<64xf32, #tpu.memory_space<vmem>>, vector<16xf32>,
      %get3A_770 = arith.constant 32 : index
      %get3A_771 = tpu.vector_load %arg6[%get3A_770] {strides = array<i32>} : memref<64xf32, #tpu.memory_space<vmem>>, vector<16xf32>,
      %get3A_772 = arith.constant 20 : i32
      %get3A_773 = arith.index_cast %get3A_772 : i32 to index
      %get3A_774 = arith.constant 0 : index
      %get3A_775 = tpu.vector_load %arg5[%get3A_773, %get3A_774] {strides = array<i32>} : memref<96x32xf32, #tpu.memory_space<vmem>>, vector<16xf32>,
      %mul3A_776 = arith.mulf %get3A_775, %get3A_769 : vector<16xf32>
      %add3A_777 = arith.addf %mul3A_776, %get3A_771 : vector<16xf32>
      %swap3A_778 = arith.constant 640 : index
      %swap3A_779 = tpu.vector_load %arg7[%swap3A_778] {strides = array<i32>} : memref<1024xf32, #tpu.memory_space<vmem>>, vector<16xf32>,
      tpu.vector_store %arg7[%swap3A_778], %add3A_777 {strides = array<i32>} : memref<1024xf32, #tpu.memory_space<vmem>>, vector<16xf32>,
      %get3A_780 = arith.constant 52 : i32
      %get3A_781 = arith.index_cast %get3A_780 : i32 to index
      %get3A_782 = arith.constant 0 : index
      %get3A_783 = tpu.vector_load %arg5[%get3A_781, %get3A_782] {strides = array<i32>} : memref<96x32xf32, #tpu.memory_space<vmem>>, vector<16xf32>,
      %mul3A_784 = arith.mulf %get3A_783, %get3A_769 : vector<16xf32>
      %swap3A_785 = arith.constant 640 : index
      %swap3A_786 = tpu.vector_load %arg8[%swap3A_785] {strides = array<i32>} : memref<1024xf32, #tpu.memory_space<vmem>>, vector<16xf32>,
      tpu.vector_store %arg8[%swap3A_785], %mul3A_784 {strides = array<i32>} : memref<1024xf32, #tpu.memory_space<vmem>>, vector<16xf32>,
      %get3A_787 = arith.constant 16 : index
      %get3A_788 = tpu.vector_load %arg6[%get3A_787] {strides = array<i32>} : memref<64xf32, #tpu.memory_space<vmem>>, vector<16xf32>,
      %get3A_789 = arith.constant 48 : index
      %get3A_790 = tpu.vector_load %arg6[%get3A_789] {strides = array<i32>} : memref<64xf32, #tpu.memory_space<vmem>>, vector<16xf32>,
      %get3A_791 = arith.constant 20 : i32
      %get3A_792 = arith.index_cast %get3A_791 : i32 to index
      %get3A_793 = arith.constant 16 : index
      %get3A_794 = tpu.vector_load %arg5[%get3A_792, %get3A_793] {strides = array<i32>} : memref<96x32xf32, #tpu.memory_space<vmem>>, vector<16xf32>,
      %mul3A_795 = arith.mulf %get3A_794, %get3A_788 : vector<16xf32>
      %add3A_796 = arith.addf %mul3A_795, %get3A_790 : vector<16xf32>
      %swap3A_797 = arith.constant 656 : index
      %swap3A_798 = tpu.vector_load %arg7[%swap3A_797] {strides = array<i32>} : memref<1024xf32, #tpu.memory_space<vmem>>, vector<16xf32>,
      tpu.vector_store %arg7[%swap3A_797], %add3A_796 {strides = array<i32>} : memref<1024xf32, #tpu.memory_space<vmem>>, vector<16xf32>,
      %get3A_799 = arith.constant 52 : i32
      %get3A_800 = arith.index_cast %get3A_799 : i32 to index
      %get3A_801 = arith.constant 16 : index
      %get3A_802 = tpu.vector_load %arg5[%get3A_800, %get3A_801] {strides = array<i32>} : memref<96x32xf32, #tpu.memory_space<vmem>>, vector<16xf32>,
      %mul3A_803 = arith.mulf %get3A_802, %get3A_788 : vector<16xf32>
      %swap3A_804 = arith.constant 656 : index
      %swap3A_805 = tpu.vector_load %arg8[%swap3A_804] {strides = array<i32>} : memref<1024xf32, #tpu.memory_space<vmem>>, vector<16xf32>,
      tpu.vector_store %arg8[%swap3A_804], %mul3A_803 {strides = array<i32>} : memref<1024xf32, #tpu.memory_space<vmem>>, vector<16xf32>,
      %get3A_806 = arith.constant 0 : index
      %get3A_807 = tpu.vector_load %arg6[%get3A_806] {strides = array<i32>} : memref<64xf32, #tpu.memory_space<vmem>>, vector<16xf32>,
      %get3A_808 = arith.constant 32 : index
      %get3A_809 = tpu.vector_load %arg6[%get3A_808] {strides = array<i32>} : memref<64xf32, #tpu.memory_space<vmem>>, vector<16xf32>,
      %get3A_810 = arith.constant 21 : i32
      %get3A_811 = arith.index_cast %get3A_810 : i32 to index
      %get3A_812 = arith.constant 0 : index
      %get3A_813 = tpu.vector_load %arg5[%get3A_811, %get3A_812] {strides = array<i32>} : memref<96x32xf32, #tpu.memory_space<vmem>>, vector<16xf32>,
      %mul3A_814 = arith.mulf %get3A_813, %get3A_807 : vector<16xf32>
      %add3A_815 = arith.addf %mul3A_814, %get3A_809 : vector<16xf32>
      %swap3A_816 = arith.constant 672 : index
      %swap3A_817 = tpu.vector_load %arg7[%swap3A_816] {strides = array<i32>} : memref<1024xf32, #tpu.memory_space<vmem>>, vector<16xf32>,
      tpu.vector_store %arg7[%swap3A_816], %add3A_815 {strides = array<i32>} : memref<1024xf32, #tpu.memory_space<vmem>>, vector<16xf32>,
      %get3A_818 = arith.constant 53 : i32
      %get3A_819 = arith.index_cast %get3A_818 : i32 to index
      %get3A_820 = arith.constant 0 : index
      %get3A_821 = tpu.vector_load %arg5[%get3A_819, %get3A_820] {strides = array<i32>} : memref<96x32xf32, #tpu.memory_space<vmem>>, vector<16xf32>,
      %mul3A_822 = arith.mulf %get3A_821, %get3A_807 : vector<16xf32>
      %swap3A_823 = arith.constant 672 : index
      %swap3A_824 = tpu.vector_load %arg8[%swap3A_823] {strides = array<i32>} : memref<1024xf32, #tpu.memory_space<vmem>>, vector<16xf32>,
      tpu.vector_store %arg8[%swap3A_823], %mul3A_822 {strides = array<i32>} : memref<1024xf32, #tpu.memory_space<vmem>>, vector<16xf32>,
      %get3A_825 = arith.constant 16 : index
      %get3A_826 = tpu.vector_load %arg6[%get3A_825] {strides = array<i32>} : memref<64xf32, #tpu.memory_space<vmem>>, vector<16xf32>,
      %get3A_827 = arith.constant 48 : index
      %get3A_828 = tpu.vector_load %arg6[%get3A_827] {strides = array<i32>} : memref<64xf32, #tpu.memory_space<vmem>>, vector<16xf32>,
      %get3A_829 = arith.constant 21 : i32
      %get3A_830 = arith.index_cast %get3A_829 : i32 to index
      %get3A_831 = arith.constant 16 : index
      %get3A_832 = tpu.vector_load %arg5[%get3A_830, %get3A_831] {strides = array<i32>} : memref<96x32xf32, #tpu.memory_space<vmem>>, vector<16xf32>,
      %mul3A_833 = arith.mulf %get3A_832, %get3A_826 : vector<16xf32>
      %add3A_834 = arith.addf %mul3A_833, %get3A_828 : vector<16xf32>
      %swap3A_835 = arith.constant 688 : index
      %swap3A_836 = tpu.vector_load %arg7[%swap3A_835] {strides = array<i32>} : memref<1024xf32, #tpu.memory_space<vmem>>, vector<16xf32>,
      tpu.vector_store %arg7[%swap3A_835], %add3A_834 {strides = array<i32>} : memref<1024xf32, #tpu.memory_space<vmem>>, vector<16xf32>,
      %get3A_837 = arith.constant 53 : i32
      %get3A_838 = arith.index_cast %get3A_837 : i32 to index
      %get3A_839 = arith.constant 16 : index
      %get3A_840 = tpu.vector_load %arg5[%get3A_838, %get3A_839] {strides = array<i32>} : memref<96x32xf32, #tpu.memory_space<vmem>>, vector<16xf32>,
      %mul3A_841 = arith.mulf %get3A_840, %get3A_826 : vector<16xf32>
      %swap3A_842 = arith.constant 688 : index
      %swap3A_843 = tpu.vector_load %arg8[%swap3A_842] {strides = array<i32>} : memref<1024xf32, #tpu.memory_space<vmem>>, vector<16xf32>,
      tpu.vector_store %arg8[%swap3A_842], %mul3A_841 {strides = array<i32>} : memref<1024xf32, #tpu.memory_space<vmem>>, vector<16xf32>,
      %get3A_844 = arith.constant 0 : index
      %get3A_845 = tpu.vector_load %arg6[%get3A_844] {strides = array<i32>} : memref<64xf32, #tpu.memory_space<vmem>>, vector<16xf32>,
      %get3A_846 = arith.constant 32 : index
      %get3A_847 = tpu.vector_load %arg6[%get3A_846] {strides = array<i32>} : memref<64xf32, #tpu.memory_space<vmem>>, vector<16xf32>,
      %get3A_848 = arith.constant 22 : i32
      %get3A_849 = arith.index_cast %get3A_848 : i32 to index
      %get3A_850 = arith.constant 0 : index
      %get3A_851 = tpu.vector_load %arg5[%get3A_849, %get3A_850] {strides = array<i32>} : memref<96x32xf32, #tpu.memory_space<vmem>>, vector<16xf32>,
      %mul3A_852 = arith.mulf %get3A_851, %get3A_845 : vector<16xf32>
      %add3A_853 = arith.addf %mul3A_852, %get3A_847 : vector<16xf32>
      %swap3A_854 = arith.constant 704 : index
      %swap3A_855 = tpu.vector_load %arg7[%swap3A_854] {strides = array<i32>} : memref<1024xf32, #tpu.memory_space<vmem>>, vector<16xf32>,
      tpu.vector_store %arg7[%swap3A_854], %add3A_853 {strides = array<i32>} : memref<1024xf32, #tpu.memory_space<vmem>>, vector<16xf32>,
      %get3A_856 = arith.constant 54 : i32
      %get3A_857 = arith.index_cast %get3A_856 : i32 to index
      %get3A_858 = arith.constant 0 : index
      %get3A_859 = tpu.vector_load %arg5[%get3A_857, %get3A_858] {strides = array<i32>} : memref<96x32xf32, #tpu.memory_space<vmem>>, vector<16xf32>,
      %mul3A_860 = arith.mulf %get3A_859, %get3A_845 : vector<16xf32>
      %swap3A_861 = arith.constant 704 : index
      %swap3A_862 = tpu.vector_load %arg8[%swap3A_861] {strides = array<i32>} : memref<1024xf32, #tpu.memory_space<vmem>>, vector<16xf32>,
      tpu.vector_store %arg8[%swap3A_861], %mul3A_860 {strides = array<i32>} : memref<1024xf32, #tpu.memory_space<vmem>>, vector<16xf32>,
      %get3A_863 = arith.constant 16 : index
      %get3A_864 = tpu.vector_load %arg6[%get3A_863] {strides = array<i32>} : memref<64xf32, #tpu.memory_space<vmem>>, vector<16xf32>,
      %get3A_865 = arith.constant 48 : index
      %get3A_866 = tpu.vector_load %arg6[%get3A_865] {strides = array<i32>} : memref<64xf32, #tpu.memory_space<vmem>>, vector<16xf32>,
      %get3A_867 = arith.constant 22 : i32
      %get3A_868 = arith.index_cast %get3A_867 : i32 to index
      %get3A_869 = arith.constant 16 : index
      %get3A_870 = tpu.vector_load %arg5[%get3A_868, %get3A_869] {strides = array<i32>} : memref<96x32xf32, #tpu.memory_space<vmem>>, vector<16xf32>,
      %mul3A_871 = arith.mulf %get3A_870, %get3A_864 : vector<16xf32>
      %add3A_872 = arith.addf %mul3A_871, %get3A_866 : vector<16xf32>
      %swap3A_873 = arith.constant 720 : index
      %swap3A_874 = tpu.vector_load %arg7[%swap3A_873] {strides = array<i32>} : memref<1024xf32, #tpu.memory_space<vmem>>, vector<16xf32>,
      tpu.vector_store %arg7[%swap3A_873], %add3A_872 {strides = array<i32>} : memref<1024xf32, #tpu.memory_space<vmem>>, vector<16xf32>,
      %get3A_875 = arith.constant 54 : i32
      %get3A_876 = arith.index_cast %get3A_875 : i32 to index
      %get3A_877 = arith.constant 16 : index
      %get3A_878 = tpu.vector_load %arg5[%get3A_876, %get3A_877] {strides = array<i32>} : memref<96x32xf32, #tpu.memory_space<vmem>>, vector<16xf32>,
      %mul3A_879 = arith.mulf %get3A_878, %get3A_864 : vector<16xf32>
      %swap3A_880 = arith.constant 720 : index
      %swap3A_881 = tpu.vector_load %arg8[%swap3A_880] {strides = array<i32>} : memref<1024xf32, #tpu.memory_space<vmem>>, vector<16xf32>,
      tpu.vector_store %arg8[%swap3A_880], %mul3A_879 {strides = array<i32>} : memref<1024xf32, #tpu.memory_space<vmem>>, vector<16xf32>,
      %get3A_882 = arith.constant 0 : index
      %get3A_883 = tpu.vector_load %arg6[%get3A_882] {strides = array<i32>} : memref<64xf32, #tpu.memory_space<vmem>>, vector<16xf32>,
      %get3A_884 = arith.constant 32 : index
      %get3A_885 = tpu.vector_load %arg6[%get3A_884] {strides = array<i32>} : memref<64xf32, #tpu.memory_space<vmem>>, vector<16xf32>,
      %get3A_886 = arith.constant 23 : i32
      %get3A_887 = arith.index_cast %get3A_886 : i32 to index
      %get3A_888 = arith.constant 0 : index
      %get3A_889 = tpu.vector_load %arg5[%get3A_887, %get3A_888] {strides = array<i32>} : memref<96x32xf32, #tpu.memory_space<vmem>>, vector<16xf32>,
      %mul3A_890 = arith.mulf %get3A_889, %get3A_883 : vector<16xf32>
      %add3A_891 = arith.addf %mul3A_890, %get3A_885 : vector<16xf32>
      %swap3A_892 = arith.constant 736 : index
      %swap3A_893 = tpu.vector_load %arg7[%swap3A_892] {strides = array<i32>} : memref<1024xf32, #tpu.memory_space<vmem>>, vector<16xf32>,
      tpu.vector_store %arg7[%swap3A_892], %add3A_891 {strides = array<i32>} : memref<1024xf32, #tpu.memory_space<vmem>>, vector<16xf32>,
      %get3A_894 = arith.constant 55 : i32
      %get3A_895 = arith.index_cast %get3A_894 : i32 to index
      %get3A_896 = arith.constant 0 : index
      %get3A_897 = tpu.vector_load %arg5[%get3A_895, %get3A_896] {strides = array<i32>} : memref<96x32xf32, #tpu.memory_space<vmem>>, vector<16xf32>,
      %mul3A_898 = arith.mulf %get3A_897, %get3A_883 : vector<16xf32>
      %swap3A_899 = arith.constant 736 : index
      %swap3A_900 = tpu.vector_load %arg8[%swap3A_899] {strides = array<i32>} : memref<1024xf32, #tpu.memory_space<vmem>>, vector<16xf32>,
      tpu.vector_store %arg8[%swap3A_899], %mul3A_898 {strides = array<i32>} : memref<1024xf32, #tpu.memory_space<vmem>>, vector<16xf32>,
      %get3A_901 = arith.constant 16 : index
      %get3A_902 = tpu.vector_load %arg6[%get3A_901] {strides = array<i32>} : memref<64xf32, #tpu.memory_space<vmem>>, vector<16xf32>,
      %get3A_903 = arith.constant 48 : index
      %get3A_904 = tpu.vector_load %arg6[%get3A_903] {strides = array<i32>} : memref<64xf32, #tpu.memory_space<vmem>>, vector<16xf32>,
      %get3A_905 = arith.constant 23 : i32
      %get3A_906 = arith.index_cast %get3A_905 : i32 to index
      %get3A_907 = arith.constant 16 : index
      %get3A_908 = tpu.vector_load %arg5[%get3A_906, %get3A_907] {strides = array<i32>} : memref<96x32xf32, #tpu.memory_space<vmem>>, vector<16xf32>,
      %mul3A_909 = arith.mulf %get3A_908, %get3A_902 : vector<16xf32>
      %add3A_910 = arith.addf %mul3A_909, %get3A_904 : vector<16xf32>
      %swap3A_911 = arith.constant 752 : index
      %swap3A_912 = tpu.vector_load %arg7[%swap3A_911] {strides = array<i32>} : memref<1024xf32, #tpu.memory_space<vmem>>, vector<16xf32>,
      tpu.vector_store %arg7[%swap3A_911], %add3A_910 {strides = array<i32>} : memref<1024xf32, #tpu.memory_space<vmem>>, vector<16xf32>,
      %get3A_913 = arith.constant 55 : i32
      %get3A_914 = arith.index_cast %get3A_913 : i32 to index
      %get3A_915 = arith.constant 16 : index
      %get3A_916 = tpu.vector_load %arg5[%get3A_914, %get3A_915] {strides = array<i32>} : memref<96x32xf32, #tpu.memory_space<vmem>>, vector<16xf32>,
      %mul3A_917 = arith.mulf %get3A_916, %get3A_902 : vector<16xf32>
      %swap3A_918 = arith.constant 752 : index
      %swap3A_919 = tpu.vector_load %arg8[%swap3A_918] {strides = array<i32>} : memref<1024xf32, #tpu.memory_space<vmem>>, vector<16xf32>,
      tpu.vector_store %arg8[%swap3A_918], %mul3A_917 {strides = array<i32>} : memref<1024xf32, #tpu.memory_space<vmem>>, vector<16xf32>,
      %get3A_920 = arith.constant 0 : index
      %get3A_921 = tpu.vector_load %arg6[%get3A_920] {strides = array<i32>} : memref<64xf32, #tpu.memory_space<vmem>>, vector<16xf32>,
      %get3A_922 = arith.constant 32 : index
      %get3A_923 = tpu.vector_load %arg6[%get3A_922] {strides = array<i32>} : memref<64xf32, #tpu.memory_space<vmem>>, vector<16xf32>,
      %get3A_924 = arith.constant 24 : i32
      %get3A_925 = arith.index_cast %get3A_924 : i32 to index
      %get3A_926 = arith.constant 0 : index
      %get3A_927 = tpu.vector_load %arg5[%get3A_925, %get3A_926] {strides = array<i32>} : memref<96x32xf32, #tpu.memory_space<vmem>>, vector<16xf32>,
      %mul3A_928 = arith.mulf %get3A_927, %get3A_921 : vector<16xf32>
      %add3A_929 = arith.addf %mul3A_928, %get3A_923 : vector<16xf32>
      %swap3A_930 = arith.constant 768 : index
      %swap3A_931 = tpu.vector_load %arg7[%swap3A_930] {strides = array<i32>} : memref<1024xf32, #tpu.memory_space<vmem>>, vector<16xf32>,
      tpu.vector_store %arg7[%swap3A_930], %add3A_929 {strides = array<i32>} : memref<1024xf32, #tpu.memory_space<vmem>>, vector<16xf32>,
      %get3A_932 = arith.constant 56 : i32
      %get3A_933 = arith.index_cast %get3A_932 : i32 to index
      %get3A_934 = arith.constant 0 : index
      %get3A_935 = tpu.vector_load %arg5[%get3A_933, %get3A_934] {strides = array<i32>} : memref<96x32xf32, #tpu.memory_space<vmem>>, vector<16xf32>,
      %mul3A_936 = arith.mulf %get3A_935, %get3A_921 : vector<16xf32>
      %swap3A_937 = arith.constant 768 : index
      %swap3A_938 = tpu.vector_load %arg8[%swap3A_937] {strides = array<i32>} : memref<1024xf32, #tpu.memory_space<vmem>>, vector<16xf32>,
      tpu.vector_store %arg8[%swap3A_937], %mul3A_936 {strides = array<i32>} : memref<1024xf32, #tpu.memory_space<vmem>>, vector<16xf32>,
      %get3A_939 = arith.constant 16 : index
      %get3A_940 = tpu.vector_load %arg6[%get3A_939] {strides = array<i32>} : memref<64xf32, #tpu.memory_space<vmem>>, vector<16xf32>,
      %get3A_941 = arith.constant 48 : index
      %get3A_942 = tpu.vector_load %arg6[%get3A_941] {strides = array<i32>} : memref<64xf32, #tpu.memory_space<vmem>>, vector<16xf32>,
      %get3A_943 = arith.constant 24 : i32
      %get3A_944 = arith.index_cast %get3A_943 : i32 to index
      %get3A_945 = arith.constant 16 : index
      %get3A_946 = tpu.vector_load %arg5[%get3A_944, %get3A_945] {strides = array<i32>} : memref<96x32xf32, #tpu.memory_space<vmem>>, vector<16xf32>,
      %mul3A_947 = arith.mulf %get3A_946, %get3A_940 : vector<16xf32>
      %add3A_948 = arith.addf %mul3A_947, %get3A_942 : vector<16xf32>
      %swap3A_949 = arith.constant 784 : index
      %swap3A_950 = tpu.vector_load %arg7[%swap3A_949] {strides = array<i32>} : memref<1024xf32, #tpu.memory_space<vmem>>, vector<16xf32>,
      tpu.vector_store %arg7[%swap3A_949], %add3A_948 {strides = array<i32>} : memref<1024xf32, #tpu.memory_space<vmem>>, vector<16xf32>,
      %get3A_951 = arith.constant 56 : i32
      %get3A_952 = arith.index_cast %get3A_951 : i32 to index
      %get3A_953 = arith.constant 16 : index
      %get3A_954 = tpu.vector_load %arg5[%get3A_952, %get3A_953] {strides = array<i32>} : memref<96x32xf32, #tpu.memory_space<vmem>>, vector<16xf32>,
      %mul3A_955 = arith.mulf %get3A_954, %get3A_940 : vector<16xf32>
      %swap3A_956 = arith.constant 784 : index
      %swap3A_957 = tpu.vector_load %arg8[%swap3A_956] {strides = array<i32>} : memref<1024xf32, #tpu.memory_space<vmem>>, vector<16xf32>,
      tpu.vector_store %arg8[%swap3A_956], %mul3A_955 {strides = array<i32>} : memref<1024xf32, #tpu.memory_space<vmem>>, vector<16xf32>,
      %get3A_958 = arith.constant 0 : index
      %get3A_959 = tpu.vector_load %arg6[%get3A_958] {strides = array<i32>} : memref<64xf32, #tpu.memory_space<vmem>>, vector<16xf32>,
      %get3A_960 = arith.constant 32 : index
      %get3A_961 = tpu.vector_load %arg6[%get3A_960] {strides = array<i32>} : memref<64xf32, #tpu.memory_space<vmem>>, vector<16xf32>,
      %get3A_962 = arith.constant 25 : i32
      %get3A_963 = arith.index_cast %get3A_962 : i32 to index
      %get3A_964 = arith.constant 0 : index
      %get3A_965 = tpu.vector_load %arg5[%get3A_963, %get3A_964] {strides = array<i32>} : memref<96x32xf32, #tpu.memory_space<vmem>>, vector<16xf32>,
      %mul3A_966 = arith.mulf %get3A_965, %get3A_959 : vector<16xf32>
      %add3A_967 = arith.addf %mul3A_966, %get3A_961 : vector<16xf32>
      %swap3A_968 = arith.constant 800 : index
      %swap3A_969 = tpu.vector_load %arg7[%swap3A_968] {strides = array<i32>} : memref<1024xf32, #tpu.memory_space<vmem>>, vector<16xf32>,
      tpu.vector_store %arg7[%swap3A_968], %add3A_967 {strides = array<i32>} : memref<1024xf32, #tpu.memory_space<vmem>>, vector<16xf32>,
      %get3A_970 = arith.constant 57 : i32
      %get3A_971 = arith.index_cast %get3A_970 : i32 to index
      %get3A_972 = arith.constant 0 : index
      %get3A_973 = tpu.vector_load %arg5[%get3A_971, %get3A_972] {strides = array<i32>} : memref<96x32xf32, #tpu.memory_space<vmem>>, vector<16xf32>,
      %mul3A_974 = arith.mulf %get3A_973, %get3A_959 : vector<16xf32>
      %swap3A_975 = arith.constant 800 : index
      %swap3A_976 = tpu.vector_load %arg8[%swap3A_975] {strides = array<i32>} : memref<1024xf32, #tpu.memory_space<vmem>>, vector<16xf32>,
      tpu.vector_store %arg8[%swap3A_975], %mul3A_974 {strides = array<i32>} : memref<1024xf32, #tpu.memory_space<vmem>>, vector<16xf32>,
      %get3A_977 = arith.constant 16 : index
      %get3A_978 = tpu.vector_load %arg6[%get3A_977] {strides = array<i32>} : memref<64xf32, #tpu.memory_space<vmem>>, vector<16xf32>,
      %get3A_979 = arith.constant 48 : index
      %get3A_980 = tpu.vector_load %arg6[%get3A_979] {strides = array<i32>} : memref<64xf32, #tpu.memory_space<vmem>>, vector<16xf32>,
      %get3A_981 = arith.constant 25 : i32
      %get3A_982 = arith.index_cast %get3A_981 : i32 to index
      %get3A_983 = arith.constant 16 : index
      %get3A_984 = tpu.vector_load %arg5[%get3A_982, %get3A_983] {strides = array<i32>} : memref<96x32xf32, #tpu.memory_space<vmem>>, vector<16xf32>,
      %mul3A_985 = arith.mulf %get3A_984, %get3A_978 : vector<16xf32>
      %add3A_986 = arith.addf %mul3A_985, %get3A_980 : vector<16xf32>
      %swap3A_987 = arith.constant 816 : index
      %swap3A_988 = tpu.vector_load %arg7[%swap3A_987] {strides = array<i32>} : memref<1024xf32, #tpu.memory_space<vmem>>, vector<16xf32>,
      tpu.vector_store %arg7[%swap3A_987], %add3A_986 {strides = array<i32>} : memref<1024xf32, #tpu.memory_space<vmem>>, vector<16xf32>,
      %get3A_989 = arith.constant 57 : i32
      %get3A_990 = arith.index_cast %get3A_989 : i32 to index
      %get3A_991 = arith.constant 16 : index
      %get3A_992 = tpu.vector_load %arg5[%get3A_990, %get3A_991] {strides = array<i32>} : memref<96x32xf32, #tpu.memory_space<vmem>>, vector<16xf32>,
      %mul3A_993 = arith.mulf %get3A_992, %get3A_978 : vector<16xf32>
      %swap3A_994 = arith.constant 816 : index
      %swap3A_995 = tpu.vector_load %arg8[%swap3A_994] {strides = array<i32>} : memref<1024xf32, #tpu.memory_space<vmem>>, vector<16xf32>,
      tpu.vector_store %arg8[%swap3A_994], %mul3A_993 {strides = array<i32>} : memref<1024xf32, #tpu.memory_space<vmem>>, vector<16xf32>,
      %get3A_996 = arith.constant 0 : index
      %get3A_997 = tpu.vector_load %arg6[%get3A_996] {strides = array<i32>} : memref<64xf32, #tpu.memory_space<vmem>>, vector<16xf32>,
      %get3A_998 = arith.constant 32 : index
      %get3A_999 = tpu.vector_load %arg6[%get3A_998] {strides = array<i32>} : memref<64xf32, #tpu.memory_space<vmem>>, vector<16xf32>,
      %get3A_1000 = arith.constant 26 : i32
      %get3A_1001 = arith.index_cast %get3A_1000 : i32 to index
      %get3A_1002 = arith.constant 0 : index
      %get3A_1003 = tpu.vector_load %arg5[%get3A_1001, %get3A_1002] {strides = array<i32>} : memref<96x32xf32, #tpu.memory_space<vmem>>, vector<16xf32>,
      %mul3A_1004 = arith.mulf %get3A_1003, %get3A_997 : vector<16xf32>
      %add3A_1005 = arith.addf %mul3A_1004, %get3A_999 : vector<16xf32>
      %swap3A_1006 = arith.constant 832 : index
      %swap3A_1007 = tpu.vector_load %arg7[%swap3A_1006] {strides = array<i32>} : memref<1024xf32, #tpu.memory_space<vmem>>, vector<16xf32>,
      tpu.vector_store %arg7[%swap3A_1006], %add3A_1005 {strides = array<i32>} : memref<1024xf32, #tpu.memory_space<vmem>>, vector<16xf32>,
      %get3A_1008 = arith.constant 58 : i32
      %get3A_1009 = arith.index_cast %get3A_1008 : i32 to index
      %get3A_1010 = arith.constant 0 : index
      %get3A_1011 = tpu.vector_load %arg5[%get3A_1009, %get3A_1010] {strides = array<i32>} : memref<96x32xf32, #tpu.memory_space<vmem>>, vector<16xf32>,
      %mul3A_1012 = arith.mulf %get3A_1011, %get3A_997 : vector<16xf32>
      %swap3A_1013 = arith.constant 832 : index
      %swap3A_1014 = tpu.vector_load %arg8[%swap3A_1013] {strides = array<i32>} : memref<1024xf32, #tpu.memory_space<vmem>>, vector<16xf32>,
      tpu.vector_store %arg8[%swap3A_1013], %mul3A_1012 {strides = array<i32>} : memref<1024xf32, #tpu.memory_space<vmem>>, vector<16xf32>,
      %get3A_1015 = arith.constant 16 : index
      %get3A_1016 = tpu.vector_load %arg6[%get3A_1015] {strides = array<i32>} : memref<64xf32, #tpu.memory_space<vmem>>, vector<16xf32>,
      %get3A_1017 = arith.constant 48 : index
      %get3A_1018 = tpu.vector_load %arg6[%get3A_1017] {strides = array<i32>} : memref<64xf32, #tpu.memory_space<vmem>>, vector<16xf32>,
      %get3A_1019 = arith.constant 26 : i32
      %get3A_1020 = arith.index_cast %get3A_1019 : i32 to index
      %get3A_1021 = arith.constant 16 : index
      %get3A_1022 = tpu.vector_load %arg5[%get3A_1020, %get3A_1021] {strides = array<i32>} : memref<96x32xf32, #tpu.memory_space<vmem>>, vector<16xf32>,
      %mul3A_1023 = arith.mulf %get3A_1022, %get3A_1016 : vector<16xf32>
      %add3A_1024 = arith.addf %mul3A_1023, %get3A_1018 : vector<16xf32>
      %swap3A_1025 = arith.constant 848 : index
      %swap3A_1026 = tpu.vector_load %arg7[%swap3A_1025] {strides = array<i32>} : memref<1024xf32, #tpu.memory_space<vmem>>, vector<16xf32>,
      tpu.vector_store %arg7[%swap3A_1025], %add3A_1024 {strides = array<i32>} : memref<1024xf32, #tpu.memory_space<vmem>>, vector<16xf32>,
      %get3A_1027 = arith.constant 58 : i32
      %get3A_1028 = arith.index_cast %get3A_1027 : i32 to index
      %get3A_1029 = arith.constant 16 : index
      %get3A_1030 = tpu.vector_load %arg5[%get3A_1028, %get3A_1029] {strides = array<i32>} : memref<96x32xf32, #tpu.memory_space<vmem>>, vector<16xf32>,
      %mul3A_1031 = arith.mulf %get3A_1030, %get3A_1016 : vector<16xf32>
      %swap3A_1032 = arith.constant 848 : index
      %swap3A_1033 = tpu.vector_load %arg8[%swap3A_1032] {strides = array<i32>} : memref<1024xf32, #tpu.memory_space<vmem>>, vector<16xf32>,
      tpu.vector_store %arg8[%swap3A_1032], %mul3A_1031 {strides = array<i32>} : memref<1024xf32, #tpu.memory_space<vmem>>, vector<16xf32>,
      %get3A_1034 = arith.constant 0 : index
      %get3A_1035 = tpu.vector_load %arg6[%get3A_1034] {strides = array<i32>} : memref<64xf32, #tpu.memory_space<vmem>>, vector<16xf32>,
      %get3A_1036 = arith.constant 32 : index
      %get3A_1037 = tpu.vector_load %arg6[%get3A_1036] {strides = array<i32>} : memref<64xf32, #tpu.memory_space<vmem>>, vector<16xf32>,
      %get3A_1038 = arith.constant 27 : i32
      %get3A_1039 = arith.index_cast %get3A_1038 : i32 to index
      %get3A_1040 = arith.constant 0 : index
      %get3A_1041 = tpu.vector_load %arg5[%get3A_1039, %get3A_1040] {strides = array<i32>} : memref<96x32xf32, #tpu.memory_space<vmem>>, vector<16xf32>,
      %mul3A_1042 = arith.mulf %get3A_1041, %get3A_1035 : vector<16xf32>
      %add3A_1043 = arith.addf %mul3A_1042, %get3A_1037 : vector<16xf32>
      %swap3A_1044 = arith.constant 864 : index
      %swap3A_1045 = tpu.vector_load %arg7[%swap3A_1044] {strides = array<i32>} : memref<1024xf32, #tpu.memory_space<vmem>>, vector<16xf32>,
      tpu.vector_store %arg7[%swap3A_1044], %add3A_1043 {strides = array<i32>} : memref<1024xf32, #tpu.memory_space<vmem>>, vector<16xf32>,
      %get3A_1046 = arith.constant 59 : i32
      %get3A_1047 = arith.index_cast %get3A_1046 : i32 to index
      %get3A_1048 = arith.constant 0 : index
      %get3A_1049 = tpu.vector_load %arg5[%get3A_1047, %get3A_1048] {strides = array<i32>} : memref<96x32xf32, #tpu.memory_space<vmem>>, vector<16xf32>,
      %mul3A_1050 = arith.mulf %get3A_1049, %get3A_1035 : vector<16xf32>
      %swap3A_1051 = arith.constant 864 : index
      %swap3A_1052 = tpu.vector_load %arg8[%swap3A_1051] {strides = array<i32>} : memref<1024xf32, #tpu.memory_space<vmem>>, vector<16xf32>,
      tpu.vector_store %arg8[%swap3A_1051], %mul3A_1050 {strides = array<i32>} : memref<1024xf32, #tpu.memory_space<vmem>>, vector<16xf32>,
      %get3A_1053 = arith.constant 16 : index
      %get3A_1054 = tpu.vector_load %arg6[%get3A_1053] {strides = array<i32>} : memref<64xf32, #tpu.memory_space<vmem>>, vector<16xf32>,
      %get3A_1055 = arith.constant 48 : index
      %get3A_1056 = tpu.vector_load %arg6[%get3A_1055] {strides = array<i32>} : memref<64xf32, #tpu.memory_space<vmem>>, vector<16xf32>,
      %get3A_1057 = arith.constant 27 : i32
      %get3A_1058 = arith.index_cast %get3A_1057 : i32 to index
      %get3A_1059 = arith.constant 16 : index
      %get3A_1060 = tpu.vector_load %arg5[%get3A_1058, %get3A_1059] {strides = array<i32>} : memref<96x32xf32, #tpu.memory_space<vmem>>, vector<16xf32>,
      %mul3A_1061 = arith.mulf %get3A_1060, %get3A_1054 : vector<16xf32>
      %add3A_1062 = arith.addf %mul3A_1061, %get3A_1056 : vector<16xf32>
      %swap3A_1063 = arith.constant 880 : index
      %swap3A_1064 = tpu.vector_load %arg7[%swap3A_1063] {strides = array<i32>} : memref<1024xf32, #tpu.memory_space<vmem>>, vector<16xf32>,
      tpu.vector_store %arg7[%swap3A_1063], %add3A_1062 {strides = array<i32>} : memref<1024xf32, #tpu.memory_space<vmem>>, vector<16xf32>,
      %get3A_1065 = arith.constant 59 : i32
      %get3A_1066 = arith.index_cast %get3A_1065 : i32 to index
      %get3A_1067 = arith.constant 16 : index
      %get3A_1068 = tpu.vector_load %arg5[%get3A_1066, %get3A_1067] {strides = array<i32>} : memref<96x32xf32, #tpu.memory_space<vmem>>, vector<16xf32>,
      %mul3A_1069 = arith.mulf %get3A_1068, %get3A_1054 : vector<16xf32>
      %swap3A_1070 = arith.constant 880 : index
      %swap3A_1071 = tpu.vector_load %arg8[%swap3A_1070] {strides = array<i32>} : memref<1024xf32, #tpu.memory_space<vmem>>, vector<16xf32>,
      tpu.vector_store %arg8[%swap3A_1070], %mul3A_1069 {strides = array<i32>} : memref<1024xf32, #tpu.memory_space<vmem>>, vector<16xf32>,
      %get3A_1072 = arith.constant 0 : index
      %get3A_1073 = tpu.vector_load %arg6[%get3A_1072] {strides = array<i32>} : memref<64xf32, #tpu.memory_space<vmem>>, vector<16xf32>,
      %get3A_1074 = arith.constant 32 : index
      %get3A_1075 = tpu.vector_load %arg6[%get3A_1074] {strides = array<i32>} : memref<64xf32, #tpu.memory_space<vmem>>, vector<16xf32>,
      %get3A_1076 = arith.constant 28 : i32
      %get3A_1077 = arith.index_cast %get3A_1076 : i32 to index
      %get3A_1078 = arith.constant 0 : index
      %get3A_1079 = tpu.vector_load %arg5[%get3A_1077, %get3A_1078] {strides = array<i32>} : memref<96x32xf32, #tpu.memory_space<vmem>>, vector<16xf32>,
      %mul3A_1080 = arith.mulf %get3A_1079, %get3A_1073 : vector<16xf32>
      %add3A_1081 = arith.addf %mul3A_1080, %get3A_1075 : vector<16xf32>
      %swap3A_1082 = arith.constant 896 : index
      %swap3A_1083 = tpu.vector_load %arg7[%swap3A_1082] {strides = array<i32>} : memref<1024xf32, #tpu.memory_space<vmem>>, vector<16xf32>,
      tpu.vector_store %arg7[%swap3A_1082], %add3A_1081 {strides = array<i32>} : memref<1024xf32, #tpu.memory_space<vmem>>, vector<16xf32>,
      %get3A_1084 = arith.constant 60 : i32
      %get3A_1085 = arith.index_cast %get3A_1084 : i32 to index
      %get3A_1086 = arith.constant 0 : index
      %get3A_1087 = tpu.vector_load %arg5[%get3A_1085, %get3A_1086] {strides = array<i32>} : memref<96x32xf32, #tpu.memory_space<vmem>>, vector<16xf32>,
      %mul3A_1088 = arith.mulf %get3A_1087, %get3A_1073 : vector<16xf32>
      %swap3A_1089 = arith.constant 896 : index
      %swap3A_1090 = tpu.vector_load %arg8[%swap3A_1089] {strides = array<i32>} : memref<1024xf32, #tpu.memory_space<vmem>>, vector<16xf32>,
      tpu.vector_store %arg8[%swap3A_1089], %mul3A_1088 {strides = array<i32>} : memref<1024xf32, #tpu.memory_space<vmem>>, vector<16xf32>,
      %get3A_1091 = arith.constant 16 : index
      %get3A_1092 = tpu.vector_load %arg6[%get3A_1091] {strides = array<i32>} : memref<64xf32, #tpu.memory_space<vmem>>, vector<16xf32>,
      %get3A_1093 = arith.constant 48 : index
      %get3A_1094 = tpu.vector_load %arg6[%get3A_1093] {strides = array<i32>} : memref<64xf32, #tpu.memory_space<vmem>>, vector<16xf32>,
      %get3A_1095 = arith.constant 28 : i32
      %get3A_1096 = arith.index_cast %get3A_1095 : i32 to index
      %get3A_1097 = arith.constant 16 : index
      %get3A_1098 = tpu.vector_load %arg5[%get3A_1096, %get3A_1097] {strides = array<i32>} : memref<96x32xf32, #tpu.memory_space<vmem>>, vector<16xf32>,
      %mul3A_1099 = arith.mulf %get3A_1098, %get3A_1092 : vector<16xf32>
      %add3A_1100 = arith.addf %mul3A_1099, %get3A_1094 : vector<16xf32>
      %swap3A_1101 = arith.constant 912 : index
      %swap3A_1102 = tpu.vector_load %arg7[%swap3A_1101] {strides = array<i32>} : memref<1024xf32, #tpu.memory_space<vmem>>, vector<16xf32>,
      tpu.vector_store %arg7[%swap3A_1101], %add3A_1100 {strides = array<i32>} : memref<1024xf32, #tpu.memory_space<vmem>>, vector<16xf32>,
      %get3A_1103 = arith.constant 60 : i32
      %get3A_1104 = arith.index_cast %get3A_1103 : i32 to index
      %get3A_1105 = arith.constant 16 : index
      %get3A_1106 = tpu.vector_load %arg5[%get3A_1104, %get3A_1105] {strides = array<i32>} : memref<96x32xf32, #tpu.memory_space<vmem>>, vector<16xf32>,
      %mul3A_1107 = arith.mulf %get3A_1106, %get3A_1092 : vector<16xf32>
      %swap3A_1108 = arith.constant 912 : index
      %swap3A_1109 = tpu.vector_load %arg8[%swap3A_1108] {strides = array<i32>} : memref<1024xf32, #tpu.memory_space<vmem>>, vector<16xf32>,
      tpu.vector_store %arg8[%swap3A_1108], %mul3A_1107 {strides = array<i32>} : memref<1024xf32, #tpu.memory_space<vmem>>, vector<16xf32>,
      %get3A_1110 = arith.constant 0 : index
      %get3A_1111 = tpu.vector_load %arg6[%get3A_1110] {strides = array<i32>} : memref<64xf32, #tpu.memory_space<vmem>>, vector<16xf32>,
      %get3A_1112 = arith.constant 32 : index
      %get3A_1113 = tpu.vector_load %arg6[%get3A_1112] {strides = array<i32>} : memref<64xf32, #tpu.memory_space<vmem>>, vector<16xf32>,
      %get3A_1114 = arith.constant 29 : i32
      %get3A_1115 = arith.index_cast %get3A_1114 : i32 to index
      %get3A_1116 = arith.constant 0 : index
      %get3A_1117 = tpu.vector_load %arg5[%get3A_1115, %get3A_1116] {strides = array<i32>} : memref<96x32xf32, #tpu.memory_space<vmem>>, vector<16xf32>,
      %mul3A_1118 = arith.mulf %get3A_1117, %get3A_1111 : vector<16xf32>
      %add3A_1119 = arith.addf %mul3A_1118, %get3A_1113 : vector<16xf32>
      %swap3A_1120 = arith.constant 928 : index
      %swap3A_1121 = tpu.vector_load %arg7[%swap3A_1120] {strides = array<i32>} : memref<1024xf32, #tpu.memory_space<vmem>>, vector<16xf32>,
      tpu.vector_store %arg7[%swap3A_1120], %add3A_1119 {strides = array<i32>} : memref<1024xf32, #tpu.memory_space<vmem>>, vector<16xf32>,
      %get3A_1122 = arith.constant 61 : i32
      %get3A_1123 = arith.index_cast %get3A_1122 : i32 to index
      %get3A_1124 = arith.constant 0 : index
      %get3A_1125 = tpu.vector_load %arg5[%get3A_1123, %get3A_1124] {strides = array<i32>} : memref<96x32xf32, #tpu.memory_space<vmem>>, vector<16xf32>,
      %mul3A_1126 = arith.mulf %get3A_1125, %get3A_1111 : vector<16xf32>
      %swap3A_1127 = arith.constant 928 : index
      %swap3A_1128 = tpu.vector_load %arg8[%swap3A_1127] {strides = array<i32>} : memref<1024xf32, #tpu.memory_space<vmem>>, vector<16xf32>,
      tpu.vector_store %arg8[%swap3A_1127], %mul3A_1126 {strides = array<i32>} : memref<1024xf32, #tpu.memory_space<vmem>>, vector<16xf32>,
      %get3A_1129 = arith.constant 16 : index
      %get3A_1130 = tpu.vector_load %arg6[%get3A_1129] {strides = array<i32>} : memref<64xf32, #tpu.memory_space<vmem>>, vector<16xf32>,
      %get3A_1131 = arith.constant 48 : index
      %get3A_1132 = tpu.vector_load %arg6[%get3A_1131] {strides = array<i32>} : memref<64xf32, #tpu.memory_space<vmem>>, vector<16xf32>,
      %get3A_1133 = arith.constant 29 : i32
      %get3A_1134 = arith.index_cast %get3A_1133 : i32 to index
      %get3A_1135 = arith.constant 16 : index
      %get3A_1136 = tpu.vector_load %arg5[%get3A_1134, %get3A_1135] {strides = array<i32>} : memref<96x32xf32, #tpu.memory_space<vmem>>, vector<16xf32>,
      %mul3A_1137 = arith.mulf %get3A_1136, %get3A_1130 : vector<16xf32>
      %add3A_1138 = arith.addf %mul3A_1137, %get3A_1132 : vector<16xf32>
      %swap3A_1139 = arith.constant 944 : index
      %swap3A_1140 = tpu.vector_load %arg7[%swap3A_1139] {strides = array<i32>} : memref<1024xf32, #tpu.memory_space<vmem>>, vector<16xf32>,
      tpu.vector_store %arg7[%swap3A_1139], %add3A_1138 {strides = array<i32>} : memref<1024xf32, #tpu.memory_space<vmem>>, vector<16xf32>,
      %get3A_1141 = arith.constant 61 : i32
      %get3A_1142 = arith.index_cast %get3A_1141 : i32 to index
      %get3A_1143 = arith.constant 16 : index
      %get3A_1144 = tpu.vector_load %arg5[%get3A_1142, %get3A_1143] {strides = array<i32>} : memref<96x32xf32, #tpu.memory_space<vmem>>, vector<16xf32>,
      %mul3A_1145 = arith.mulf %get3A_1144, %get3A_1130 : vector<16xf32>
      %swap3A_1146 = arith.constant 944 : index
      %swap3A_1147 = tpu.vector_load %arg8[%swap3A_1146] {strides = array<i32>} : memref<1024xf32, #tpu.memory_space<vmem>>, vector<16xf32>,
      tpu.vector_store %arg8[%swap3A_1146], %mul3A_1145 {strides = array<i32>} : memref<1024xf32, #tpu.memory_space<vmem>>, vector<16xf32>,
      %get3A_1148 = arith.constant 0 : index
      %get3A_1149 = tpu.vector_load %arg6[%get3A_1148] {strides = array<i32>} : memref<64xf32, #tpu.memory_space<vmem>>, vector<16xf32>,
      %get3A_1150 = arith.constant 32 : index
      %get3A_1151 = tpu.vector_load %arg6[%get3A_1150] {strides = array<i32>} : memref<64xf32, #tpu.memory_space<vmem>>, vector<16xf32>,
      %get3A_1152 = arith.constant 30 : i32
      %get3A_1153 = arith.index_cast %get3A_1152 : i32 to index
      %get3A_1154 = arith.constant 0 : index
      %get3A_1155 = tpu.vector_load %arg5[%get3A_1153, %get3A_1154] {strides = array<i32>} : memref<96x32xf32, #tpu.memory_space<vmem>>, vector<16xf32>,
      %mul3A_1156 = arith.mulf %get3A_1155, %get3A_1149 : vector<16xf32>
      %add3A_1157 = arith.addf %mul3A_1156, %get3A_1151 : vector<16xf32>
      %swap3A_1158 = arith.constant 960 : index
      %swap3A_1159 = tpu.vector_load %arg7[%swap3A_1158] {strides = array<i32>} : memref<1024xf32, #tpu.memory_space<vmem>>, vector<16xf32>,
      tpu.vector_store %arg7[%swap3A_1158], %add3A_1157 {strides = array<i32>} : memref<1024xf32, #tpu.memory_space<vmem>>, vector<16xf32>,
      %get3A_1160 = arith.constant 62 : i32
      %get3A_1161 = arith.index_cast %get3A_1160 : i32 to index
      %get3A_1162 = arith.constant 0 : index
      %get3A_1163 = tpu.vector_load %arg5[%get3A_1161, %get3A_1162] {strides = array<i32>} : memref<96x32xf32, #tpu.memory_space<vmem>>, vector<16xf32>,
      %mul3A_1164 = arith.mulf %get3A_1163, %get3A_1149 : vector<16xf32>
      %swap3A_1165 = arith.constant 960 : index
      %swap3A_1166 = tpu.vector_load %arg8[%swap3A_1165] {strides = array<i32>} : memref<1024xf32, #tpu.memory_space<vmem>>, vector<16xf32>,
      tpu.vector_store %arg8[%swap3A_1165], %mul3A_1164 {strides = array<i32>} : memref<1024xf32, #tpu.memory_space<vmem>>, vector<16xf32>,
      %get3A_1167 = arith.constant 16 : index
      %get3A_1168 = tpu.vector_load %arg6[%get3A_1167] {strides = array<i32>} : memref<64xf32, #tpu.memory_space<vmem>>, vector<16xf32>,
      %get3A_1169 = arith.constant 48 : index
      %get3A_1170 = tpu.vector_load %arg6[%get3A_1169] {strides = array<i32>} : memref<64xf32, #tpu.memory_space<vmem>>, vector<16xf32>,
      %get3A_1171 = arith.constant 30 : i32
      %get3A_1172 = arith.index_cast %get3A_1171 : i32 to index
      %get3A_1173 = arith.constant 16 : index
      %get3A_1174 = tpu.vector_load %arg5[%get3A_1172, %get3A_1173] {strides = array<i32>} : memref<96x32xf32, #tpu.memory_space<vmem>>, vector<16xf32>,
      %mul3A_1175 = arith.mulf %get3A_1174, %get3A_1168 : vector<16xf32>
      %add3A_1176 = arith.addf %mul3A_1175, %get3A_1170 : vector<16xf32>
      %swap3A_1177 = arith.constant 976 : index
      %swap3A_1178 = tpu.vector_load %arg7[%swap3A_1177] {strides = array<i32>} : memref<1024xf32, #tpu.memory_space<vmem>>, vector<16xf32>,
      tpu.vector_store %arg7[%swap3A_1177], %add3A_1176 {strides = array<i32>} : memref<1024xf32, #tpu.memory_space<vmem>>, vector<16xf32>,
      %get3A_1179 = arith.constant 62 : i32
      %get3A_1180 = arith.index_cast %get3A_1179 : i32 to index
      %get3A_1181 = arith.constant 16 : index
      %get3A_1182 = tpu.vector_load %arg5[%get3A_1180, %get3A_1181] {strides = array<i32>} : memref<96x32xf32, #tpu.memory_space<vmem>>, vector<16xf32>,
      %mul3A_1183 = arith.mulf %get3A_1182, %get3A_1168 : vector<16xf32>
      %swap3A_1184 = arith.constant 976 : index
      %swap3A_1185 = tpu.vector_load %arg8[%swap3A_1184] {strides = array<i32>} : memref<1024xf32, #tpu.memory_space<vmem>>, vector<16xf32>,
      tpu.vector_store %arg8[%swap3A_1184], %mul3A_1183 {strides = array<i32>} : memref<1024xf32, #tpu.memory_space<vmem>>, vector<16xf32>,
      %get3A_1186 = arith.constant 0 : index
      %get3A_1187 = tpu.vector_load %arg6[%get3A_1186] {strides = array<i32>} : memref<64xf32, #tpu.memory_space<vmem>>, vector<16xf32>,
      %get3A_1188 = arith.constant 32 : index
      %get3A_1189 = tpu.vector_load %arg6[%get3A_1188] {strides = array<i32>} : memref<64xf32, #tpu.memory_space<vmem>>, vector<16xf32>,
      %get3A_1190 = arith.constant 31 : i32
      %get3A_1191 = arith.index_cast %get3A_1190 : i32 to index
      %get3A_1192 = arith.constant 0 : index
      %get3A_1193 = tpu.vector_load %arg5[%get3A_1191, %get3A_1192] {strides = array<i32>} : memref<96x32xf32, #tpu.memory_space<vmem>>, vector<16xf32>,
      %mul3A_1194 = arith.mulf %get3A_1193, %get3A_1187 : vector<16xf32>
      %add3A_1195 = arith.addf %mul3A_1194, %get3A_1189 : vector<16xf32>
      %swap3A_1196 = arith.constant 992 : index
      %swap3A_1197 = tpu.vector_load %arg7[%swap3A_1196] {strides = array<i32>} : memref<1024xf32, #tpu.memory_space<vmem>>, vector<16xf32>,
      tpu.vector_store %arg7[%swap3A_1196], %add3A_1195 {strides = array<i32>} : memref<1024xf32, #tpu.memory_space<vmem>>, vector<16xf32>,
      %get3A_1198 = arith.constant 63 : i32
      %get3A_1199 = arith.index_cast %get3A_1198 : i32 to index
      %get3A_1200 = arith.constant 0 : index
      %get3A_1201 = tpu.vector_load %arg5[%get3A_1199, %get3A_1200] {strides = array<i32>} : memref<96x32xf32, #tpu.memory_space<vmem>>, vector<16xf32>,
      %mul3A_1202 = arith.mulf %get3A_1201, %get3A_1187 : vector<16xf32>
      %swap3A_1203 = arith.constant 992 : index
      %swap3A_1204 = tpu.vector_load %arg8[%swap3A_1203] {strides = array<i32>} : memref<1024xf32, #tpu.memory_space<vmem>>, vector<16xf32>,
      tpu.vector_store %arg8[%swap3A_1203], %mul3A_1202 {strides = array<i32>} : memref<1024xf32, #tpu.memory_space<vmem>>, vector<16xf32>,
      %get3A_1205 = arith.constant 16 : index
      %get3A_1206 = tpu.vector_load %arg6[%get3A_1205] {strides = array<i32>} : memref<64xf32, #tpu.memory_space<vmem>>, vector<16xf32>,
      %get3A_1207 = arith.constant 48 : index
      %get3A_1208 = tpu.vector_load %arg6[%get3A_1207] {strides = array<i32>} : memref<64xf32, #tpu.memory_space<vmem>>, vector<16xf32>,
      %get3A_1209 = arith.constant 31 : i32
      %get3A_1210 = arith.index_cast %get3A_1209 : i32 to index
      %get3A_1211 = arith.constant 16 : index
      %get3A_1212 = tpu.vector_load %arg5[%get3A_1210, %get3A_1211] {strides = array<i32>} : memref<96x32xf32, #tpu.memory_space<vmem>>, vector<16xf32>,
      %mul3A_1213 = arith.mulf %get3A_1212, %get3A_1206 : vector<16xf32>
      %add3A_1214 = arith.addf %mul3A_1213, %get3A_1208 : vector<16xf32>
      %swap3A_1215 = arith.constant 1008 : index
      %swap3A_1216 = tpu.vector_load %arg7[%swap3A_1215] {strides = array<i32>} : memref<1024xf32, #tpu.memory_space<vmem>>, vector<16xf32>,
      tpu.vector_store %arg7[%swap3A_1215], %add3A_1214 {strides = array<i32>} : memref<1024xf32, #tpu.memory_space<vmem>>, vector<16xf32>,
      %get3A_1217 = arith.constant 63 : i32
      %get3A_1218 = arith.index_cast %get3A_1217 : i32 to index
      %get3A_1219 = arith.constant 16 : index
      %get3A_1220 = tpu.vector_load %arg5[%get3A_1218, %get3A_1219] {strides = array<i32>} : memref<96x32xf32, #tpu.memory_space<vmem>>, vector<16xf32>,
      %mul3A_1221 = arith.mulf %get3A_1220, %get3A_1206 : vector<16xf32>
      %swap3A_1222 = arith.constant 1008 : index
      %swap3A_1223 = tpu.vector_load %arg8[%swap3A_1222] {strides = array<i32>} : memref<1024xf32, #tpu.memory_space<vmem>>, vector<16xf32>,
      tpu.vector_store %arg8[%swap3A_1222], %mul3A_1221 {strides = array<i32>} : memref<1024xf32, #tpu.memory_space<vmem>>, vector<16xf32>,
      %scan3A_1224 = arith.constant 0 : i32
      %scan3A_1225 = arith.constant 0 : i32
      %scan3A_1226 = arith.constant 32 : i32
      %scan3A_1227 = arith.addi %scan3A_1225, %scan3A_1226 : i32
      %scan3A_1228 = arith.constant 1 : i32
      scf.for %scan3A_1230 = %scan3A_1225 to %scan3A_1227 step %scan3A_1228  : i32 {
        %add3A_1231 = arith.constant 64 : i32
        %add3A_1232 = arith.addi %add3A_1231, %scan3A_1230 : i32
        %get3A_1233 = arith.index_cast %add3A_1232 : i32 to index
        %get3A_1234 = arith.constant 0 : index
        %get3A_1235 = tpu.vector_load %arg5[%get3A_1233, %get3A_1234] {strides = array<i32>} : memref<96x32xf32, #tpu.memory_space<vmem>>, vector<16xf32>,
        %convert_element_type3A = arith.fptosi %get3A_1235 : vector<16xf32> to vector<16xi32>
        %add3A_1236 = arith.constant 64 : i32
        %add3A_1237 = arith.addi %add3A_1236, %scan3A_1230 : i32
        %get3A_1238 = arith.index_cast %add3A_1237 : i32 to index
        %get3A_1239 = arith.constant 16 : index
        %get3A_1240 = tpu.vector_load %arg5[%get3A_1238, %get3A_1239] {strides = array<i32>} : memref<96x32xf32, #tpu.memory_space<vmem>>, vector<16xf32>,
        %convert_element_type3A_1241 = arith.fptosi %get3A_1240 : vector<16xf32> to vector<16xi32>
        %mul3A_1242 = arith.constant 32 : i32
        %mul3A_1243 = vector.broadcast %mul3A_1242 : i32 to vector<16xi32>
        %mul3A_1244 = arith.muli %convert_element_type3A, %mul3A_1243 : vector<16xi32>
        %mul3A_1245 = arith.constant 32 : i32
        %mul3A_1246 = vector.broadcast %mul3A_1245 : i32 to vector<16xi32>
        %mul3A_1247 = arith.muli %convert_element_type3A_1241, %mul3A_1246 : vector<16xi32>
        %mul3A_1248 = arith.constant 32 : i32
        %mul3A_1249 = arith.muli %scan3A_1230, %mul3A_1248 : i32
        %get3A_1250 = arith.index_cast %mul3A_1249 : i32 to index
        %get3A_1251 = tpu.vector_load %arg7[%get3A_1250] {strides = array<i32>} : memref<1024xf32, #tpu.memory_space<vmem>>, vector<16xf32>,
        %mul3A_1252 = arith.constant 32 : i32
        %mul3A_1253 = arith.muli %scan3A_1230, %mul3A_1252 : i32
        %add3A_1254 = arith.constant 16 : i32
        %add3A_1255 = arith.addi %mul3A_1253, %add3A_1254 : i32
        %get3A_1256 = arith.index_cast %add3A_1255 : i32 to index
        %get3A_1257 = tpu.vector_load %arg7[%get3A_1256] {strides = array<i32>} : memref<1024xf32, #tpu.memory_space<vmem>>, vector<16xf32>,
        %broadcast_in_dim3A = arith.constant 0 : i32
        %broadcast_in_dim3A_1258 = vector.broadcast %broadcast_in_dim3A : i32 to vector<16x1xi32>
        %gather3A = vector.shape_cast %broadcast_in_dim3A_1258 : vector<16x1xi32> to vector<16xi32>
        %gather3A_1259 = tpu.dynamic_gather %get3A_1251[%gather3A] in [0] : vector<16xf32>, vector<16xi32> -> vector<16xf32>
        %add3A_1260 = arith.constant 0 : i32
        %add3A_1261 = vector.broadcast %add3A_1260 : i32 to vector<16xi32>
        %add3A_1262 = arith.addi %mul3A_1244, %add3A_1261 : vector<16xi32>
        %gather3A_1263 = tpu.vector_load_idx %arg8[%add3A_1262] : memref<1024xf32, #tpu.memory_space<vmem>>[vector<16xi32>], vector<16xf32>,
        %add3A_1264 = arith.constant 0 : i32
        %add3A_1265 = vector.broadcast %add3A_1264 : i32 to vector<16xi32>
        %add3A_1266 = arith.addi %mul3A_1247, %add3A_1265 : vector<16xi32>
        %gather3A_1267 = tpu.vector_load_idx %arg8[%add3A_1266] : memref<1024xf32, #tpu.memory_space<vmem>>[vector<16xi32>], vector<16xf32>,
        %add3A_1268 = arith.addf %gather3A_1263, %gather3A_1259 : vector<16xf32>
        %max3A = arith.constant 0.000000e+00 : f32
        %max3A_1269 = vector.broadcast %max3A : f32 to vector<16xf32>
        %max3A_1270 = arith.maximumf %add3A_1268, %max3A_1269 : vector<16xf32>
        %mul3A_1271 = arith.constant 32 : i32
        %mul3A_1272 = arith.muli %scan3A_1230, %mul3A_1271 : i32
        %add3A_1273 = arith.constant 0 : i32
        %add3A_1274 = arith.addi %add3A_1273, %mul3A_1272 : i32
        %swap3A_1275 = arith.index_cast %add3A_1274 : i32 to index
        %swap3A_1276 = tpu.vector_load %arg9[%swap3A_1275] {strides = array<i32>} : memref<32768xf32, #tpu.memory_space<vmem>>, vector<16xf32>,
        tpu.vector_store %arg9[%swap3A_1275], %max3A_1270 {strides = array<i32>} : memref<32768xf32, #tpu.memory_space<vmem>>, vector<16xf32>,
        %add3A_1277 = arith.addf %gather3A_1267, %gather3A_1259 : vector<16xf32>
        %max3A_1278 = arith.constant 0.000000e+00 : f32
        %max3A_1279 = vector.broadcast %max3A_1278 : f32 to vector<16xf32>
        %max3A_1280 = arith.maximumf %add3A_1277, %max3A_1279 : vector<16xf32>
        %mul3A_1281 = arith.constant 32 : i32
        %mul3A_1282 = arith.muli %scan3A_1230, %mul3A_1281 : i32
        %add3A_1283 = arith.constant 0 : i32
        %add3A_1284 = arith.addi %add3A_1283, %mul3A_1282 : i32
        %add3A_1285 = arith.constant 16 : i32
        %add3A_1286 = arith.addi %add3A_1284, %add3A_1285 : i32
        %swap3A_1287 = arith.index_cast %add3A_1286 : i32 to index
        %swap3A_1288 = tpu.vector_load %arg9[%swap3A_1287] {strides = array<i32>} : memref<32768xf32, #tpu.memory_space<vmem>>, vector<16xf32>,
        tpu.vector_store %arg9[%swap3A_1287], %max3A_1280 {strides = array<i32>} : memref<32768xf32, #tpu.memory_space<vmem>>, vector<16xf32>,
        %broadcast_in_dim3A_1289 = arith.constant 1 : i32
        %broadcast_in_dim3A_1290 = vector.broadcast %broadcast_in_dim3A_1289 : i32 to vector<16x1xi32>
        %gather3A_1291 = vector.shape_cast %broadcast_in_dim3A_1290 : vector<16x1xi32> to vector<16xi32>
        %gather3A_1292 = tpu.dynamic_gather %get3A_1251[%gather3A_1291] in [0] : vector<16xf32>, vector<16xi32> -> vector<16xf32>
        %add3A_1293 = arith.constant 1 : i32
        %add3A_1294 = vector.broadcast %add3A_1293 : i32 to vector<16xi32>
        %add3A_1295 = arith.addi %mul3A_1244, %add3A_1294 : vector<16xi32>
        %gather3A_1296 = tpu.vector_load_idx %arg8[%add3A_1295] : memref<1024xf32, #tpu.memory_space<vmem>>[vector<16xi32>], vector<16xf32>,
        %add3A_1297 = arith.constant 1 : i32
        %add3A_1298 = vector.broadcast %add3A_1297 : i32 to vector<16xi32>
        %add3A_1299 = arith.addi %mul3A_1247, %add3A_1298 : vector<16xi32>
        %gather3A_1300 = tpu.vector_load_idx %arg8[%add3A_1299] : memref<1024xf32, #tpu.memory_space<vmem>>[vector<16xi32>], vector<16xf32>,
        %add3A_1301 = arith.addf %gather3A_1296, %gather3A_1292 : vector<16xf32>
        %max3A_1302 = arith.constant 0.000000e+00 : f32
        %max3A_1303 = vector.broadcast %max3A_1302 : f32 to vector<16xf32>
        %max3A_1304 = arith.maximumf %add3A_1301, %max3A_1303 : vector<16xf32>
        %mul3A_1305 = arith.constant 32 : i32
        %mul3A_1306 = arith.muli %scan3A_1230, %mul3A_1305 : i32
        %add3A_1307 = arith.constant 1024 : i32
        %add3A_1308 = arith.addi %add3A_1307, %mul3A_1306 : i32
        %swap3A_1309 = arith.index_cast %add3A_1308 : i32 to index
        %swap3A_1310 = tpu.vector_load %arg9[%swap3A_1309] {strides = array<i32>} : memref<32768xf32, #tpu.memory_space<vmem>>, vector<16xf32>,
        tpu.vector_store %arg9[%swap3A_1309], %max3A_1304 {strides = array<i32>} : memref<32768xf32, #tpu.memory_space<vmem>>, vector<16xf32>,
        %add3A_1311 = arith.addf %gather3A_1300, %gather3A_1292 : vector<16xf32>
        %max3A_1312 = arith.constant 0.000000e+00 : f32
        %max3A_1313 = vector.broadcast %max3A_1312 : f32 to vector<16xf32>
        %max3A_1314 = arith.maximumf %add3A_1311, %max3A_1313 : vector<16xf32>
        %mul3A_1315 = arith.constant 32 : i32
        %mul3A_1316 = arith.muli %scan3A_1230, %mul3A_1315 : i32
        %add3A_1317 = arith.constant 1024 : i32
        %add3A_1318 = arith.addi %add3A_1317, %mul3A_1316 : i32
        %add3A_1319 = arith.constant 16 : i32
        %add3A_1320 = arith.addi %add3A_1318, %add3A_1319 : i32
        %swap3A_1321 = arith.index_cast %add3A_1320 : i32 to index
        %swap3A_1322 = tpu.vector_load %arg9[%swap3A_1321] {strides = array<i32>} : memref<32768xf32, #tpu.memory_space<vmem>>, vector<16xf32>,
        tpu.vector_store %arg9[%swap3A_1321], %max3A_1314 {strides = array<i32>} : memref<32768xf32, #tpu.memory_space<vmem>>, vector<16xf32>,
        %broadcast_in_dim3A_1323 = arith.constant 2 : i32
        %broadcast_in_dim3A_1324 = vector.broadcast %broadcast_in_dim3A_1323 : i32 to vector<16x1xi32>
        %gather3A_1325 = vector.shape_cast %broadcast_in_dim3A_1324 : vector<16x1xi32> to vector<16xi32>
        %gather3A_1326 = tpu.dynamic_gather %get3A_1251[%gather3A_1325] in [0] : vector<16xf32>, vector<16xi32> -> vector<16xf32>
        %add3A_1327 = arith.constant 2 : i32
        %add3A_1328 = vector.broadcast %add3A_1327 : i32 to vector<16xi32>
        %add3A_1329 = arith.addi %mul3A_1244, %add3A_1328 : vector<16xi32>
        %gather3A_1330 = tpu.vector_load_idx %arg8[%add3A_1329] : memref<1024xf32, #tpu.memory_space<vmem>>[vector<16xi32>], vector<16xf32>,
        %add3A_1331 = arith.constant 2 : i32
        %add3A_1332 = vector.broadcast %add3A_1331 : i32 to vector<16xi32>
        %add3A_1333 = arith.addi %mul3A_1247, %add3A_1332 : vector<16xi32>
        %gather3A_1334 = tpu.vector_load_idx %arg8[%add3A_1333] : memref<1024xf32, #tpu.memory_space<vmem>>[vector<16xi32>], vector<16xf32>,
        %add3A_1335 = arith.addf %gather3A_1330, %gather3A_1326 : vector<16xf32>
        %max3A_1336 = arith.constant 0.000000e+00 : f32
        %max3A_1337 = vector.broadcast %max3A_1336 : f32 to vector<16xf32>
        %max3A_1338 = arith.maximumf %add3A_1335, %max3A_1337 : vector<16xf32>
        %mul3A_1339 = arith.constant 32 : i32
        %mul3A_1340 = arith.muli %scan3A_1230, %mul3A_1339 : i32
        %add3A_1341 = arith.constant 2048 : i32
        %add3A_1342 = arith.addi %add3A_1341, %mul3A_1340 : i32
        %swap3A_1343 = arith.index_cast %add3A_1342 : i32 to index
        %swap3A_1344 = tpu.vector_load %arg9[%swap3A_1343] {strides = array<i32>} : memref<32768xf32, #tpu.memory_space<vmem>>, vector<16xf32>,
        tpu.vector_store %arg9[%swap3A_1343], %max3A_1338 {strides = array<i32>} : memref<32768xf32, #tpu.memory_space<vmem>>, vector<16xf32>,
        %add3A_1345 = arith.addf %gather3A_1334, %gather3A_1326 : vector<16xf32>
        %max3A_1346 = arith.constant 0.000000e+00 : f32
        %max3A_1347 = vector.broadcast %max3A_1346 : f32 to vector<16xf32>
        %max3A_1348 = arith.maximumf %add3A_1345, %max3A_1347 : vector<16xf32>
        %mul3A_1349 = arith.constant 32 : i32
        %mul3A_1350 = arith.muli %scan3A_1230, %mul3A_1349 : i32
        %add3A_1351 = arith.constant 2048 : i32
        %add3A_1352 = arith.addi %add3A_1351, %mul3A_1350 : i32
        %add3A_1353 = arith.constant 16 : i32
        %add3A_1354 = arith.addi %add3A_1352, %add3A_1353 : i32
        %swap3A_1355 = arith.index_cast %add3A_1354 : i32 to index
        %swap3A_1356 = tpu.vector_load %arg9[%swap3A_1355] {strides = array<i32>} : memref<32768xf32, #tpu.memory_space<vmem>>, vector<16xf32>,
        tpu.vector_store %arg9[%swap3A_1355], %max3A_1348 {strides = array<i32>} : memref<32768xf32, #tpu.memory_space<vmem>>, vector<16xf32>,
        %broadcast_in_dim3A_1357 = arith.constant 3 : i32
        %broadcast_in_dim3A_1358 = vector.broadcast %broadcast_in_dim3A_1357 : i32 to vector<16x1xi32>
        %gather3A_1359 = vector.shape_cast %broadcast_in_dim3A_1358 : vector<16x1xi32> to vector<16xi32>
        %gather3A_1360 = tpu.dynamic_gather %get3A_1251[%gather3A_1359] in [0] : vector<16xf32>, vector<16xi32> -> vector<16xf32>
        %add3A_1361 = arith.constant 3 : i32
        %add3A_1362 = vector.broadcast %add3A_1361 : i32 to vector<16xi32>
        %add3A_1363 = arith.addi %mul3A_1244, %add3A_1362 : vector<16xi32>
        %gather3A_1364 = tpu.vector_load_idx %arg8[%add3A_1363] : memref<1024xf32, #tpu.memory_space<vmem>>[vector<16xi32>], vector<16xf32>,
        %add3A_1365 = arith.constant 3 : i32
        %add3A_1366 = vector.broadcast %add3A_1365 : i32 to vector<16xi32>
        %add3A_1367 = arith.addi %mul3A_1247, %add3A_1366 : vector<16xi32>
        %gather3A_1368 = tpu.vector_load_idx %arg8[%add3A_1367] : memref<1024xf32, #tpu.memory_space<vmem>>[vector<16xi32>], vector<16xf32>,
        %add3A_1369 = arith.addf %gather3A_1364, %gather3A_1360 : vector<16xf32>
        %max3A_1370 = arith.constant 0.000000e+00 : f32
        %max3A_1371 = vector.broadcast %max3A_1370 : f32 to vector<16xf32>
        %max3A_1372 = arith.maximumf %add3A_1369, %max3A_1371 : vector<16xf32>
        %mul3A_1373 = arith.constant 32 : i32
        %mul3A_1374 = arith.muli %scan3A_1230, %mul3A_1373 : i32
        %add3A_1375 = arith.constant 3072 : i32
        %add3A_1376 = arith.addi %add3A_1375, %mul3A_1374 : i32
        %swap3A_1377 = arith.index_cast %add3A_1376 : i32 to index
        %swap3A_1378 = tpu.vector_load %arg9[%swap3A_1377] {strides = array<i32>} : memref<32768xf32, #tpu.memory_space<vmem>>, vector<16xf32>,
        tpu.vector_store %arg9[%swap3A_1377], %max3A_1372 {strides = array<i32>} : memref<32768xf32, #tpu.memory_space<vmem>>, vector<16xf32>,
        %add3A_1379 = arith.addf %gather3A_1368, %gather3A_1360 : vector<16xf32>
        %max3A_1380 = arith.constant 0.000000e+00 : f32
        %max3A_1381 = vector.broadcast %max3A_1380 : f32 to vector<16xf32>
        %max3A_1382 = arith.maximumf %add3A_1379, %max3A_1381 : vector<16xf32>
        %mul3A_1383 = arith.constant 32 : i32
        %mul3A_1384 = arith.muli %scan3A_1230, %mul3A_1383 : i32
        %add3A_1385 = arith.constant 3072 : i32
        %add3A_1386 = arith.addi %add3A_1385, %mul3A_1384 : i32
        %add3A_1387 = arith.constant 16 : i32
        %add3A_1388 = arith.addi %add3A_1386, %add3A_1387 : i32
        %swap3A_1389 = arith.index_cast %add3A_1388 : i32 to index
        %swap3A_1390 = tpu.vector_load %arg9[%swap3A_1389] {strides = array<i32>} : memref<32768xf32, #tpu.memory_space<vmem>>, vector<16xf32>,
        tpu.vector_store %arg9[%swap3A_1389], %max3A_1382 {strides = array<i32>} : memref<32768xf32, #tpu.memory_space<vmem>>, vector<16xf32>,
        %broadcast_in_dim3A_1391 = arith.constant 4 : i32
        %broadcast_in_dim3A_1392 = vector.broadcast %broadcast_in_dim3A_1391 : i32 to vector<16x1xi32>
        %gather3A_1393 = vector.shape_cast %broadcast_in_dim3A_1392 : vector<16x1xi32> to vector<16xi32>
        %gather3A_1394 = tpu.dynamic_gather %get3A_1251[%gather3A_1393] in [0] : vector<16xf32>, vector<16xi32> -> vector<16xf32>
        %add3A_1395 = arith.constant 4 : i32
        %add3A_1396 = vector.broadcast %add3A_1395 : i32 to vector<16xi32>
        %add3A_1397 = arith.addi %mul3A_1244, %add3A_1396 : vector<16xi32>
        %gather3A_1398 = tpu.vector_load_idx %arg8[%add3A_1397] : memref<1024xf32, #tpu.memory_space<vmem>>[vector<16xi32>], vector<16xf32>,
        %add3A_1399 = arith.constant 4 : i32
        %add3A_1400 = vector.broadcast %add3A_1399 : i32 to vector<16xi32>
        %add3A_1401 = arith.addi %mul3A_1247, %add3A_1400 : vector<16xi32>
        %gather3A_1402 = tpu.vector_load_idx %arg8[%add3A_1401] : memref<1024xf32, #tpu.memory_space<vmem>>[vector<16xi32>], vector<16xf32>,
        %add3A_1403 = arith.addf %gather3A_1398, %gather3A_1394 : vector<16xf32>
        %max3A_1404 = arith.constant 0.000000e+00 : f32
        %max3A_1405 = vector.broadcast %max3A_1404 : f32 to vector<16xf32>
        %max3A_1406 = arith.maximumf %add3A_1403, %max3A_1405 : vector<16xf32>
        %mul3A_1407 = arith.constant 32 : i32
        %mul3A_1408 = arith.muli %scan3A_1230, %mul3A_1407 : i32
        %add3A_1409 = arith.constant 4096 : i32
        %add3A_1410 = arith.addi %add3A_1409, %mul3A_1408 : i32
        %swap3A_1411 = arith.index_cast %add3A_1410 : i32 to index
        %swap3A_1412 = tpu.vector_load %arg9[%swap3A_1411] {strides = array<i32>} : memref<32768xf32, #tpu.memory_space<vmem>>, vector<16xf32>,
        tpu.vector_store %arg9[%swap3A_1411], %max3A_1406 {strides = array<i32>} : memref<32768xf32, #tpu.memory_space<vmem>>, vector<16xf32>,
        %add3A_1413 = arith.addf %gather3A_1402, %gather3A_1394 : vector<16xf32>
        %max3A_1414 = arith.constant 0.000000e+00 : f32
        %max3A_1415 = vector.broadcast %max3A_1414 : f32 to vector<16xf32>
        %max3A_1416 = arith.maximumf %add3A_1413, %max3A_1415 : vector<16xf32>
        %mul3A_1417 = arith.constant 32 : i32
        %mul3A_1418 = arith.muli %scan3A_1230, %mul3A_1417 : i32
        %add3A_1419 = arith.constant 4096 : i32
        %add3A_1420 = arith.addi %add3A_1419, %mul3A_1418 : i32
        %add3A_1421 = arith.constant 16 : i32
        %add3A_1422 = arith.addi %add3A_1420, %add3A_1421 : i32
        %swap3A_1423 = arith.index_cast %add3A_1422 : i32 to index
        %swap3A_1424 = tpu.vector_load %arg9[%swap3A_1423] {strides = array<i32>} : memref<32768xf32, #tpu.memory_space<vmem>>, vector<16xf32>,
        tpu.vector_store %arg9[%swap3A_1423], %max3A_1416 {strides = array<i32>} : memref<32768xf32, #tpu.memory_space<vmem>>, vector<16xf32>,
        %broadcast_in_dim3A_1425 = arith.constant 5 : i32
        %broadcast_in_dim3A_1426 = vector.broadcast %broadcast_in_dim3A_1425 : i32 to vector<16x1xi32>
        %gather3A_1427 = vector.shape_cast %broadcast_in_dim3A_1426 : vector<16x1xi32> to vector<16xi32>
        %gather3A_1428 = tpu.dynamic_gather %get3A_1251[%gather3A_1427] in [0] : vector<16xf32>, vector<16xi32> -> vector<16xf32>
        %add3A_1429 = arith.constant 5 : i32
        %add3A_1430 = vector.broadcast %add3A_1429 : i32 to vector<16xi32>
        %add3A_1431 = arith.addi %mul3A_1244, %add3A_1430 : vector<16xi32>
        %gather3A_1432 = tpu.vector_load_idx %arg8[%add3A_1431] : memref<1024xf32, #tpu.memory_space<vmem>>[vector<16xi32>], vector<16xf32>,
        %add3A_1433 = arith.constant 5 : i32
        %add3A_1434 = vector.broadcast %add3A_1433 : i32 to vector<16xi32>
        %add3A_1435 = arith.addi %mul3A_1247, %add3A_1434 : vector<16xi32>
        %gather3A_1436 = tpu.vector_load_idx %arg8[%add3A_1435] : memref<1024xf32, #tpu.memory_space<vmem>>[vector<16xi32>], vector<16xf32>,
        %add3A_1437 = arith.addf %gather3A_1432, %gather3A_1428 : vector<16xf32>
        %max3A_1438 = arith.constant 0.000000e+00 : f32
        %max3A_1439 = vector.broadcast %max3A_1438 : f32 to vector<16xf32>
        %max3A_1440 = arith.maximumf %add3A_1437, %max3A_1439 : vector<16xf32>
        %mul3A_1441 = arith.constant 32 : i32
        %mul3A_1442 = arith.muli %scan3A_1230, %mul3A_1441 : i32
        %add3A_1443 = arith.constant 5120 : i32
        %add3A_1444 = arith.addi %add3A_1443, %mul3A_1442 : i32
        %swap3A_1445 = arith.index_cast %add3A_1444 : i32 to index
        %swap3A_1446 = tpu.vector_load %arg9[%swap3A_1445] {strides = array<i32>} : memref<32768xf32, #tpu.memory_space<vmem>>, vector<16xf32>,
        tpu.vector_store %arg9[%swap3A_1445], %max3A_1440 {strides = array<i32>} : memref<32768xf32, #tpu.memory_space<vmem>>, vector<16xf32>,
        %add3A_1447 = arith.addf %gather3A_1436, %gather3A_1428 : vector<16xf32>
        %max3A_1448 = arith.constant 0.000000e+00 : f32
        %max3A_1449 = vector.broadcast %max3A_1448 : f32 to vector<16xf32>
        %max3A_1450 = arith.maximumf %add3A_1447, %max3A_1449 : vector<16xf32>
        %mul3A_1451 = arith.constant 32 : i32
        %mul3A_1452 = arith.muli %scan3A_1230, %mul3A_1451 : i32
        %add3A_1453 = arith.constant 5120 : i32
        %add3A_1454 = arith.addi %add3A_1453, %mul3A_1452 : i32
        %add3A_1455 = arith.constant 16 : i32
        %add3A_1456 = arith.addi %add3A_1454, %add3A_1455 : i32
        %swap3A_1457 = arith.index_cast %add3A_1456 : i32 to index
        %swap3A_1458 = tpu.vector_load %arg9[%swap3A_1457] {strides = array<i32>} : memref<32768xf32, #tpu.memory_space<vmem>>, vector<16xf32>,
        tpu.vector_store %arg9[%swap3A_1457], %max3A_1450 {strides = array<i32>} : memref<32768xf32, #tpu.memory_space<vmem>>, vector<16xf32>,
        %broadcast_in_dim3A_1459 = arith.constant 6 : i32
        %broadcast_in_dim3A_1460 = vector.broadcast %broadcast_in_dim3A_1459 : i32 to vector<16x1xi32>
        %gather3A_1461 = vector.shape_cast %broadcast_in_dim3A_1460 : vector<16x1xi32> to vector<16xi32>
        %gather3A_1462 = tpu.dynamic_gather %get3A_1251[%gather3A_1461] in [0] : vector<16xf32>, vector<16xi32> -> vector<16xf32>
        %add3A_1463 = arith.constant 6 : i32
        %add3A_1464 = vector.broadcast %add3A_1463 : i32 to vector<16xi32>
        %add3A_1465 = arith.addi %mul3A_1244, %add3A_1464 : vector<16xi32>
        %gather3A_1466 = tpu.vector_load_idx %arg8[%add3A_1465] : memref<1024xf32, #tpu.memory_space<vmem>>[vector<16xi32>], vector<16xf32>,
        %add3A_1467 = arith.constant 6 : i32
        %add3A_1468 = vector.broadcast %add3A_1467 : i32 to vector<16xi32>
        %add3A_1469 = arith.addi %mul3A_1247, %add3A_1468 : vector<16xi32>
        %gather3A_1470 = tpu.vector_load_idx %arg8[%add3A_1469] : memref<1024xf32, #tpu.memory_space<vmem>>[vector<16xi32>], vector<16xf32>,
        %add3A_1471 = arith.addf %gather3A_1466, %gather3A_1462 : vector<16xf32>
        %max3A_1472 = arith.constant 0.000000e+00 : f32
        %max3A_1473 = vector.broadcast %max3A_1472 : f32 to vector<16xf32>
        %max3A_1474 = arith.maximumf %add3A_1471, %max3A_1473 : vector<16xf32>
        %mul3A_1475 = arith.constant 32 : i32
        %mul3A_1476 = arith.muli %scan3A_1230, %mul3A_1475 : i32
        %add3A_1477 = arith.constant 6144 : i32
        %add3A_1478 = arith.addi %add3A_1477, %mul3A_1476 : i32
        %swap3A_1479 = arith.index_cast %add3A_1478 : i32 to index
        %swap3A_1480 = tpu.vector_load %arg9[%swap3A_1479] {strides = array<i32>} : memref<32768xf32, #tpu.memory_space<vmem>>, vector<16xf32>,
        tpu.vector_store %arg9[%swap3A_1479], %max3A_1474 {strides = array<i32>} : memref<32768xf32, #tpu.memory_space<vmem>>, vector<16xf32>,
        %add3A_1481 = arith.addf %gather3A_1470, %gather3A_1462 : vector<16xf32>
        %max3A_1482 = arith.constant 0.000000e+00 : f32
        %max3A_1483 = vector.broadcast %max3A_1482 : f32 to vector<16xf32>
        %max3A_1484 = arith.maximumf %add3A_1481, %max3A_1483 : vector<16xf32>
        %mul3A_1485 = arith.constant 32 : i32
        %mul3A_1486 = arith.muli %scan3A_1230, %mul3A_1485 : i32
        %add3A_1487 = arith.constant 6144 : i32
        %add3A_1488 = arith.addi %add3A_1487, %mul3A_1486 : i32
        %add3A_1489 = arith.constant 16 : i32
        %add3A_1490 = arith.addi %add3A_1488, %add3A_1489 : i32
        %swap3A_1491 = arith.index_cast %add3A_1490 : i32 to index
        %swap3A_1492 = tpu.vector_load %arg9[%swap3A_1491] {strides = array<i32>} : memref<32768xf32, #tpu.memory_space<vmem>>, vector<16xf32>,
        tpu.vector_store %arg9[%swap3A_1491], %max3A_1484 {strides = array<i32>} : memref<32768xf32, #tpu.memory_space<vmem>>, vector<16xf32>,
        %broadcast_in_dim3A_1493 = arith.constant 7 : i32
        %broadcast_in_dim3A_1494 = vector.broadcast %broadcast_in_dim3A_1493 : i32 to vector<16x1xi32>
        %gather3A_1495 = vector.shape_cast %broadcast_in_dim3A_1494 : vector<16x1xi32> to vector<16xi32>
        %gather3A_1496 = tpu.dynamic_gather %get3A_1251[%gather3A_1495] in [0] : vector<16xf32>, vector<16xi32> -> vector<16xf32>
        %add3A_1497 = arith.constant 7 : i32
        %add3A_1498 = vector.broadcast %add3A_1497 : i32 to vector<16xi32>
        %add3A_1499 = arith.addi %mul3A_1244, %add3A_1498 : vector<16xi32>
        %gather3A_1500 = tpu.vector_load_idx %arg8[%add3A_1499] : memref<1024xf32, #tpu.memory_space<vmem>>[vector<16xi32>], vector<16xf32>,
        %add3A_1501 = arith.constant 7 : i32
        %add3A_1502 = vector.broadcast %add3A_1501 : i32 to vector<16xi32>
        %add3A_1503 = arith.addi %mul3A_1247, %add3A_1502 : vector<16xi32>
        %gather3A_1504 = tpu.vector_load_idx %arg8[%add3A_1503] : memref<1024xf32, #tpu.memory_space<vmem>>[vector<16xi32>], vector<16xf32>,
        %add3A_1505 = arith.addf %gather3A_1500, %gather3A_1496 : vector<16xf32>
        %max3A_1506 = arith.constant 0.000000e+00 : f32
        %max3A_1507 = vector.broadcast %max3A_1506 : f32 to vector<16xf32>
        %max3A_1508 = arith.maximumf %add3A_1505, %max3A_1507 : vector<16xf32>
        %mul3A_1509 = arith.constant 32 : i32
        %mul3A_1510 = arith.muli %scan3A_1230, %mul3A_1509 : i32
        %add3A_1511 = arith.constant 7168 : i32
        %add3A_1512 = arith.addi %add3A_1511, %mul3A_1510 : i32
        %swap3A_1513 = arith.index_cast %add3A_1512 : i32 to index
        %swap3A_1514 = tpu.vector_load %arg9[%swap3A_1513] {strides = array<i32>} : memref<32768xf32, #tpu.memory_space<vmem>>, vector<16xf32>,
        tpu.vector_store %arg9[%swap3A_1513], %max3A_1508 {strides = array<i32>} : memref<32768xf32, #tpu.memory_space<vmem>>, vector<16xf32>,
        %add3A_1515 = arith.addf %gather3A_1504, %gather3A_1496 : vector<16xf32>
        %max3A_1516 = arith.constant 0.000000e+00 : f32
        %max3A_1517 = vector.broadcast %max3A_1516 : f32 to vector<16xf32>
        %max3A_1518 = arith.maximumf %add3A_1515, %max3A_1517 : vector<16xf32>
        %mul3A_1519 = arith.constant 32 : i32
        %mul3A_1520 = arith.muli %scan3A_1230, %mul3A_1519 : i32
        %add3A_1521 = arith.constant 7168 : i32
        %add3A_1522 = arith.addi %add3A_1521, %mul3A_1520 : i32
        %add3A_1523 = arith.constant 16 : i32
        %add3A_1524 = arith.addi %add3A_1522, %add3A_1523 : i32
        %swap3A_1525 = arith.index_cast %add3A_1524 : i32 to index
        %swap3A_1526 = tpu.vector_load %arg9[%swap3A_1525] {strides = array<i32>} : memref<32768xf32, #tpu.memory_space<vmem>>, vector<16xf32>,
        tpu.vector_store %arg9[%swap3A_1525], %max3A_1518 {strides = array<i32>} : memref<32768xf32, #tpu.memory_space<vmem>>, vector<16xf32>,
        %broadcast_in_dim3A_1527 = arith.constant 8 : i32
        %broadcast_in_dim3A_1528 = vector.broadcast %broadcast_in_dim3A_1527 : i32 to vector<16x1xi32>
        %gather3A_1529 = vector.shape_cast %broadcast_in_dim3A_1528 : vector<16x1xi32> to vector<16xi32>
        %gather3A_1530 = tpu.dynamic_gather %get3A_1251[%gather3A_1529] in [0] : vector<16xf32>, vector<16xi32> -> vector<16xf32>
        %add3A_1531 = arith.constant 8 : i32
        %add3A_1532 = vector.broadcast %add3A_1531 : i32 to vector<16xi32>
        %add3A_1533 = arith.addi %mul3A_1244, %add3A_1532 : vector<16xi32>
        %gather3A_1534 = tpu.vector_load_idx %arg8[%add3A_1533] : memref<1024xf32, #tpu.memory_space<vmem>>[vector<16xi32>], vector<16xf32>,
        %add3A_1535 = arith.constant 8 : i32
        %add3A_1536 = vector.broadcast %add3A_1535 : i32 to vector<16xi32>
        %add3A_1537 = arith.addi %mul3A_1247, %add3A_1536 : vector<16xi32>
        %gather3A_1538 = tpu.vector_load_idx %arg8[%add3A_1537] : memref<1024xf32, #tpu.memory_space<vmem>>[vector<16xi32>], vector<16xf32>,
        %add3A_1539 = arith.addf %gather3A_1534, %gather3A_1530 : vector<16xf32>
        %max3A_1540 = arith.constant 0.000000e+00 : f32
        %max3A_1541 = vector.broadcast %max3A_1540 : f32 to vector<16xf32>
        %max3A_1542 = arith.maximumf %add3A_1539, %max3A_1541 : vector<16xf32>
        %mul3A_1543 = arith.constant 32 : i32
        %mul3A_1544 = arith.muli %scan3A_1230, %mul3A_1543 : i32
        %add3A_1545 = arith.constant 8192 : i32
        %add3A_1546 = arith.addi %add3A_1545, %mul3A_1544 : i32
        %swap3A_1547 = arith.index_cast %add3A_1546 : i32 to index
        %swap3A_1548 = tpu.vector_load %arg9[%swap3A_1547] {strides = array<i32>} : memref<32768xf32, #tpu.memory_space<vmem>>, vector<16xf32>,
        tpu.vector_store %arg9[%swap3A_1547], %max3A_1542 {strides = array<i32>} : memref<32768xf32, #tpu.memory_space<vmem>>, vector<16xf32>,
        %add3A_1549 = arith.addf %gather3A_1538, %gather3A_1530 : vector<16xf32>
        %max3A_1550 = arith.constant 0.000000e+00 : f32
        %max3A_1551 = vector.broadcast %max3A_1550 : f32 to vector<16xf32>
        %max3A_1552 = arith.maximumf %add3A_1549, %max3A_1551 : vector<16xf32>
        %mul3A_1553 = arith.constant 32 : i32
        %mul3A_1554 = arith.muli %scan3A_1230, %mul3A_1553 : i32
        %add3A_1555 = arith.constant 8192 : i32
        %add3A_1556 = arith.addi %add3A_1555, %mul3A_1554 : i32
        %add3A_1557 = arith.constant 16 : i32
        %add3A_1558 = arith.addi %add3A_1556, %add3A_1557 : i32
        %swap3A_1559 = arith.index_cast %add3A_1558 : i32 to index
        %swap3A_1560 = tpu.vector_load %arg9[%swap3A_1559] {strides = array<i32>} : memref<32768xf32, #tpu.memory_space<vmem>>, vector<16xf32>,
        tpu.vector_store %arg9[%swap3A_1559], %max3A_1552 {strides = array<i32>} : memref<32768xf32, #tpu.memory_space<vmem>>, vector<16xf32>,
        %broadcast_in_dim3A_1561 = arith.constant 9 : i32
        %broadcast_in_dim3A_1562 = vector.broadcast %broadcast_in_dim3A_1561 : i32 to vector<16x1xi32>
        %gather3A_1563 = vector.shape_cast %broadcast_in_dim3A_1562 : vector<16x1xi32> to vector<16xi32>
        %gather3A_1564 = tpu.dynamic_gather %get3A_1251[%gather3A_1563] in [0] : vector<16xf32>, vector<16xi32> -> vector<16xf32>
        %add3A_1565 = arith.constant 9 : i32
        %add3A_1566 = vector.broadcast %add3A_1565 : i32 to vector<16xi32>
        %add3A_1567 = arith.addi %mul3A_1244, %add3A_1566 : vector<16xi32>
        %gather3A_1568 = tpu.vector_load_idx %arg8[%add3A_1567] : memref<1024xf32, #tpu.memory_space<vmem>>[vector<16xi32>], vector<16xf32>,
        %add3A_1569 = arith.constant 9 : i32
        %add3A_1570 = vector.broadcast %add3A_1569 : i32 to vector<16xi32>
        %add3A_1571 = arith.addi %mul3A_1247, %add3A_1570 : vector<16xi32>
        %gather3A_1572 = tpu.vector_load_idx %arg8[%add3A_1571] : memref<1024xf32, #tpu.memory_space<vmem>>[vector<16xi32>], vector<16xf32>,
        %add3A_1573 = arith.addf %gather3A_1568, %gather3A_1564 : vector<16xf32>
        %max3A_1574 = arith.constant 0.000000e+00 : f32
        %max3A_1575 = vector.broadcast %max3A_1574 : f32 to vector<16xf32>
        %max3A_1576 = arith.maximumf %add3A_1573, %max3A_1575 : vector<16xf32>
        %mul3A_1577 = arith.constant 32 : i32
        %mul3A_1578 = arith.muli %scan3A_1230, %mul3A_1577 : i32
        %add3A_1579 = arith.constant 9216 : i32
        %add3A_1580 = arith.addi %add3A_1579, %mul3A_1578 : i32
        %swap3A_1581 = arith.index_cast %add3A_1580 : i32 to index
        %swap3A_1582 = tpu.vector_load %arg9[%swap3A_1581] {strides = array<i32>} : memref<32768xf32, #tpu.memory_space<vmem>>, vector<16xf32>,
        tpu.vector_store %arg9[%swap3A_1581], %max3A_1576 {strides = array<i32>} : memref<32768xf32, #tpu.memory_space<vmem>>, vector<16xf32>,
        %add3A_1583 = arith.addf %gather3A_1572, %gather3A_1564 : vector<16xf32>
        %max3A_1584 = arith.constant 0.000000e+00 : f32
        %max3A_1585 = vector.broadcast %max3A_1584 : f32 to vector<16xf32>
        %max3A_1586 = arith.maximumf %add3A_1583, %max3A_1585 : vector<16xf32>
        %mul3A_1587 = arith.constant 32 : i32
        %mul3A_1588 = arith.muli %scan3A_1230, %mul3A_1587 : i32
        %add3A_1589 = arith.constant 9216 : i32
        %add3A_1590 = arith.addi %add3A_1589, %mul3A_1588 : i32
        %add3A_1591 = arith.constant 16 : i32
        %add3A_1592 = arith.addi %add3A_1590, %add3A_1591 : i32
        %swap3A_1593 = arith.index_cast %add3A_1592 : i32 to index
        %swap3A_1594 = tpu.vector_load %arg9[%swap3A_1593] {strides = array<i32>} : memref<32768xf32, #tpu.memory_space<vmem>>, vector<16xf32>,
        tpu.vector_store %arg9[%swap3A_1593], %max3A_1586 {strides = array<i32>} : memref<32768xf32, #tpu.memory_space<vmem>>, vector<16xf32>,
        %broadcast_in_dim3A_1595 = arith.constant 10 : i32
        %broadcast_in_dim3A_1596 = vector.broadcast %broadcast_in_dim3A_1595 : i32 to vector<16x1xi32>
        %gather3A_1597 = vector.shape_cast %broadcast_in_dim3A_1596 : vector<16x1xi32> to vector<16xi32>
        %gather3A_1598 = tpu.dynamic_gather %get3A_1251[%gather3A_1597] in [0] : vector<16xf32>, vector<16xi32> -> vector<16xf32>
        %add3A_1599 = arith.constant 10 : i32
        %add3A_1600 = vector.broadcast %add3A_1599 : i32 to vector<16xi32>
        %add3A_1601 = arith.addi %mul3A_1244, %add3A_1600 : vector<16xi32>
        %gather3A_1602 = tpu.vector_load_idx %arg8[%add3A_1601] : memref<1024xf32, #tpu.memory_space<vmem>>[vector<16xi32>], vector<16xf32>,
        %add3A_1603 = arith.constant 10 : i32
        %add3A_1604 = vector.broadcast %add3A_1603 : i32 to vector<16xi32>
        %add3A_1605 = arith.addi %mul3A_1247, %add3A_1604 : vector<16xi32>
        %gather3A_1606 = tpu.vector_load_idx %arg8[%add3A_1605] : memref<1024xf32, #tpu.memory_space<vmem>>[vector<16xi32>], vector<16xf32>,
        %add3A_1607 = arith.addf %gather3A_1602, %gather3A_1598 : vector<16xf32>
        %max3A_1608 = arith.constant 0.000000e+00 : f32
        %max3A_1609 = vector.broadcast %max3A_1608 : f32 to vector<16xf32>
        %max3A_1610 = arith.maximumf %add3A_1607, %max3A_1609 : vector<16xf32>
        %mul3A_1611 = arith.constant 32 : i32
        %mul3A_1612 = arith.muli %scan3A_1230, %mul3A_1611 : i32
        %add3A_1613 = arith.constant 10240 : i32
        %add3A_1614 = arith.addi %add3A_1613, %mul3A_1612 : i32
        %swap3A_1615 = arith.index_cast %add3A_1614 : i32 to index
        %swap3A_1616 = tpu.vector_load %arg9[%swap3A_1615] {strides = array<i32>} : memref<32768xf32, #tpu.memory_space<vmem>>, vector<16xf32>,
        tpu.vector_store %arg9[%swap3A_1615], %max3A_1610 {strides = array<i32>} : memref<32768xf32, #tpu.memory_space<vmem>>, vector<16xf32>,
        %add3A_1617 = arith.addf %gather3A_1606, %gather3A_1598 : vector<16xf32>
        %max3A_1618 = arith.constant 0.000000e+00 : f32
        %max3A_1619 = vector.broadcast %max3A_1618 : f32 to vector<16xf32>
        %max3A_1620 = arith.maximumf %add3A_1617, %max3A_1619 : vector<16xf32>
        %mul3A_1621 = arith.constant 32 : i32
        %mul3A_1622 = arith.muli %scan3A_1230, %mul3A_1621 : i32
        %add3A_1623 = arith.constant 10240 : i32
        %add3A_1624 = arith.addi %add3A_1623, %mul3A_1622 : i32
        %add3A_1625 = arith.constant 16 : i32
        %add3A_1626 = arith.addi %add3A_1624, %add3A_1625 : i32
        %swap3A_1627 = arith.index_cast %add3A_1626 : i32 to index
        %swap3A_1628 = tpu.vector_load %arg9[%swap3A_1627] {strides = array<i32>} : memref<32768xf32, #tpu.memory_space<vmem>>, vector<16xf32>,
        tpu.vector_store %arg9[%swap3A_1627], %max3A_1620 {strides = array<i32>} : memref<32768xf32, #tpu.memory_space<vmem>>, vector<16xf32>,
        %broadcast_in_dim3A_1629 = arith.constant 11 : i32
        %broadcast_in_dim3A_1630 = vector.broadcast %broadcast_in_dim3A_1629 : i32 to vector<16x1xi32>
        %gather3A_1631 = vector.shape_cast %broadcast_in_dim3A_1630 : vector<16x1xi32> to vector<16xi32>
        %gather3A_1632 = tpu.dynamic_gather %get3A_1251[%gather3A_1631] in [0] : vector<16xf32>, vector<16xi32> -> vector<16xf32>
        %add3A_1633 = arith.constant 11 : i32
        %add3A_1634 = vector.broadcast %add3A_1633 : i32 to vector<16xi32>
        %add3A_1635 = arith.addi %mul3A_1244, %add3A_1634 : vector<16xi32>
        %gather3A_1636 = tpu.vector_load_idx %arg8[%add3A_1635] : memref<1024xf32, #tpu.memory_space<vmem>>[vector<16xi32>], vector<16xf32>,
        %add3A_1637 = arith.constant 11 : i32
        %add3A_1638 = vector.broadcast %add3A_1637 : i32 to vector<16xi32>
        %add3A_1639 = arith.addi %mul3A_1247, %add3A_1638 : vector<16xi32>
        %gather3A_1640 = tpu.vector_load_idx %arg8[%add3A_1639] : memref<1024xf32, #tpu.memory_space<vmem>>[vector<16xi32>], vector<16xf32>,
        %add3A_1641 = arith.addf %gather3A_1636, %gather3A_1632 : vector<16xf32>
        %max3A_1642 = arith.constant 0.000000e+00 : f32
        %max3A_1643 = vector.broadcast %max3A_1642 : f32 to vector<16xf32>
        %max3A_1644 = arith.maximumf %add3A_1641, %max3A_1643 : vector<16xf32>
        %mul3A_1645 = arith.constant 32 : i32
        %mul3A_1646 = arith.muli %scan3A_1230, %mul3A_1645 : i32
        %add3A_1647 = arith.constant 11264 : i32
        %add3A_1648 = arith.addi %add3A_1647, %mul3A_1646 : i32
        %swap3A_1649 = arith.index_cast %add3A_1648 : i32 to index
        %swap3A_1650 = tpu.vector_load %arg9[%swap3A_1649] {strides = array<i32>} : memref<32768xf32, #tpu.memory_space<vmem>>, vector<16xf32>,
        tpu.vector_store %arg9[%swap3A_1649], %max3A_1644 {strides = array<i32>} : memref<32768xf32, #tpu.memory_space<vmem>>, vector<16xf32>,
        %add3A_1651 = arith.addf %gather3A_1640, %gather3A_1632 : vector<16xf32>
        %max3A_1652 = arith.constant 0.000000e+00 : f32
        %max3A_1653 = vector.broadcast %max3A_1652 : f32 to vector<16xf32>
        %max3A_1654 = arith.maximumf %add3A_1651, %max3A_1653 : vector<16xf32>
        %mul3A_1655 = arith.constant 32 : i32
        %mul3A_1656 = arith.muli %scan3A_1230, %mul3A_1655 : i32
        %add3A_1657 = arith.constant 11264 : i32
        %add3A_1658 = arith.addi %add3A_1657, %mul3A_1656 : i32
        %add3A_1659 = arith.constant 16 : i32
        %add3A_1660 = arith.addi %add3A_1658, %add3A_1659 : i32
        %swap3A_1661 = arith.index_cast %add3A_1660 : i32 to index
        %swap3A_1662 = tpu.vector_load %arg9[%swap3A_1661] {strides = array<i32>} : memref<32768xf32, #tpu.memory_space<vmem>>, vector<16xf32>,
        tpu.vector_store %arg9[%swap3A_1661], %max3A_1654 {strides = array<i32>} : memref<32768xf32, #tpu.memory_space<vmem>>, vector<16xf32>,
        %broadcast_in_dim3A_1663 = arith.constant 12 : i32
        %broadcast_in_dim3A_1664 = vector.broadcast %broadcast_in_dim3A_1663 : i32 to vector<16x1xi32>
        %gather3A_1665 = vector.shape_cast %broadcast_in_dim3A_1664 : vector<16x1xi32> to vector<16xi32>
        %gather3A_1666 = tpu.dynamic_gather %get3A_1251[%gather3A_1665] in [0] : vector<16xf32>, vector<16xi32> -> vector<16xf32>
        %add3A_1667 = arith.constant 12 : i32
        %add3A_1668 = vector.broadcast %add3A_1667 : i32 to vector<16xi32>
        %add3A_1669 = arith.addi %mul3A_1244, %add3A_1668 : vector<16xi32>
        %gather3A_1670 = tpu.vector_load_idx %arg8[%add3A_1669] : memref<1024xf32, #tpu.memory_space<vmem>>[vector<16xi32>], vector<16xf32>,
        %add3A_1671 = arith.constant 12 : i32
        %add3A_1672 = vector.broadcast %add3A_1671 : i32 to vector<16xi32>
        %add3A_1673 = arith.addi %mul3A_1247, %add3A_1672 : vector<16xi32>
        %gather3A_1674 = tpu.vector_load_idx %arg8[%add3A_1673] : memref<1024xf32, #tpu.memory_space<vmem>>[vector<16xi32>], vector<16xf32>,
        %add3A_1675 = arith.addf %gather3A_1670, %gather3A_1666 : vector<16xf32>
        %max3A_1676 = arith.constant 0.000000e+00 : f32
        %max3A_1677 = vector.broadcast %max3A_1676 : f32 to vector<16xf32>
        %max3A_1678 = arith.maximumf %add3A_1675, %max3A_1677 : vector<16xf32>
        %mul3A_1679 = arith.constant 32 : i32
        %mul3A_1680 = arith.muli %scan3A_1230, %mul3A_1679 : i32
        %add3A_1681 = arith.constant 12288 : i32
        %add3A_1682 = arith.addi %add3A_1681, %mul3A_1680 : i32
        %swap3A_1683 = arith.index_cast %add3A_1682 : i32 to index
        %swap3A_1684 = tpu.vector_load %arg9[%swap3A_1683] {strides = array<i32>} : memref<32768xf32, #tpu.memory_space<vmem>>, vector<16xf32>,
        tpu.vector_store %arg9[%swap3A_1683], %max3A_1678 {strides = array<i32>} : memref<32768xf32, #tpu.memory_space<vmem>>, vector<16xf32>,
        %add3A_1685 = arith.addf %gather3A_1674, %gather3A_1666 : vector<16xf32>
        %max3A_1686 = arith.constant 0.000000e+00 : f32
        %max3A_1687 = vector.broadcast %max3A_1686 : f32 to vector<16xf32>
        %max3A_1688 = arith.maximumf %add3A_1685, %max3A_1687 : vector<16xf32>
        %mul3A_1689 = arith.constant 32 : i32
        %mul3A_1690 = arith.muli %scan3A_1230, %mul3A_1689 : i32
        %add3A_1691 = arith.constant 12288 : i32
        %add3A_1692 = arith.addi %add3A_1691, %mul3A_1690 : i32
        %add3A_1693 = arith.constant 16 : i32
        %add3A_1694 = arith.addi %add3A_1692, %add3A_1693 : i32
        %swap3A_1695 = arith.index_cast %add3A_1694 : i32 to index
        %swap3A_1696 = tpu.vector_load %arg9[%swap3A_1695] {strides = array<i32>} : memref<32768xf32, #tpu.memory_space<vmem>>, vector<16xf32>,
        tpu.vector_store %arg9[%swap3A_1695], %max3A_1688 {strides = array<i32>} : memref<32768xf32, #tpu.memory_space<vmem>>, vector<16xf32>,
        %broadcast_in_dim3A_1697 = arith.constant 13 : i32
        %broadcast_in_dim3A_1698 = vector.broadcast %broadcast_in_dim3A_1697 : i32 to vector<16x1xi32>
        %gather3A_1699 = vector.shape_cast %broadcast_in_dim3A_1698 : vector<16x1xi32> to vector<16xi32>
        %gather3A_1700 = tpu.dynamic_gather %get3A_1251[%gather3A_1699] in [0] : vector<16xf32>, vector<16xi32> -> vector<16xf32>
        %add3A_1701 = arith.constant 13 : i32
        %add3A_1702 = vector.broadcast %add3A_1701 : i32 to vector<16xi32>
        %add3A_1703 = arith.addi %mul3A_1244, %add3A_1702 : vector<16xi32>
        %gather3A_1704 = tpu.vector_load_idx %arg8[%add3A_1703] : memref<1024xf32, #tpu.memory_space<vmem>>[vector<16xi32>], vector<16xf32>,
        %add3A_1705 = arith.constant 13 : i32
        %add3A_1706 = vector.broadcast %add3A_1705 : i32 to vector<16xi32>
        %add3A_1707 = arith.addi %mul3A_1247, %add3A_1706 : vector<16xi32>
        %gather3A_1708 = tpu.vector_load_idx %arg8[%add3A_1707] : memref<1024xf32, #tpu.memory_space<vmem>>[vector<16xi32>], vector<16xf32>,
        %add3A_1709 = arith.addf %gather3A_1704, %gather3A_1700 : vector<16xf32>
        %max3A_1710 = arith.constant 0.000000e+00 : f32
        %max3A_1711 = vector.broadcast %max3A_1710 : f32 to vector<16xf32>
        %max3A_1712 = arith.maximumf %add3A_1709, %max3A_1711 : vector<16xf32>
        %mul3A_1713 = arith.constant 32 : i32
        %mul3A_1714 = arith.muli %scan3A_1230, %mul3A_1713 : i32
        %add3A_1715 = arith.constant 13312 : i32
        %add3A_1716 = arith.addi %add3A_1715, %mul3A_1714 : i32
        %swap3A_1717 = arith.index_cast %add3A_1716 : i32 to index
        %swap3A_1718 = tpu.vector_load %arg9[%swap3A_1717] {strides = array<i32>} : memref<32768xf32, #tpu.memory_space<vmem>>, vector<16xf32>,
        tpu.vector_store %arg9[%swap3A_1717], %max3A_1712 {strides = array<i32>} : memref<32768xf32, #tpu.memory_space<vmem>>, vector<16xf32>,
        %add3A_1719 = arith.addf %gather3A_1708, %gather3A_1700 : vector<16xf32>
        %max3A_1720 = arith.constant 0.000000e+00 : f32
        %max3A_1721 = vector.broadcast %max3A_1720 : f32 to vector<16xf32>
        %max3A_1722 = arith.maximumf %add3A_1719, %max3A_1721 : vector<16xf32>
        %mul3A_1723 = arith.constant 32 : i32
        %mul3A_1724 = arith.muli %scan3A_1230, %mul3A_1723 : i32
        %add3A_1725 = arith.constant 13312 : i32
        %add3A_1726 = arith.addi %add3A_1725, %mul3A_1724 : i32
        %add3A_1727 = arith.constant 16 : i32
        %add3A_1728 = arith.addi %add3A_1726, %add3A_1727 : i32
        %swap3A_1729 = arith.index_cast %add3A_1728 : i32 to index
        %swap3A_1730 = tpu.vector_load %arg9[%swap3A_1729] {strides = array<i32>} : memref<32768xf32, #tpu.memory_space<vmem>>, vector<16xf32>,
        tpu.vector_store %arg9[%swap3A_1729], %max3A_1722 {strides = array<i32>} : memref<32768xf32, #tpu.memory_space<vmem>>, vector<16xf32>,
        %broadcast_in_dim3A_1731 = arith.constant 14 : i32
        %broadcast_in_dim3A_1732 = vector.broadcast %broadcast_in_dim3A_1731 : i32 to vector<16x1xi32>
        %gather3A_1733 = vector.shape_cast %broadcast_in_dim3A_1732 : vector<16x1xi32> to vector<16xi32>
        %gather3A_1734 = tpu.dynamic_gather %get3A_1251[%gather3A_1733] in [0] : vector<16xf32>, vector<16xi32> -> vector<16xf32>
        %add3A_1735 = arith.constant 14 : i32
        %add3A_1736 = vector.broadcast %add3A_1735 : i32 to vector<16xi32>
        %add3A_1737 = arith.addi %mul3A_1244, %add3A_1736 : vector<16xi32>
        %gather3A_1738 = tpu.vector_load_idx %arg8[%add3A_1737] : memref<1024xf32, #tpu.memory_space<vmem>>[vector<16xi32>], vector<16xf32>,
        %add3A_1739 = arith.constant 14 : i32
        %add3A_1740 = vector.broadcast %add3A_1739 : i32 to vector<16xi32>
        %add3A_1741 = arith.addi %mul3A_1247, %add3A_1740 : vector<16xi32>
        %gather3A_1742 = tpu.vector_load_idx %arg8[%add3A_1741] : memref<1024xf32, #tpu.memory_space<vmem>>[vector<16xi32>], vector<16xf32>,
        %add3A_1743 = arith.addf %gather3A_1738, %gather3A_1734 : vector<16xf32>
        %max3A_1744 = arith.constant 0.000000e+00 : f32
        %max3A_1745 = vector.broadcast %max3A_1744 : f32 to vector<16xf32>
        %max3A_1746 = arith.maximumf %add3A_1743, %max3A_1745 : vector<16xf32>
        %mul3A_1747 = arith.constant 32 : i32
        %mul3A_1748 = arith.muli %scan3A_1230, %mul3A_1747 : i32
        %add3A_1749 = arith.constant 14336 : i32
        %add3A_1750 = arith.addi %add3A_1749, %mul3A_1748 : i32
        %swap3A_1751 = arith.index_cast %add3A_1750 : i32 to index
        %swap3A_1752 = tpu.vector_load %arg9[%swap3A_1751] {strides = array<i32>} : memref<32768xf32, #tpu.memory_space<vmem>>, vector<16xf32>,
        tpu.vector_store %arg9[%swap3A_1751], %max3A_1746 {strides = array<i32>} : memref<32768xf32, #tpu.memory_space<vmem>>, vector<16xf32>,
        %add3A_1753 = arith.addf %gather3A_1742, %gather3A_1734 : vector<16xf32>
        %max3A_1754 = arith.constant 0.000000e+00 : f32
        %max3A_1755 = vector.broadcast %max3A_1754 : f32 to vector<16xf32>
        %max3A_1756 = arith.maximumf %add3A_1753, %max3A_1755 : vector<16xf32>
        %mul3A_1757 = arith.constant 32 : i32
        %mul3A_1758 = arith.muli %scan3A_1230, %mul3A_1757 : i32
        %add3A_1759 = arith.constant 14336 : i32
        %add3A_1760 = arith.addi %add3A_1759, %mul3A_1758 : i32
        %add3A_1761 = arith.constant 16 : i32
        %add3A_1762 = arith.addi %add3A_1760, %add3A_1761 : i32
        %swap3A_1763 = arith.index_cast %add3A_1762 : i32 to index
        %swap3A_1764 = tpu.vector_load %arg9[%swap3A_1763] {strides = array<i32>} : memref<32768xf32, #tpu.memory_space<vmem>>, vector<16xf32>,
        tpu.vector_store %arg9[%swap3A_1763], %max3A_1756 {strides = array<i32>} : memref<32768xf32, #tpu.memory_space<vmem>>, vector<16xf32>,
        %broadcast_in_dim3A_1765 = arith.constant 15 : i32
        %broadcast_in_dim3A_1766 = vector.broadcast %broadcast_in_dim3A_1765 : i32 to vector<16x1xi32>
        %gather3A_1767 = vector.shape_cast %broadcast_in_dim3A_1766 : vector<16x1xi32> to vector<16xi32>
        %gather3A_1768 = tpu.dynamic_gather %get3A_1251[%gather3A_1767] in [0] : vector<16xf32>, vector<16xi32> -> vector<16xf32>
        %add3A_1769 = arith.constant 15 : i32
        %add3A_1770 = vector.broadcast %add3A_1769 : i32 to vector<16xi32>
        %add3A_1771 = arith.addi %mul3A_1244, %add3A_1770 : vector<16xi32>
        %gather3A_1772 = tpu.vector_load_idx %arg8[%add3A_1771] : memref<1024xf32, #tpu.memory_space<vmem>>[vector<16xi32>], vector<16xf32>,
        %add3A_1773 = arith.constant 15 : i32
        %add3A_1774 = vector.broadcast %add3A_1773 : i32 to vector<16xi32>
        %add3A_1775 = arith.addi %mul3A_1247, %add3A_1774 : vector<16xi32>
        %gather3A_1776 = tpu.vector_load_idx %arg8[%add3A_1775] : memref<1024xf32, #tpu.memory_space<vmem>>[vector<16xi32>], vector<16xf32>,
        %add3A_1777 = arith.addf %gather3A_1772, %gather3A_1768 : vector<16xf32>
        %max3A_1778 = arith.constant 0.000000e+00 : f32
        %max3A_1779 = vector.broadcast %max3A_1778 : f32 to vector<16xf32>
        %max3A_1780 = arith.maximumf %add3A_1777, %max3A_1779 : vector<16xf32>
        %mul3A_1781 = arith.constant 32 : i32
        %mul3A_1782 = arith.muli %scan3A_1230, %mul3A_1781 : i32
        %add3A_1783 = arith.constant 15360 : i32
        %add3A_1784 = arith.addi %add3A_1783, %mul3A_1782 : i32
        %swap3A_1785 = arith.index_cast %add3A_1784 : i32 to index
        %swap3A_1786 = tpu.vector_load %arg9[%swap3A_1785] {strides = array<i32>} : memref<32768xf32, #tpu.memory_space<vmem>>, vector<16xf32>,
        tpu.vector_store %arg9[%swap3A_1785], %max3A_1780 {strides = array<i32>} : memref<32768xf32, #tpu.memory_space<vmem>>, vector<16xf32>,
        %add3A_1787 = arith.addf %gather3A_1776, %gather3A_1768 : vector<16xf32>
        %max3A_1788 = arith.constant 0.000000e+00 : f32
        %max3A_1789 = vector.broadcast %max3A_1788 : f32 to vector<16xf32>
        %max3A_1790 = arith.maximumf %add3A_1787, %max3A_1789 : vector<16xf32>
        %mul3A_1791 = arith.constant 32 : i32
        %mul3A_1792 = arith.muli %scan3A_1230, %mul3A_1791 : i32
        %add3A_1793 = arith.constant 15360 : i32
        %add3A_1794 = arith.addi %add3A_1793, %mul3A_1792 : i32
        %add3A_1795 = arith.constant 16 : i32
        %add3A_1796 = arith.addi %add3A_1794, %add3A_1795 : i32
        %swap3A_1797 = arith.index_cast %add3A_1796 : i32 to index
        %swap3A_1798 = tpu.vector_load %arg9[%swap3A_1797] {strides = array<i32>} : memref<32768xf32, #tpu.memory_space<vmem>>, vector<16xf32>,
        tpu.vector_store %arg9[%swap3A_1797], %max3A_1790 {strides = array<i32>} : memref<32768xf32, #tpu.memory_space<vmem>>, vector<16xf32>,
        %broadcast_in_dim3A_1799 = arith.constant 0 : i32
        %broadcast_in_dim3A_1800 = vector.broadcast %broadcast_in_dim3A_1799 : i32 to vector<16x1xi32>
        %gather3A_1801 = vector.shape_cast %broadcast_in_dim3A_1800 : vector<16x1xi32> to vector<16xi32>
        %gather3A_1802 = tpu.dynamic_gather %get3A_1257[%gather3A_1801] in [0] : vector<16xf32>, vector<16xi32> -> vector<16xf32>
        %add3A_1803 = arith.constant 16 : i32
        %add3A_1804 = vector.broadcast %add3A_1803 : i32 to vector<16xi32>
        %add3A_1805 = arith.addi %mul3A_1244, %add3A_1804 : vector<16xi32>
        %gather3A_1806 = tpu.vector_load_idx %arg8[%add3A_1805] : memref<1024xf32, #tpu.memory_space<vmem>>[vector<16xi32>], vector<16xf32>,
        %add3A_1807 = arith.constant 16 : i32
        %add3A_1808 = vector.broadcast %add3A_1807 : i32 to vector<16xi32>
        %add3A_1809 = arith.addi %mul3A_1247, %add3A_1808 : vector<16xi32>
        %gather3A_1810 = tpu.vector_load_idx %arg8[%add3A_1809] : memref<1024xf32, #tpu.memory_space<vmem>>[vector<16xi32>], vector<16xf32>,
        %add3A_1811 = arith.addf %gather3A_1806, %gather3A_1802 : vector<16xf32>
        %max3A_1812 = arith.constant 0.000000e+00 : f32
        %max3A_1813 = vector.broadcast %max3A_1812 : f32 to vector<16xf32>
        %max3A_1814 = arith.maximumf %add3A_1811, %max3A_1813 : vector<16xf32>
        %mul3A_1815 = arith.constant 32 : i32
        %mul3A_1816 = arith.muli %scan3A_1230, %mul3A_1815 : i32
        %add3A_1817 = arith.constant 16384 : i32
        %add3A_1818 = arith.addi %add3A_1817, %mul3A_1816 : i32
        %swap3A_1819 = arith.index_cast %add3A_1818 : i32 to index
        %swap3A_1820 = tpu.vector_load %arg9[%swap3A_1819] {strides = array<i32>} : memref<32768xf32, #tpu.memory_space<vmem>>, vector<16xf32>,
        tpu.vector_store %arg9[%swap3A_1819], %max3A_1814 {strides = array<i32>} : memref<32768xf32, #tpu.memory_space<vmem>>, vector<16xf32>,
        %add3A_1821 = arith.addf %gather3A_1810, %gather3A_1802 : vector<16xf32>
        %max3A_1822 = arith.constant 0.000000e+00 : f32
        %max3A_1823 = vector.broadcast %max3A_1822 : f32 to vector<16xf32>
        %max3A_1824 = arith.maximumf %add3A_1821, %max3A_1823 : vector<16xf32>
        %mul3A_1825 = arith.constant 32 : i32
        %mul3A_1826 = arith.muli %scan3A_1230, %mul3A_1825 : i32
        %add3A_1827 = arith.constant 16384 : i32
        %add3A_1828 = arith.addi %add3A_1827, %mul3A_1826 : i32
        %add3A_1829 = arith.constant 16 : i32
        %add3A_1830 = arith.addi %add3A_1828, %add3A_1829 : i32
        %swap3A_1831 = arith.index_cast %add3A_1830 : i32 to index
        %swap3A_1832 = tpu.vector_load %arg9[%swap3A_1831] {strides = array<i32>} : memref<32768xf32, #tpu.memory_space<vmem>>, vector<16xf32>,
        tpu.vector_store %arg9[%swap3A_1831], %max3A_1824 {strides = array<i32>} : memref<32768xf32, #tpu.memory_space<vmem>>, vector<16xf32>,
        %broadcast_in_dim3A_1833 = arith.constant 1 : i32
        %broadcast_in_dim3A_1834 = vector.broadcast %broadcast_in_dim3A_1833 : i32 to vector<16x1xi32>
        %gather3A_1835 = vector.shape_cast %broadcast_in_dim3A_1834 : vector<16x1xi32> to vector<16xi32>
        %gather3A_1836 = tpu.dynamic_gather %get3A_1257[%gather3A_1835] in [0] : vector<16xf32>, vector<16xi32> -> vector<16xf32>
        %add3A_1837 = arith.constant 17 : i32
        %add3A_1838 = vector.broadcast %add3A_1837 : i32 to vector<16xi32>
        %add3A_1839 = arith.addi %mul3A_1244, %add3A_1838 : vector<16xi32>
        %gather3A_1840 = tpu.vector_load_idx %arg8[%add3A_1839] : memref<1024xf32, #tpu.memory_space<vmem>>[vector<16xi32>], vector<16xf32>,
        %add3A_1841 = arith.constant 17 : i32
        %add3A_1842 = vector.broadcast %add3A_1841 : i32 to vector<16xi32>
        %add3A_1843 = arith.addi %mul3A_1247, %add3A_1842 : vector<16xi32>
        %gather3A_1844 = tpu.vector_load_idx %arg8[%add3A_1843] : memref<1024xf32, #tpu.memory_space<vmem>>[vector<16xi32>], vector<16xf32>,
        %add3A_1845 = arith.addf %gather3A_1840, %gather3A_1836 : vector<16xf32>
        %max3A_1846 = arith.constant 0.000000e+00 : f32
        %max3A_1847 = vector.broadcast %max3A_1846 : f32 to vector<16xf32>
        %max3A_1848 = arith.maximumf %add3A_1845, %max3A_1847 : vector<16xf32>
        %mul3A_1849 = arith.constant 32 : i32
        %mul3A_1850 = arith.muli %scan3A_1230, %mul3A_1849 : i32
        %add3A_1851 = arith.constant 17408 : i32
        %add3A_1852 = arith.addi %add3A_1851, %mul3A_1850 : i32
        %swap3A_1853 = arith.index_cast %add3A_1852 : i32 to index
        %swap3A_1854 = tpu.vector_load %arg9[%swap3A_1853] {strides = array<i32>} : memref<32768xf32, #tpu.memory_space<vmem>>, vector<16xf32>,
        tpu.vector_store %arg9[%swap3A_1853], %max3A_1848 {strides = array<i32>} : memref<32768xf32, #tpu.memory_space<vmem>>, vector<16xf32>,
        %add3A_1855 = arith.addf %gather3A_1844, %gather3A_1836 : vector<16xf32>
        %max3A_1856 = arith.constant 0.000000e+00 : f32
        %max3A_1857 = vector.broadcast %max3A_1856 : f32 to vector<16xf32>
        %max3A_1858 = arith.maximumf %add3A_1855, %max3A_1857 : vector<16xf32>
        %mul3A_1859 = arith.constant 32 : i32
        %mul3A_1860 = arith.muli %scan3A_1230, %mul3A_1859 : i32
        %add3A_1861 = arith.constant 17408 : i32
        %add3A_1862 = arith.addi %add3A_1861, %mul3A_1860 : i32
        %add3A_1863 = arith.constant 16 : i32
        %add3A_1864 = arith.addi %add3A_1862, %add3A_1863 : i32
        %swap3A_1865 = arith.index_cast %add3A_1864 : i32 to index
        %swap3A_1866 = tpu.vector_load %arg9[%swap3A_1865] {strides = array<i32>} : memref<32768xf32, #tpu.memory_space<vmem>>, vector<16xf32>,
        tpu.vector_store %arg9[%swap3A_1865], %max3A_1858 {strides = array<i32>} : memref<32768xf32, #tpu.memory_space<vmem>>, vector<16xf32>,
        %broadcast_in_dim3A_1867 = arith.constant 2 : i32
        %broadcast_in_dim3A_1868 = vector.broadcast %broadcast_in_dim3A_1867 : i32 to vector<16x1xi32>
        %gather3A_1869 = vector.shape_cast %broadcast_in_dim3A_1868 : vector<16x1xi32> to vector<16xi32>
        %gather3A_1870 = tpu.dynamic_gather %get3A_1257[%gather3A_1869] in [0] : vector<16xf32>, vector<16xi32> -> vector<16xf32>
        %add3A_1871 = arith.constant 18 : i32
        %add3A_1872 = vector.broadcast %add3A_1871 : i32 to vector<16xi32>
        %add3A_1873 = arith.addi %mul3A_1244, %add3A_1872 : vector<16xi32>
        %gather3A_1874 = tpu.vector_load_idx %arg8[%add3A_1873] : memref<1024xf32, #tpu.memory_space<vmem>>[vector<16xi32>], vector<16xf32>,
        %add3A_1875 = arith.constant 18 : i32
        %add3A_1876 = vector.broadcast %add3A_1875 : i32 to vector<16xi32>
        %add3A_1877 = arith.addi %mul3A_1247, %add3A_1876 : vector<16xi32>
        %gather3A_1878 = tpu.vector_load_idx %arg8[%add3A_1877] : memref<1024xf32, #tpu.memory_space<vmem>>[vector<16xi32>], vector<16xf32>,
        %add3A_1879 = arith.addf %gather3A_1874, %gather3A_1870 : vector<16xf32>
        %max3A_1880 = arith.constant 0.000000e+00 : f32
        %max3A_1881 = vector.broadcast %max3A_1880 : f32 to vector<16xf32>
        %max3A_1882 = arith.maximumf %add3A_1879, %max3A_1881 : vector<16xf32>
        %mul3A_1883 = arith.constant 32 : i32
        %mul3A_1884 = arith.muli %scan3A_1230, %mul3A_1883 : i32
        %add3A_1885 = arith.constant 18432 : i32
        %add3A_1886 = arith.addi %add3A_1885, %mul3A_1884 : i32
        %swap3A_1887 = arith.index_cast %add3A_1886 : i32 to index
        %swap3A_1888 = tpu.vector_load %arg9[%swap3A_1887] {strides = array<i32>} : memref<32768xf32, #tpu.memory_space<vmem>>, vector<16xf32>,
        tpu.vector_store %arg9[%swap3A_1887], %max3A_1882 {strides = array<i32>} : memref<32768xf32, #tpu.memory_space<vmem>>, vector<16xf32>,
        %add3A_1889 = arith.addf %gather3A_1878, %gather3A_1870 : vector<16xf32>
        %max3A_1890 = arith.constant 0.000000e+00 : f32
        %max3A_1891 = vector.broadcast %max3A_1890 : f32 to vector<16xf32>
        %max3A_1892 = arith.maximumf %add3A_1889, %max3A_1891 : vector<16xf32>
        %mul3A_1893 = arith.constant 32 : i32
        %mul3A_1894 = arith.muli %scan3A_1230, %mul3A_1893 : i32
        %add3A_1895 = arith.constant 18432 : i32
        %add3A_1896 = arith.addi %add3A_1895, %mul3A_1894 : i32
        %add3A_1897 = arith.constant 16 : i32
        %add3A_1898 = arith.addi %add3A_1896, %add3A_1897 : i32
        %swap3A_1899 = arith.index_cast %add3A_1898 : i32 to index
        %swap3A_1900 = tpu.vector_load %arg9[%swap3A_1899] {strides = array<i32>} : memref<32768xf32, #tpu.memory_space<vmem>>, vector<16xf32>,
        tpu.vector_store %arg9[%swap3A_1899], %max3A_1892 {strides = array<i32>} : memref<32768xf32, #tpu.memory_space<vmem>>, vector<16xf32>,
        %broadcast_in_dim3A_1901 = arith.constant 3 : i32
        %broadcast_in_dim3A_1902 = vector.broadcast %broadcast_in_dim3A_1901 : i32 to vector<16x1xi32>
        %gather3A_1903 = vector.shape_cast %broadcast_in_dim3A_1902 : vector<16x1xi32> to vector<16xi32>
        %gather3A_1904 = tpu.dynamic_gather %get3A_1257[%gather3A_1903] in [0] : vector<16xf32>, vector<16xi32> -> vector<16xf32>
        %add3A_1905 = arith.constant 19 : i32
        %add3A_1906 = vector.broadcast %add3A_1905 : i32 to vector<16xi32>
        %add3A_1907 = arith.addi %mul3A_1244, %add3A_1906 : vector<16xi32>
        %gather3A_1908 = tpu.vector_load_idx %arg8[%add3A_1907] : memref<1024xf32, #tpu.memory_space<vmem>>[vector<16xi32>], vector<16xf32>,
        %add3A_1909 = arith.constant 19 : i32
        %add3A_1910 = vector.broadcast %add3A_1909 : i32 to vector<16xi32>
        %add3A_1911 = arith.addi %mul3A_1247, %add3A_1910 : vector<16xi32>
        %gather3A_1912 = tpu.vector_load_idx %arg8[%add3A_1911] : memref<1024xf32, #tpu.memory_space<vmem>>[vector<16xi32>], vector<16xf32>,
        %add3A_1913 = arith.addf %gather3A_1908, %gather3A_1904 : vector<16xf32>
        %max3A_1914 = arith.constant 0.000000e+00 : f32
        %max3A_1915 = vector.broadcast %max3A_1914 : f32 to vector<16xf32>
        %max3A_1916 = arith.maximumf %add3A_1913, %max3A_1915 : vector<16xf32>
        %mul3A_1917 = arith.constant 32 : i32
        %mul3A_1918 = arith.muli %scan3A_1230, %mul3A_1917 : i32
        %add3A_1919 = arith.constant 19456 : i32
        %add3A_1920 = arith.addi %add3A_1919, %mul3A_1918 : i32
        %swap3A_1921 = arith.index_cast %add3A_1920 : i32 to index
        %swap3A_1922 = tpu.vector_load %arg9[%swap3A_1921] {strides = array<i32>} : memref<32768xf32, #tpu.memory_space<vmem>>, vector<16xf32>,
        tpu.vector_store %arg9[%swap3A_1921], %max3A_1916 {strides = array<i32>} : memref<32768xf32, #tpu.memory_space<vmem>>, vector<16xf32>,
        %add3A_1923 = arith.addf %gather3A_1912, %gather3A_1904 : vector<16xf32>
        %max3A_1924 = arith.constant 0.000000e+00 : f32
        %max3A_1925 = vector.broadcast %max3A_1924 : f32 to vector<16xf32>
        %max3A_1926 = arith.maximumf %add3A_1923, %max3A_1925 : vector<16xf32>
        %mul3A_1927 = arith.constant 32 : i32
        %mul3A_1928 = arith.muli %scan3A_1230, %mul3A_1927 : i32
        %add3A_1929 = arith.constant 19456 : i32
        %add3A_1930 = arith.addi %add3A_1929, %mul3A_1928 : i32
        %add3A_1931 = arith.constant 16 : i32
        %add3A_1932 = arith.addi %add3A_1930, %add3A_1931 : i32
        %swap3A_1933 = arith.index_cast %add3A_1932 : i32 to index
        %swap3A_1934 = tpu.vector_load %arg9[%swap3A_1933] {strides = array<i32>} : memref<32768xf32, #tpu.memory_space<vmem>>, vector<16xf32>,
        tpu.vector_store %arg9[%swap3A_1933], %max3A_1926 {strides = array<i32>} : memref<32768xf32, #tpu.memory_space<vmem>>, vector<16xf32>,
        %broadcast_in_dim3A_1935 = arith.constant 4 : i32
        %broadcast_in_dim3A_1936 = vector.broadcast %broadcast_in_dim3A_1935 : i32 to vector<16x1xi32>
        %gather3A_1937 = vector.shape_cast %broadcast_in_dim3A_1936 : vector<16x1xi32> to vector<16xi32>
        %gather3A_1938 = tpu.dynamic_gather %get3A_1257[%gather3A_1937] in [0] : vector<16xf32>, vector<16xi32> -> vector<16xf32>
        %add3A_1939 = arith.constant 20 : i32
        %add3A_1940 = vector.broadcast %add3A_1939 : i32 to vector<16xi32>
        %add3A_1941 = arith.addi %mul3A_1244, %add3A_1940 : vector<16xi32>
        %gather3A_1942 = tpu.vector_load_idx %arg8[%add3A_1941] : memref<1024xf32, #tpu.memory_space<vmem>>[vector<16xi32>], vector<16xf32>,
        %add3A_1943 = arith.constant 20 : i32
        %add3A_1944 = vector.broadcast %add3A_1943 : i32 to vector<16xi32>
        %add3A_1945 = arith.addi %mul3A_1247, %add3A_1944 : vector<16xi32>
        %gather3A_1946 = tpu.vector_load_idx %arg8[%add3A_1945] : memref<1024xf32, #tpu.memory_space<vmem>>[vector<16xi32>], vector<16xf32>,
        %add3A_1947 = arith.addf %gather3A_1942, %gather3A_1938 : vector<16xf32>
        %max3A_1948 = arith.constant 0.000000e+00 : f32
        %max3A_1949 = vector.broadcast %max3A_1948 : f32 to vector<16xf32>
        %max3A_1950 = arith.maximumf %add3A_1947, %max3A_1949 : vector<16xf32>
        %mul3A_1951 = arith.constant 32 : i32
        %mul3A_1952 = arith.muli %scan3A_1230, %mul3A_1951 : i32
        %add3A_1953 = arith.constant 20480 : i32
        %add3A_1954 = arith.addi %add3A_1953, %mul3A_1952 : i32
        %swap3A_1955 = arith.index_cast %add3A_1954 : i32 to index
        %swap3A_1956 = tpu.vector_load %arg9[%swap3A_1955] {strides = array<i32>} : memref<32768xf32, #tpu.memory_space<vmem>>, vector<16xf32>,
        tpu.vector_store %arg9[%swap3A_1955], %max3A_1950 {strides = array<i32>} : memref<32768xf32, #tpu.memory_space<vmem>>, vector<16xf32>,
        %add3A_1957 = arith.addf %gather3A_1946, %gather3A_1938 : vector<16xf32>
        %max3A_1958 = arith.constant 0.000000e+00 : f32
        %max3A_1959 = vector.broadcast %max3A_1958 : f32 to vector<16xf32>
        %max3A_1960 = arith.maximumf %add3A_1957, %max3A_1959 : vector<16xf32>
        %mul3A_1961 = arith.constant 32 : i32
        %mul3A_1962 = arith.muli %scan3A_1230, %mul3A_1961 : i32
        %add3A_1963 = arith.constant 20480 : i32
        %add3A_1964 = arith.addi %add3A_1963, %mul3A_1962 : i32
        %add3A_1965 = arith.constant 16 : i32
        %add3A_1966 = arith.addi %add3A_1964, %add3A_1965 : i32
        %swap3A_1967 = arith.index_cast %add3A_1966 : i32 to index
        %swap3A_1968 = tpu.vector_load %arg9[%swap3A_1967] {strides = array<i32>} : memref<32768xf32, #tpu.memory_space<vmem>>, vector<16xf32>,
        tpu.vector_store %arg9[%swap3A_1967], %max3A_1960 {strides = array<i32>} : memref<32768xf32, #tpu.memory_space<vmem>>, vector<16xf32>,
        %broadcast_in_dim3A_1969 = arith.constant 5 : i32
        %broadcast_in_dim3A_1970 = vector.broadcast %broadcast_in_dim3A_1969 : i32 to vector<16x1xi32>
        %gather3A_1971 = vector.shape_cast %broadcast_in_dim3A_1970 : vector<16x1xi32> to vector<16xi32>
        %gather3A_1972 = tpu.dynamic_gather %get3A_1257[%gather3A_1971] in [0] : vector<16xf32>, vector<16xi32> -> vector<16xf32>
        %add3A_1973 = arith.constant 21 : i32
        %add3A_1974 = vector.broadcast %add3A_1973 : i32 to vector<16xi32>
        %add3A_1975 = arith.addi %mul3A_1244, %add3A_1974 : vector<16xi32>
        %gather3A_1976 = tpu.vector_load_idx %arg8[%add3A_1975] : memref<1024xf32, #tpu.memory_space<vmem>>[vector<16xi32>], vector<16xf32>,
        %add3A_1977 = arith.constant 21 : i32
        %add3A_1978 = vector.broadcast %add3A_1977 : i32 to vector<16xi32>
        %add3A_1979 = arith.addi %mul3A_1247, %add3A_1978 : vector<16xi32>
        %gather3A_1980 = tpu.vector_load_idx %arg8[%add3A_1979] : memref<1024xf32, #tpu.memory_space<vmem>>[vector<16xi32>], vector<16xf32>,
        %add3A_1981 = arith.addf %gather3A_1976, %gather3A_1972 : vector<16xf32>
        %max3A_1982 = arith.constant 0.000000e+00 : f32
        %max3A_1983 = vector.broadcast %max3A_1982 : f32 to vector<16xf32>
        %max3A_1984 = arith.maximumf %add3A_1981, %max3A_1983 : vector<16xf32>
        %mul3A_1985 = arith.constant 32 : i32
        %mul3A_1986 = arith.muli %scan3A_1230, %mul3A_1985 : i32
        %add3A_1987 = arith.constant 21504 : i32
        %add3A_1988 = arith.addi %add3A_1987, %mul3A_1986 : i32
        %swap3A_1989 = arith.index_cast %add3A_1988 : i32 to index
        %swap3A_1990 = tpu.vector_load %arg9[%swap3A_1989] {strides = array<i32>} : memref<32768xf32, #tpu.memory_space<vmem>>, vector<16xf32>,
        tpu.vector_store %arg9[%swap3A_1989], %max3A_1984 {strides = array<i32>} : memref<32768xf32, #tpu.memory_space<vmem>>, vector<16xf32>,
        %add3A_1991 = arith.addf %gather3A_1980, %gather3A_1972 : vector<16xf32>
        %max3A_1992 = arith.constant 0.000000e+00 : f32
        %max3A_1993 = vector.broadcast %max3A_1992 : f32 to vector<16xf32>
        %max3A_1994 = arith.maximumf %add3A_1991, %max3A_1993 : vector<16xf32>
        %mul3A_1995 = arith.constant 32 : i32
        %mul3A_1996 = arith.muli %scan3A_1230, %mul3A_1995 : i32
        %add3A_1997 = arith.constant 21504 : i32
        %add3A_1998 = arith.addi %add3A_1997, %mul3A_1996 : i32
        %add3A_1999 = arith.constant 16 : i32
        %add3A_2000 = arith.addi %add3A_1998, %add3A_1999 : i32
        %swap3A_2001 = arith.index_cast %add3A_2000 : i32 to index
        %swap3A_2002 = tpu.vector_load %arg9[%swap3A_2001] {strides = array<i32>} : memref<32768xf32, #tpu.memory_space<vmem>>, vector<16xf32>,
        tpu.vector_store %arg9[%swap3A_2001], %max3A_1994 {strides = array<i32>} : memref<32768xf32, #tpu.memory_space<vmem>>, vector<16xf32>,
        %broadcast_in_dim3A_2003 = arith.constant 6 : i32
        %broadcast_in_dim3A_2004 = vector.broadcast %broadcast_in_dim3A_2003 : i32 to vector<16x1xi32>
        %gather3A_2005 = vector.shape_cast %broadcast_in_dim3A_2004 : vector<16x1xi32> to vector<16xi32>
        %gather3A_2006 = tpu.dynamic_gather %get3A_1257[%gather3A_2005] in [0] : vector<16xf32>, vector<16xi32> -> vector<16xf32>
        %add3A_2007 = arith.constant 22 : i32
        %add3A_2008 = vector.broadcast %add3A_2007 : i32 to vector<16xi32>
        %add3A_2009 = arith.addi %mul3A_1244, %add3A_2008 : vector<16xi32>
        %gather3A_2010 = tpu.vector_load_idx %arg8[%add3A_2009] : memref<1024xf32, #tpu.memory_space<vmem>>[vector<16xi32>], vector<16xf32>,
        %add3A_2011 = arith.constant 22 : i32
        %add3A_2012 = vector.broadcast %add3A_2011 : i32 to vector<16xi32>
        %add3A_2013 = arith.addi %mul3A_1247, %add3A_2012 : vector<16xi32>
        %gather3A_2014 = tpu.vector_load_idx %arg8[%add3A_2013] : memref<1024xf32, #tpu.memory_space<vmem>>[vector<16xi32>], vector<16xf32>,
        %add3A_2015 = arith.addf %gather3A_2010, %gather3A_2006 : vector<16xf32>
        %max3A_2016 = arith.constant 0.000000e+00 : f32
        %max3A_2017 = vector.broadcast %max3A_2016 : f32 to vector<16xf32>
        %max3A_2018 = arith.maximumf %add3A_2015, %max3A_2017 : vector<16xf32>
        %mul3A_2019 = arith.constant 32 : i32
        %mul3A_2020 = arith.muli %scan3A_1230, %mul3A_2019 : i32
        %add3A_2021 = arith.constant 22528 : i32
        %add3A_2022 = arith.addi %add3A_2021, %mul3A_2020 : i32
        %swap3A_2023 = arith.index_cast %add3A_2022 : i32 to index
        %swap3A_2024 = tpu.vector_load %arg9[%swap3A_2023] {strides = array<i32>} : memref<32768xf32, #tpu.memory_space<vmem>>, vector<16xf32>,
        tpu.vector_store %arg9[%swap3A_2023], %max3A_2018 {strides = array<i32>} : memref<32768xf32, #tpu.memory_space<vmem>>, vector<16xf32>,
        %add3A_2025 = arith.addf %gather3A_2014, %gather3A_2006 : vector<16xf32>
        %max3A_2026 = arith.constant 0.000000e+00 : f32
        %max3A_2027 = vector.broadcast %max3A_2026 : f32 to vector<16xf32>
        %max3A_2028 = arith.maximumf %add3A_2025, %max3A_2027 : vector<16xf32>
        %mul3A_2029 = arith.constant 32 : i32
        %mul3A_2030 = arith.muli %scan3A_1230, %mul3A_2029 : i32
        %add3A_2031 = arith.constant 22528 : i32
        %add3A_2032 = arith.addi %add3A_2031, %mul3A_2030 : i32
        %add3A_2033 = arith.constant 16 : i32
        %add3A_2034 = arith.addi %add3A_2032, %add3A_2033 : i32
        %swap3A_2035 = arith.index_cast %add3A_2034 : i32 to index
        %swap3A_2036 = tpu.vector_load %arg9[%swap3A_2035] {strides = array<i32>} : memref<32768xf32, #tpu.memory_space<vmem>>, vector<16xf32>,
        tpu.vector_store %arg9[%swap3A_2035], %max3A_2028 {strides = array<i32>} : memref<32768xf32, #tpu.memory_space<vmem>>, vector<16xf32>,
        %broadcast_in_dim3A_2037 = arith.constant 7 : i32
        %broadcast_in_dim3A_2038 = vector.broadcast %broadcast_in_dim3A_2037 : i32 to vector<16x1xi32>
        %gather3A_2039 = vector.shape_cast %broadcast_in_dim3A_2038 : vector<16x1xi32> to vector<16xi32>
        %gather3A_2040 = tpu.dynamic_gather %get3A_1257[%gather3A_2039] in [0] : vector<16xf32>, vector<16xi32> -> vector<16xf32>
        %add3A_2041 = arith.constant 23 : i32
        %add3A_2042 = vector.broadcast %add3A_2041 : i32 to vector<16xi32>
        %add3A_2043 = arith.addi %mul3A_1244, %add3A_2042 : vector<16xi32>
        %gather3A_2044 = tpu.vector_load_idx %arg8[%add3A_2043] : memref<1024xf32, #tpu.memory_space<vmem>>[vector<16xi32>], vector<16xf32>,
        %add3A_2045 = arith.constant 23 : i32
        %add3A_2046 = vector.broadcast %add3A_2045 : i32 to vector<16xi32>
        %add3A_2047 = arith.addi %mul3A_1247, %add3A_2046 : vector<16xi32>
        %gather3A_2048 = tpu.vector_load_idx %arg8[%add3A_2047] : memref<1024xf32, #tpu.memory_space<vmem>>[vector<16xi32>], vector<16xf32>,
        %add3A_2049 = arith.addf %gather3A_2044, %gather3A_2040 : vector<16xf32>
        %max3A_2050 = arith.constant 0.000000e+00 : f32
        %max3A_2051 = vector.broadcast %max3A_2050 : f32 to vector<16xf32>
        %max3A_2052 = arith.maximumf %add3A_2049, %max3A_2051 : vector<16xf32>
        %mul3A_2053 = arith.constant 32 : i32
        %mul3A_2054 = arith.muli %scan3A_1230, %mul3A_2053 : i32
        %add3A_2055 = arith.constant 23552 : i32
        %add3A_2056 = arith.addi %add3A_2055, %mul3A_2054 : i32
        %swap3A_2057 = arith.index_cast %add3A_2056 : i32 to index
        %swap3A_2058 = tpu.vector_load %arg9[%swap3A_2057] {strides = array<i32>} : memref<32768xf32, #tpu.memory_space<vmem>>, vector<16xf32>,
        tpu.vector_store %arg9[%swap3A_2057], %max3A_2052 {strides = array<i32>} : memref<32768xf32, #tpu.memory_space<vmem>>, vector<16xf32>,
        %add3A_2059 = arith.addf %gather3A_2048, %gather3A_2040 : vector<16xf32>
        %max3A_2060 = arith.constant 0.000000e+00 : f32
        %max3A_2061 = vector.broadcast %max3A_2060 : f32 to vector<16xf32>
        %max3A_2062 = arith.maximumf %add3A_2059, %max3A_2061 : vector<16xf32>
        %mul3A_2063 = arith.constant 32 : i32
        %mul3A_2064 = arith.muli %scan3A_1230, %mul3A_2063 : i32
        %add3A_2065 = arith.constant 23552 : i32
        %add3A_2066 = arith.addi %add3A_2065, %mul3A_2064 : i32
        %add3A_2067 = arith.constant 16 : i32
        %add3A_2068 = arith.addi %add3A_2066, %add3A_2067 : i32
        %swap3A_2069 = arith.index_cast %add3A_2068 : i32 to index
        %swap3A_2070 = tpu.vector_load %arg9[%swap3A_2069] {strides = array<i32>} : memref<32768xf32, #tpu.memory_space<vmem>>, vector<16xf32>,
        tpu.vector_store %arg9[%swap3A_2069], %max3A_2062 {strides = array<i32>} : memref<32768xf32, #tpu.memory_space<vmem>>, vector<16xf32>,
        %broadcast_in_dim3A_2071 = arith.constant 8 : i32
        %broadcast_in_dim3A_2072 = vector.broadcast %broadcast_in_dim3A_2071 : i32 to vector<16x1xi32>
        %gather3A_2073 = vector.shape_cast %broadcast_in_dim3A_2072 : vector<16x1xi32> to vector<16xi32>
        %gather3A_2074 = tpu.dynamic_gather %get3A_1257[%gather3A_2073] in [0] : vector<16xf32>, vector<16xi32> -> vector<16xf32>
        %add3A_2075 = arith.constant 24 : i32
        %add3A_2076 = vector.broadcast %add3A_2075 : i32 to vector<16xi32>
        %add3A_2077 = arith.addi %mul3A_1244, %add3A_2076 : vector<16xi32>
        %gather3A_2078 = tpu.vector_load_idx %arg8[%add3A_2077] : memref<1024xf32, #tpu.memory_space<vmem>>[vector<16xi32>], vector<16xf32>,
        %add3A_2079 = arith.constant 24 : i32
        %add3A_2080 = vector.broadcast %add3A_2079 : i32 to vector<16xi32>
        %add3A_2081 = arith.addi %mul3A_1247, %add3A_2080 : vector<16xi32>
        %gather3A_2082 = tpu.vector_load_idx %arg8[%add3A_2081] : memref<1024xf32, #tpu.memory_space<vmem>>[vector<16xi32>], vector<16xf32>,
        %add3A_2083 = arith.addf %gather3A_2078, %gather3A_2074 : vector<16xf32>
        %max3A_2084 = arith.constant 0.000000e+00 : f32
        %max3A_2085 = vector.broadcast %max3A_2084 : f32 to vector<16xf32>
        %max3A_2086 = arith.maximumf %add3A_2083, %max3A_2085 : vector<16xf32>
        %mul3A_2087 = arith.constant 32 : i32
        %mul3A_2088 = arith.muli %scan3A_1230, %mul3A_2087 : i32
        %add3A_2089 = arith.constant 24576 : i32
        %add3A_2090 = arith.addi %add3A_2089, %mul3A_2088 : i32
        %swap3A_2091 = arith.index_cast %add3A_2090 : i32 to index
        %swap3A_2092 = tpu.vector_load %arg9[%swap3A_2091] {strides = array<i32>} : memref<32768xf32, #tpu.memory_space<vmem>>, vector<16xf32>,
        tpu.vector_store %arg9[%swap3A_2091], %max3A_2086 {strides = array<i32>} : memref<32768xf32, #tpu.memory_space<vmem>>, vector<16xf32>,
        %add3A_2093 = arith.addf %gather3A_2082, %gather3A_2074 : vector<16xf32>
        %max3A_2094 = arith.constant 0.000000e+00 : f32
        %max3A_2095 = vector.broadcast %max3A_2094 : f32 to vector<16xf32>
        %max3A_2096 = arith.maximumf %add3A_2093, %max3A_2095 : vector<16xf32>
        %mul3A_2097 = arith.constant 32 : i32
        %mul3A_2098 = arith.muli %scan3A_1230, %mul3A_2097 : i32
        %add3A_2099 = arith.constant 24576 : i32
        %add3A_2100 = arith.addi %add3A_2099, %mul3A_2098 : i32
        %add3A_2101 = arith.constant 16 : i32
        %add3A_2102 = arith.addi %add3A_2100, %add3A_2101 : i32
        %swap3A_2103 = arith.index_cast %add3A_2102 : i32 to index
        %swap3A_2104 = tpu.vector_load %arg9[%swap3A_2103] {strides = array<i32>} : memref<32768xf32, #tpu.memory_space<vmem>>, vector<16xf32>,
        tpu.vector_store %arg9[%swap3A_2103], %max3A_2096 {strides = array<i32>} : memref<32768xf32, #tpu.memory_space<vmem>>, vector<16xf32>,
        %broadcast_in_dim3A_2105 = arith.constant 9 : i32
        %broadcast_in_dim3A_2106 = vector.broadcast %broadcast_in_dim3A_2105 : i32 to vector<16x1xi32>
        %gather3A_2107 = vector.shape_cast %broadcast_in_dim3A_2106 : vector<16x1xi32> to vector<16xi32>
        %gather3A_2108 = tpu.dynamic_gather %get3A_1257[%gather3A_2107] in [0] : vector<16xf32>, vector<16xi32> -> vector<16xf32>
        %add3A_2109 = arith.constant 25 : i32
        %add3A_2110 = vector.broadcast %add3A_2109 : i32 to vector<16xi32>
        %add3A_2111 = arith.addi %mul3A_1244, %add3A_2110 : vector<16xi32>
        %gather3A_2112 = tpu.vector_load_idx %arg8[%add3A_2111] : memref<1024xf32, #tpu.memory_space<vmem>>[vector<16xi32>], vector<16xf32>,
        %add3A_2113 = arith.constant 25 : i32
        %add3A_2114 = vector.broadcast %add3A_2113 : i32 to vector<16xi32>
        %add3A_2115 = arith.addi %mul3A_1247, %add3A_2114 : vector<16xi32>
        %gather3A_2116 = tpu.vector_load_idx %arg8[%add3A_2115] : memref<1024xf32, #tpu.memory_space<vmem>>[vector<16xi32>], vector<16xf32>,
        %add3A_2117 = arith.addf %gather3A_2112, %gather3A_2108 : vector<16xf32>
        %max3A_2118 = arith.constant 0.000000e+00 : f32
        %max3A_2119 = vector.broadcast %max3A_2118 : f32 to vector<16xf32>
        %max3A_2120 = arith.maximumf %add3A_2117, %max3A_2119 : vector<16xf32>
        %mul3A_2121 = arith.constant 32 : i32
        %mul3A_2122 = arith.muli %scan3A_1230, %mul3A_2121 : i32
        %add3A_2123 = arith.constant 25600 : i32
        %add3A_2124 = arith.addi %add3A_2123, %mul3A_2122 : i32
        %swap3A_2125 = arith.index_cast %add3A_2124 : i32 to index
        %swap3A_2126 = tpu.vector_load %arg9[%swap3A_2125] {strides = array<i32>} : memref<32768xf32, #tpu.memory_space<vmem>>, vector<16xf32>,
        tpu.vector_store %arg9[%swap3A_2125], %max3A_2120 {strides = array<i32>} : memref<32768xf32, #tpu.memory_space<vmem>>, vector<16xf32>,
        %add3A_2127 = arith.addf %gather3A_2116, %gather3A_2108 : vector<16xf32>
        %max3A_2128 = arith.constant 0.000000e+00 : f32
        %max3A_2129 = vector.broadcast %max3A_2128 : f32 to vector<16xf32>
        %max3A_2130 = arith.maximumf %add3A_2127, %max3A_2129 : vector<16xf32>
        %mul3A_2131 = arith.constant 32 : i32
        %mul3A_2132 = arith.muli %scan3A_1230, %mul3A_2131 : i32
        %add3A_2133 = arith.constant 25600 : i32
        %add3A_2134 = arith.addi %add3A_2133, %mul3A_2132 : i32
        %add3A_2135 = arith.constant 16 : i32
        %add3A_2136 = arith.addi %add3A_2134, %add3A_2135 : i32
        %swap3A_2137 = arith.index_cast %add3A_2136 : i32 to index
        %swap3A_2138 = tpu.vector_load %arg9[%swap3A_2137] {strides = array<i32>} : memref<32768xf32, #tpu.memory_space<vmem>>, vector<16xf32>,
        tpu.vector_store %arg9[%swap3A_2137], %max3A_2130 {strides = array<i32>} : memref<32768xf32, #tpu.memory_space<vmem>>, vector<16xf32>,
        %broadcast_in_dim3A_2139 = arith.constant 10 : i32
        %broadcast_in_dim3A_2140 = vector.broadcast %broadcast_in_dim3A_2139 : i32 to vector<16x1xi32>
        %gather3A_2141 = vector.shape_cast %broadcast_in_dim3A_2140 : vector<16x1xi32> to vector<16xi32>
        %gather3A_2142 = tpu.dynamic_gather %get3A_1257[%gather3A_2141] in [0] : vector<16xf32>, vector<16xi32> -> vector<16xf32>
        %add3A_2143 = arith.constant 26 : i32
        %add3A_2144 = vector.broadcast %add3A_2143 : i32 to vector<16xi32>
        %add3A_2145 = arith.addi %mul3A_1244, %add3A_2144 : vector<16xi32>
        %gather3A_2146 = tpu.vector_load_idx %arg8[%add3A_2145] : memref<1024xf32, #tpu.memory_space<vmem>>[vector<16xi32>], vector<16xf32>,
        %add3A_2147 = arith.constant 26 : i32
        %add3A_2148 = vector.broadcast %add3A_2147 : i32 to vector<16xi32>
        %add3A_2149 = arith.addi %mul3A_1247, %add3A_2148 : vector<16xi32>
        %gather3A_2150 = tpu.vector_load_idx %arg8[%add3A_2149] : memref<1024xf32, #tpu.memory_space<vmem>>[vector<16xi32>], vector<16xf32>,
        %add3A_2151 = arith.addf %gather3A_2146, %gather3A_2142 : vector<16xf32>
        %max3A_2152 = arith.constant 0.000000e+00 : f32
        %max3A_2153 = vector.broadcast %max3A_2152 : f32 to vector<16xf32>
        %max3A_2154 = arith.maximumf %add3A_2151, %max3A_2153 : vector<16xf32>
        %mul3A_2155 = arith.constant 32 : i32
        %mul3A_2156 = arith.muli %scan3A_1230, %mul3A_2155 : i32
        %add3A_2157 = arith.constant 26624 : i32
        %add3A_2158 = arith.addi %add3A_2157, %mul3A_2156 : i32
        %swap3A_2159 = arith.index_cast %add3A_2158 : i32 to index
        %swap3A_2160 = tpu.vector_load %arg9[%swap3A_2159] {strides = array<i32>} : memref<32768xf32, #tpu.memory_space<vmem>>, vector<16xf32>,
        tpu.vector_store %arg9[%swap3A_2159], %max3A_2154 {strides = array<i32>} : memref<32768xf32, #tpu.memory_space<vmem>>, vector<16xf32>,
        %add3A_2161 = arith.addf %gather3A_2150, %gather3A_2142 : vector<16xf32>
        %max3A_2162 = arith.constant 0.000000e+00 : f32
        %max3A_2163 = vector.broadcast %max3A_2162 : f32 to vector<16xf32>
        %max3A_2164 = arith.maximumf %add3A_2161, %max3A_2163 : vector<16xf32>
        %mul3A_2165 = arith.constant 32 : i32
        %mul3A_2166 = arith.muli %scan3A_1230, %mul3A_2165 : i32
        %add3A_2167 = arith.constant 26624 : i32
        %add3A_2168 = arith.addi %add3A_2167, %mul3A_2166 : i32
        %add3A_2169 = arith.constant 16 : i32
        %add3A_2170 = arith.addi %add3A_2168, %add3A_2169 : i32
        %swap3A_2171 = arith.index_cast %add3A_2170 : i32 to index
        %swap3A_2172 = tpu.vector_load %arg9[%swap3A_2171] {strides = array<i32>} : memref<32768xf32, #tpu.memory_space<vmem>>, vector<16xf32>,
        tpu.vector_store %arg9[%swap3A_2171], %max3A_2164 {strides = array<i32>} : memref<32768xf32, #tpu.memory_space<vmem>>, vector<16xf32>,
        %broadcast_in_dim3A_2173 = arith.constant 11 : i32
        %broadcast_in_dim3A_2174 = vector.broadcast %broadcast_in_dim3A_2173 : i32 to vector<16x1xi32>
        %gather3A_2175 = vector.shape_cast %broadcast_in_dim3A_2174 : vector<16x1xi32> to vector<16xi32>
        %gather3A_2176 = tpu.dynamic_gather %get3A_1257[%gather3A_2175] in [0] : vector<16xf32>, vector<16xi32> -> vector<16xf32>
        %add3A_2177 = arith.constant 27 : i32
        %add3A_2178 = vector.broadcast %add3A_2177 : i32 to vector<16xi32>
        %add3A_2179 = arith.addi %mul3A_1244, %add3A_2178 : vector<16xi32>
        %gather3A_2180 = tpu.vector_load_idx %arg8[%add3A_2179] : memref<1024xf32, #tpu.memory_space<vmem>>[vector<16xi32>], vector<16xf32>,
        %add3A_2181 = arith.constant 27 : i32
        %add3A_2182 = vector.broadcast %add3A_2181 : i32 to vector<16xi32>
        %add3A_2183 = arith.addi %mul3A_1247, %add3A_2182 : vector<16xi32>
        %gather3A_2184 = tpu.vector_load_idx %arg8[%add3A_2183] : memref<1024xf32, #tpu.memory_space<vmem>>[vector<16xi32>], vector<16xf32>,
        %add3A_2185 = arith.addf %gather3A_2180, %gather3A_2176 : vector<16xf32>
        %max3A_2186 = arith.constant 0.000000e+00 : f32
        %max3A_2187 = vector.broadcast %max3A_2186 : f32 to vector<16xf32>
        %max3A_2188 = arith.maximumf %add3A_2185, %max3A_2187 : vector<16xf32>
        %mul3A_2189 = arith.constant 32 : i32
        %mul3A_2190 = arith.muli %scan3A_1230, %mul3A_2189 : i32
        %add3A_2191 = arith.constant 27648 : i32
        %add3A_2192 = arith.addi %add3A_2191, %mul3A_2190 : i32
        %swap3A_2193 = arith.index_cast %add3A_2192 : i32 to index
        %swap3A_2194 = tpu.vector_load %arg9[%swap3A_2193] {strides = array<i32>} : memref<32768xf32, #tpu.memory_space<vmem>>, vector<16xf32>,
        tpu.vector_store %arg9[%swap3A_2193], %max3A_2188 {strides = array<i32>} : memref<32768xf32, #tpu.memory_space<vmem>>, vector<16xf32>,
        %add3A_2195 = arith.addf %gather3A_2184, %gather3A_2176 : vector<16xf32>
        %max3A_2196 = arith.constant 0.000000e+00 : f32
        %max3A_2197 = vector.broadcast %max3A_2196 : f32 to vector<16xf32>
        %max3A_2198 = arith.maximumf %add3A_2195, %max3A_2197 : vector<16xf32>
        %mul3A_2199 = arith.constant 32 : i32
        %mul3A_2200 = arith.muli %scan3A_1230, %mul3A_2199 : i32
        %add3A_2201 = arith.constant 27648 : i32
        %add3A_2202 = arith.addi %add3A_2201, %mul3A_2200 : i32
        %add3A_2203 = arith.constant 16 : i32
        %add3A_2204 = arith.addi %add3A_2202, %add3A_2203 : i32
        %swap3A_2205 = arith.index_cast %add3A_2204 : i32 to index
        %swap3A_2206 = tpu.vector_load %arg9[%swap3A_2205] {strides = array<i32>} : memref<32768xf32, #tpu.memory_space<vmem>>, vector<16xf32>,
        tpu.vector_store %arg9[%swap3A_2205], %max3A_2198 {strides = array<i32>} : memref<32768xf32, #tpu.memory_space<vmem>>, vector<16xf32>,
        %broadcast_in_dim3A_2207 = arith.constant 12 : i32
        %broadcast_in_dim3A_2208 = vector.broadcast %broadcast_in_dim3A_2207 : i32 to vector<16x1xi32>
        %gather3A_2209 = vector.shape_cast %broadcast_in_dim3A_2208 : vector<16x1xi32> to vector<16xi32>
        %gather3A_2210 = tpu.dynamic_gather %get3A_1257[%gather3A_2209] in [0] : vector<16xf32>, vector<16xi32> -> vector<16xf32>
        %add3A_2211 = arith.constant 28 : i32
        %add3A_2212 = vector.broadcast %add3A_2211 : i32 to vector<16xi32>
        %add3A_2213 = arith.addi %mul3A_1244, %add3A_2212 : vector<16xi32>
        %gather3A_2214 = tpu.vector_load_idx %arg8[%add3A_2213] : memref<1024xf32, #tpu.memory_space<vmem>>[vector<16xi32>], vector<16xf32>,
        %add3A_2215 = arith.constant 28 : i32
        %add3A_2216 = vector.broadcast %add3A_2215 : i32 to vector<16xi32>
        %add3A_2217 = arith.addi %mul3A_1247, %add3A_2216 : vector<16xi32>
        %gather3A_2218 = tpu.vector_load_idx %arg8[%add3A_2217] : memref<1024xf32, #tpu.memory_space<vmem>>[vector<16xi32>], vector<16xf32>,
        %add3A_2219 = arith.addf %gather3A_2214, %gather3A_2210 : vector<16xf32>
        %max3A_2220 = arith.constant 0.000000e+00 : f32
        %max3A_2221 = vector.broadcast %max3A_2220 : f32 to vector<16xf32>
        %max3A_2222 = arith.maximumf %add3A_2219, %max3A_2221 : vector<16xf32>
        %mul3A_2223 = arith.constant 32 : i32
        %mul3A_2224 = arith.muli %scan3A_1230, %mul3A_2223 : i32
        %add3A_2225 = arith.constant 28672 : i32
        %add3A_2226 = arith.addi %add3A_2225, %mul3A_2224 : i32
        %swap3A_2227 = arith.index_cast %add3A_2226 : i32 to index
        %swap3A_2228 = tpu.vector_load %arg9[%swap3A_2227] {strides = array<i32>} : memref<32768xf32, #tpu.memory_space<vmem>>, vector<16xf32>,
        tpu.vector_store %arg9[%swap3A_2227], %max3A_2222 {strides = array<i32>} : memref<32768xf32, #tpu.memory_space<vmem>>, vector<16xf32>,
        %add3A_2229 = arith.addf %gather3A_2218, %gather3A_2210 : vector<16xf32>
        %max3A_2230 = arith.constant 0.000000e+00 : f32
        %max3A_2231 = vector.broadcast %max3A_2230 : f32 to vector<16xf32>
        %max3A_2232 = arith.maximumf %add3A_2229, %max3A_2231 : vector<16xf32>
        %mul3A_2233 = arith.constant 32 : i32
        %mul3A_2234 = arith.muli %scan3A_1230, %mul3A_2233 : i32
        %add3A_2235 = arith.constant 28672 : i32
        %add3A_2236 = arith.addi %add3A_2235, %mul3A_2234 : i32
        %add3A_2237 = arith.constant 16 : i32
        %add3A_2238 = arith.addi %add3A_2236, %add3A_2237 : i32
        %swap3A_2239 = arith.index_cast %add3A_2238 : i32 to index
        %swap3A_2240 = tpu.vector_load %arg9[%swap3A_2239] {strides = array<i32>} : memref<32768xf32, #tpu.memory_space<vmem>>, vector<16xf32>,
        tpu.vector_store %arg9[%swap3A_2239], %max3A_2232 {strides = array<i32>} : memref<32768xf32, #tpu.memory_space<vmem>>, vector<16xf32>,
        %broadcast_in_dim3A_2241 = arith.constant 13 : i32
        %broadcast_in_dim3A_2242 = vector.broadcast %broadcast_in_dim3A_2241 : i32 to vector<16x1xi32>
        %gather3A_2243 = vector.shape_cast %broadcast_in_dim3A_2242 : vector<16x1xi32> to vector<16xi32>
        %gather3A_2244 = tpu.dynamic_gather %get3A_1257[%gather3A_2243] in [0] : vector<16xf32>, vector<16xi32> -> vector<16xf32>
        %add3A_2245 = arith.constant 29 : i32
        %add3A_2246 = vector.broadcast %add3A_2245 : i32 to vector<16xi32>
        %add3A_2247 = arith.addi %mul3A_1244, %add3A_2246 : vector<16xi32>
        %gather3A_2248 = tpu.vector_load_idx %arg8[%add3A_2247] : memref<1024xf32, #tpu.memory_space<vmem>>[vector<16xi32>], vector<16xf32>,
        %add3A_2249 = arith.constant 29 : i32
        %add3A_2250 = vector.broadcast %add3A_2249 : i32 to vector<16xi32>
        %add3A_2251 = arith.addi %mul3A_1247, %add3A_2250 : vector<16xi32>
        %gather3A_2252 = tpu.vector_load_idx %arg8[%add3A_2251] : memref<1024xf32, #tpu.memory_space<vmem>>[vector<16xi32>], vector<16xf32>,
        %add3A_2253 = arith.addf %gather3A_2248, %gather3A_2244 : vector<16xf32>
        %max3A_2254 = arith.constant 0.000000e+00 : f32
        %max3A_2255 = vector.broadcast %max3A_2254 : f32 to vector<16xf32>
        %max3A_2256 = arith.maximumf %add3A_2253, %max3A_2255 : vector<16xf32>
        %mul3A_2257 = arith.constant 32 : i32
        %mul3A_2258 = arith.muli %scan3A_1230, %mul3A_2257 : i32
        %add3A_2259 = arith.constant 29696 : i32
        %add3A_2260 = arith.addi %add3A_2259, %mul3A_2258 : i32
        %swap3A_2261 = arith.index_cast %add3A_2260 : i32 to index
        %swap3A_2262 = tpu.vector_load %arg9[%swap3A_2261] {strides = array<i32>} : memref<32768xf32, #tpu.memory_space<vmem>>, vector<16xf32>,
        tpu.vector_store %arg9[%swap3A_2261], %max3A_2256 {strides = array<i32>} : memref<32768xf32, #tpu.memory_space<vmem>>, vector<16xf32>,
        %add3A_2263 = arith.addf %gather3A_2252, %gather3A_2244 : vector<16xf32>
        %max3A_2264 = arith.constant 0.000000e+00 : f32
        %max3A_2265 = vector.broadcast %max3A_2264 : f32 to vector<16xf32>
        %max3A_2266 = arith.maximumf %add3A_2263, %max3A_2265 : vector<16xf32>
        %mul3A_2267 = arith.constant 32 : i32
        %mul3A_2268 = arith.muli %scan3A_1230, %mul3A_2267 : i32
        %add3A_2269 = arith.constant 29696 : i32
        %add3A_2270 = arith.addi %add3A_2269, %mul3A_2268 : i32
        %add3A_2271 = arith.constant 16 : i32
        %add3A_2272 = arith.addi %add3A_2270, %add3A_2271 : i32
        %swap3A_2273 = arith.index_cast %add3A_2272 : i32 to index
        %swap3A_2274 = tpu.vector_load %arg9[%swap3A_2273] {strides = array<i32>} : memref<32768xf32, #tpu.memory_space<vmem>>, vector<16xf32>,
        tpu.vector_store %arg9[%swap3A_2273], %max3A_2266 {strides = array<i32>} : memref<32768xf32, #tpu.memory_space<vmem>>, vector<16xf32>,
        %broadcast_in_dim3A_2275 = arith.constant 14 : i32
        %broadcast_in_dim3A_2276 = vector.broadcast %broadcast_in_dim3A_2275 : i32 to vector<16x1xi32>
        %gather3A_2277 = vector.shape_cast %broadcast_in_dim3A_2276 : vector<16x1xi32> to vector<16xi32>
        %gather3A_2278 = tpu.dynamic_gather %get3A_1257[%gather3A_2277] in [0] : vector<16xf32>, vector<16xi32> -> vector<16xf32>
        %add3A_2279 = arith.constant 30 : i32
        %add3A_2280 = vector.broadcast %add3A_2279 : i32 to vector<16xi32>
        %add3A_2281 = arith.addi %mul3A_1244, %add3A_2280 : vector<16xi32>
        %gather3A_2282 = tpu.vector_load_idx %arg8[%add3A_2281] : memref<1024xf32, #tpu.memory_space<vmem>>[vector<16xi32>], vector<16xf32>,
        %add3A_2283 = arith.constant 30 : i32
        %add3A_2284 = vector.broadcast %add3A_2283 : i32 to vector<16xi32>
        %add3A_2285 = arith.addi %mul3A_1247, %add3A_2284 : vector<16xi32>
        %gather3A_2286 = tpu.vector_load_idx %arg8[%add3A_2285] : memref<1024xf32, #tpu.memory_space<vmem>>[vector<16xi32>], vector<16xf32>,
        %add3A_2287 = arith.addf %gather3A_2282, %gather3A_2278 : vector<16xf32>
        %max3A_2288 = arith.constant 0.000000e+00 : f32
        %max3A_2289 = vector.broadcast %max3A_2288 : f32 to vector<16xf32>
        %max3A_2290 = arith.maximumf %add3A_2287, %max3A_2289 : vector<16xf32>
        %mul3A_2291 = arith.constant 32 : i32
        %mul3A_2292 = arith.muli %scan3A_1230, %mul3A_2291 : i32
        %add3A_2293 = arith.constant 30720 : i32
        %add3A_2294 = arith.addi %add3A_2293, %mul3A_2292 : i32
        %swap3A_2295 = arith.index_cast %add3A_2294 : i32 to index
        %swap3A_2296 = tpu.vector_load %arg9[%swap3A_2295] {strides = array<i32>} : memref<32768xf32, #tpu.memory_space<vmem>>, vector<16xf32>,
        tpu.vector_store %arg9[%swap3A_2295], %max3A_2290 {strides = array<i32>} : memref<32768xf32, #tpu.memory_space<vmem>>, vector<16xf32>,
        %add3A_2297 = arith.addf %gather3A_2286, %gather3A_2278 : vector<16xf32>
        %max3A_2298 = arith.constant 0.000000e+00 : f32
        %max3A_2299 = vector.broadcast %max3A_2298 : f32 to vector<16xf32>
        %max3A_2300 = arith.maximumf %add3A_2297, %max3A_2299 : vector<16xf32>
        %mul3A_2301 = arith.constant 32 : i32
        %mul3A_2302 = arith.muli %scan3A_1230, %mul3A_2301 : i32
        %add3A_2303 = arith.constant 30720 : i32
        %add3A_2304 = arith.addi %add3A_2303, %mul3A_2302 : i32
        %add3A_2305 = arith.constant 16 : i32
        %add3A_2306 = arith.addi %add3A_2304, %add3A_2305 : i32
        %swap3A_2307 = arith.index_cast %add3A_2306 : i32 to index
        %swap3A_2308 = tpu.vector_load %arg9[%swap3A_2307] {strides = array<i32>} : memref<32768xf32, #tpu.memory_space<vmem>>, vector<16xf32>,
        tpu.vector_store %arg9[%swap3A_2307], %max3A_2300 {strides = array<i32>} : memref<32768xf32, #tpu.memory_space<vmem>>, vector<16xf32>,
        %broadcast_in_dim3A_2309 = arith.constant 15 : i32
        %broadcast_in_dim3A_2310 = vector.broadcast %broadcast_in_dim3A_2309 : i32 to vector<16x1xi32>
        %gather3A_2311 = vector.shape_cast %broadcast_in_dim3A_2310 : vector<16x1xi32> to vector<16xi32>
        %gather3A_2312 = tpu.dynamic_gather %get3A_1257[%gather3A_2311] in [0] : vector<16xf32>, vector<16xi32> -> vector<16xf32>
        %add3A_2313 = arith.constant 31 : i32
        %add3A_2314 = vector.broadcast %add3A_2313 : i32 to vector<16xi32>
        %add3A_2315 = arith.addi %mul3A_1244, %add3A_2314 : vector<16xi32>
        %gather3A_2316 = tpu.vector_load_idx %arg8[%add3A_2315] : memref<1024xf32, #tpu.memory_space<vmem>>[vector<16xi32>], vector<16xf32>,
        %add3A_2317 = arith.constant 31 : i32
        %add3A_2318 = vector.broadcast %add3A_2317 : i32 to vector<16xi32>
        %add3A_2319 = arith.addi %mul3A_1247, %add3A_2318 : vector<16xi32>
        %gather3A_2320 = tpu.vector_load_idx %arg8[%add3A_2319] : memref<1024xf32, #tpu.memory_space<vmem>>[vector<16xi32>], vector<16xf32>,
        %add3A_2321 = arith.addf %gather3A_2316, %gather3A_2312 : vector<16xf32>
        %max3A_2322 = arith.constant 0.000000e+00 : f32
        %max3A_2323 = vector.broadcast %max3A_2322 : f32 to vector<16xf32>
        %max3A_2324 = arith.maximumf %add3A_2321, %max3A_2323 : vector<16xf32>
        %mul3A_2325 = arith.constant 32 : i32
        %mul3A_2326 = arith.muli %scan3A_1230, %mul3A_2325 : i32
        %add3A_2327 = arith.constant 31744 : i32
        %add3A_2328 = arith.addi %add3A_2327, %mul3A_2326 : i32
        %swap3A_2329 = arith.index_cast %add3A_2328 : i32 to index
        %swap3A_2330 = tpu.vector_load %arg9[%swap3A_2329] {strides = array<i32>} : memref<32768xf32, #tpu.memory_space<vmem>>, vector<16xf32>,
        tpu.vector_store %arg9[%swap3A_2329], %max3A_2324 {strides = array<i32>} : memref<32768xf32, #tpu.memory_space<vmem>>, vector<16xf32>,
        %add3A_2331 = arith.addf %gather3A_2320, %gather3A_2312 : vector<16xf32>
        %max3A_2332 = arith.constant 0.000000e+00 : f32
        %max3A_2333 = vector.broadcast %max3A_2332 : f32 to vector<16xf32>
        %max3A_2334 = arith.maximumf %add3A_2331, %max3A_2333 : vector<16xf32>
        %mul3A_2335 = arith.constant 32 : i32
        %mul3A_2336 = arith.muli %scan3A_1230, %mul3A_2335 : i32
        %add3A_2337 = arith.constant 31744 : i32
        %add3A_2338 = arith.addi %add3A_2337, %mul3A_2336 : i32
        %add3A_2339 = arith.constant 16 : i32
        %add3A_2340 = arith.addi %add3A_2338, %add3A_2339 : i32
        %swap3A_2341 = arith.index_cast %add3A_2340 : i32 to index
        %swap3A_2342 = tpu.vector_load %arg9[%swap3A_2341] {strides = array<i32>} : memref<32768xf32, #tpu.memory_space<vmem>>, vector<16xf32>,
        tpu.vector_store %arg9[%swap3A_2341], %max3A_2334 {strides = array<i32>} : memref<32768xf32, #tpu.memory_space<vmem>>, vector<16xf32>,
      }
      %scan3A_1229 = arith.constant 32 : i32
      "tpu.region"() ({
        %run_scoped3A = tpu.sem_alloc : memref<!tpu.dma_semaphore, #tpu.memory_space<semaphore_mem>>
        %dma_start3A = arith.constant 0 : i32
        %dma_start3A_1230 = tpu.memref_slice %arg4[%add3A_9, %dma_start3A] : memref<1024x32768xf32, #tpu.memory_space<hbm>> -> memref<1x32768xf32, #tpu.memory_space<hbm>>
        %dma_start3A_1231 = tpu.memref_squeeze %dma_start3A_1230 : memref<1x32768xf32, #tpu.memory_space<hbm>> -> memref<32768xf32, #tpu.memory_space<hbm>>
        %dma_start3A_1232 = arith.constant 0 : i32
        %dma_start3A_1233 = tpu.memref_slice %arg4[%add3A_9, %dma_start3A_1232] : memref<1024x32768xf32, #tpu.memory_space<hbm>> -> memref<1x32768xf32, #tpu.memory_space<hbm>>
        %dma_start3A_1234 = tpu.memref_squeeze %dma_start3A_1233 : memref<1x32768xf32, #tpu.memory_space<hbm>> -> memref<32768xf32, #tpu.memory_space<hbm>>
        tpu.enqueue_dma source(%arg9 : memref<32768xf32, #tpu.memory_space<vmem>>) target(%dma_start3A_1234 : memref<32768xf32, #tpu.memory_space<hbm>>) target_semaphore(%run_scoped3A : memref<!tpu.dma_semaphore, #tpu.memory_space<semaphore_mem>>)
        %dma_wait3A = arith.constant 0 : i32
        %dma_wait3A_1235 = tpu.memref_slice %arg4[%add3A_9, %dma_wait3A] : memref<1024x32768xf32, #tpu.memory_space<hbm>> -> memref<1x32768xf32, #tpu.memory_space<hbm>>
        %dma_wait3A_1236 = tpu.memref_squeeze %dma_wait3A_1235 : memref<1x32768xf32, #tpu.memory_space<hbm>> -> memref<32768xf32, #tpu.memory_space<hbm>>
        %dma_wait3A_1237 = arith.constant 0 : i32
        %dma_wait3A_1238 = tpu.memref_slice %arg4[%add3A_9, %dma_wait3A_1237] : memref<1024x32768xf32, #tpu.memory_space<hbm>> -> memref<1x32768xf32, #tpu.memory_space<hbm>>
        %dma_wait3A_1239 = tpu.memref_squeeze %dma_wait3A_1238 : memref<1x32768xf32, #tpu.memory_space<hbm>> -> memref<32768xf32, #tpu.memory_space<hbm>>
        tpu.wait_dma2 semaphore(%run_scoped3A : memref<!tpu.dma_semaphore, #tpu.memory_space<semaphore_mem>>) src(%arg9 : memref<32768xf32, #tpu.memory_space<vmem>>) dst(%dma_wait3A_1239 : memref<32768xf32, #tpu.memory_space<hbm>>)
        tpu.yield
      }) : () -> ()
    }
    %scan3A_5 = arith.constant 32 : i32
    return
  }
}

module attributes {stable_mosaic.version = 14 : i64} {
  func.func @_pass1_body(%arg0: i32, %arg1: memref<32x32x32xf32, #tpu.memory_space<vmem>>, %arg2: memref<32x32xf32, #tpu.memory_space<vmem>>, %arg3: memref<32x32xf32, #tpu.memory_space<vmem>>, %arg4: memref<32x96x32xf32, #tpu.memory_space<vmem>>, %arg5: memref<8x32xf32, #tpu.memory_space<vmem>>) attributes {dimension_semantics = [#tpu.dimension_semantics<arbitrary>], iteration_bounds = array<i64: 32>, scalar_prefetch = 0 : i64, scratch_operands = 0 : i64, tpu.core_type = #tpu.core_type<tc>, window_params = [{transform_indices = @transform_0, window_bounds = array<i64: 32, 32, 32>}, {pipeline_mode = #tpu.pipeline_mode<synchronous>, transform_indices = @transform_1, window_bounds = array<i64: 32, 32>}, {pipeline_mode = #tpu.pipeline_mode<synchronous>, transform_indices = @transform_2, window_bounds = array<i64: 32, 32>}, {transform_indices = @transform_3, window_bounds = array<i64: 32, 96, 32>}, {pipeline_mode = #tpu.pipeline_mode<synchronous>, transform_indices = @transform_4, window_bounds = array<i64: 8, 32>}]} {
    %get3A = arith.constant 0 : index
    %get3A_0 = arith.constant 0 : index
    %get3A_1 = arith.constant 0 : index
    %get3A_2 = vector.load %arg1[%get3A, %get3A_0, %get3A_1] : memref<32x32x32xf32, #tpu.memory_space<vmem>>, vector<32x32x32xf32>
    %get3A_3 = arith.constant 0 : index
    %get3A_4 = arith.constant 0 : index
    %get3A_5 = vector.load %arg2[%get3A_3, %get3A_4] : memref<32x32xf32, #tpu.memory_space<vmem>>, vector<32x32xf32>
    %get3A_6 = arith.constant 0 : index
    %get3A_7 = arith.constant 0 : index
    %get3A_8 = vector.load %arg3[%get3A_6, %get3A_7] : memref<32x32xf32, #tpu.memory_space<vmem>>, vector<32x32xf32>
    %dot_general3A = arith.constant dense<0.000000e+00> : vector<32x32x32xf32>
    %dot_general3A_9 = tpu.matmul %get3A_2, %get3A_5, %dot_general3A {dimension_numbers = #tpu.dot_dimension_numbers<[2], [1], [0, 1], [0], [0, 0, 0, 1, 1, 0], [], []>, transpose_lhs_hint = false} : vector<32x32x32xf32>, vector<32x32xf32>, vector<32x32x32xf32> -> vector<32x32x32xf32>
    %dot_general3A_10 = arith.constant dense<0.000000e+00> : vector<32x32x32xf32>
    %dot_general3A_11 = tpu.matmul %get3A_2, %get3A_8, %dot_general3A_10 {dimension_numbers = #tpu.dot_dimension_numbers<[2], [1], [0, 1], [0], [0, 0, 0, 1, 1, 0], [], []>, transpose_lhs_hint = false} : vector<32x32x32xf32>, vector<32x32xf32>, vector<32x32x32xf32> -> vector<32x32x32xf32>
    %mul3A = arith.mulf %get3A_2, %get3A_2 : vector<32x32x32xf32>
    %reduce_sum3A = arith.constant dense<0.000000e+00> : vector<32x32xf32>
    %reduce_sum3A_12 = vector.multi_reduction <add>, %mul3A, %reduce_sum3A [1] : vector<32x32x32xf32> to vector<32x32xf32>
    %dot_general3A_13 = arith.constant dense<0.000000e+00> : vector<32x32x32xf32>
    %dot_general3A_14 = tpu.matmul %get3A_2, %get3A_2, %dot_general3A_13 {dimension_numbers = #tpu.dot_dimension_numbers<[1], [1], [2], [2], [0, 0, 0, 2, 1, 2], [0], [0]>, transpose_lhs_hint = false} : vector<32x32x32xf32>, vector<32x32x32xf32>, vector<32x32x32xf32> -> vector<32x32x32xf32>
    %broadcast_in_dim3A = vector.shape_cast %reduce_sum3A_12 : vector<32x32xf32> to vector<32x32x1xf32>
    %broadcast_in_dim3A_15 = vector.shape_cast %reduce_sum3A_12 : vector<32x32xf32> to vector<32x1x32xf32>
    %add3A = vector.broadcast %broadcast_in_dim3A : vector<32x32x1xf32> to vector<32x32x32xf32>
    %add3A_16 = vector.broadcast %broadcast_in_dim3A_15 : vector<32x1x32xf32> to vector<32x32x32xf32>
    %add3A_17 = arith.addf %add3A, %add3A_16 : vector<32x32x32xf32>
    %mul3A_18 = arith.constant 2.000000e+00 : f32
    %mul3A_19 = vector.broadcast %mul3A_18 : f32 to vector<32x32x32xf32>
    %mul3A_20 = arith.mulf %mul3A_19, %dot_general3A_14 : vector<32x32x32xf32>
    %sub3A = arith.subf %add3A_17, %mul3A_20 : vector<32x32x32xf32>
    %max3A = arith.constant 0.000000e+00 : f32
    %max3A_21 = vector.broadcast %max3A : f32 to vector<32x32x32xf32>
    %max3A_22 = arith.maximumf %sub3A, %max3A_21 : vector<32x32x32xf32>
    %broadcast_in_dim3A_23 = vector.shape_cast %max3A_22 : vector<32x32x32xf32> to vector<32x32x32x1xf32>
    %broadcast_in_dim3A_24 = vector.shape_cast %max3A_22 : vector<32x32x32xf32> to vector<32x32x1x32xf32>
    %iota3A = tpu.iota {dimensions = array<i32: 2>} : vector<1x1x32x32xi32>
    %iota3A_25 = tpu.iota {dimensions = array<i32: 3>} : vector<1x1x32x32xi32>
    %lt3A = vector.broadcast %broadcast_in_dim3A_23 : vector<32x32x32x1xf32> to vector<32x32x32x32xf32>
    %lt3A_26 = vector.broadcast %broadcast_in_dim3A_24 : vector<32x32x1x32xf32> to vector<32x32x32x32xf32>
    %lt3A_27 = arith.cmpf olt, %lt3A, %lt3A_26 : vector<32x32x32x32xf32>
    %eq3A = vector.broadcast %broadcast_in_dim3A_23 : vector<32x32x32x1xf32> to vector<32x32x32x32xf32>
    %eq3A_28 = vector.broadcast %broadcast_in_dim3A_24 : vector<32x32x1x32xf32> to vector<32x32x32x32xf32>
    %eq3A_29 = arith.cmpf oeq, %eq3A, %eq3A_28 : vector<32x32x32x32xf32>
    %lt3A_30 = arith.cmpi slt, %iota3A, %iota3A_25 : vector<1x1x32x32xi32>
    %and3A = vector.broadcast %lt3A_30 : vector<1x1x32x32xi1> to vector<32x32x32x32xi1>
    %and3A_31 = arith.andi %eq3A_29, %and3A : vector<32x32x32x32xi1>
    %or3A = arith.ori %lt3A_27, %and3A_31 : vector<32x32x32x32xi1>
    %convert_element_type3A = arith.extui %or3A : vector<32x32x32x32xi1> to vector<32x32x32x32xi32>
    %convert_element_type3A_32 = arith.sitofp %convert_element_type3A : vector<32x32x32x32xi32> to vector<32x32x32x32xf32>
    %reduce_sum3A_33 = arith.constant dense<0.000000e+00> : vector<32x32x32xf32>
    %reduce_sum3A_34 = vector.multi_reduction <add>, %convert_element_type3A_32, %reduce_sum3A_33 [2] : vector<32x32x32x32xf32> to vector<32x32x32xf32>
    %iota3A_35 = tpu.iota {dimensions = array<i32: 3>} : vector<1x1x1x32xi32>
    %convert_element_type3A_36 = arith.sitofp %iota3A_35 : vector<1x1x1x32xi32> to vector<1x1x1x32xf32>
    %broadcast_in_dim3A_37 = vector.shape_cast %reduce_sum3A_34 : vector<32x32x32xf32> to vector<32x32x32x1xf32>
    %eq3A_38 = vector.broadcast %broadcast_in_dim3A_37 : vector<32x32x32x1xf32> to vector<32x32x32x32xf32>
    %eq3A_39 = vector.broadcast %convert_element_type3A_36 : vector<1x1x1x32xf32> to vector<32x32x32x32xf32>
    %eq3A_40 = arith.cmpf oeq, %eq3A_38, %eq3A_39 : vector<32x32x32x32xf32>
    %convert_element_type3A_41 = arith.extui %eq3A_40 : vector<32x32x32x32xi1> to vector<32x32x32x32xi32>
    %convert_element_type3A_42 = arith.sitofp %convert_element_type3A_41 : vector<32x32x32x32xi32> to vector<32x32x32x32xf32>
    %iota3A_43 = tpu.iota {dimensions = array<i32: 2>} : vector<1x1x32x1xi32>
    %convert_element_type3A_44 = arith.sitofp %iota3A_43 : vector<1x1x32x1xi32> to vector<1x1x32x1xf32>
    %mul3A_45 = vector.broadcast %convert_element_type3A_44 : vector<1x1x32x1xf32> to vector<32x32x32x32xf32>
    %mul3A_46 = arith.mulf %convert_element_type3A_42, %mul3A_45 : vector<32x32x32x32xf32>
    %reduce_sum3A_47 = arith.constant dense<0.000000e+00> : vector<32x32x32xf32>
    %reduce_sum3A_48 = vector.multi_reduction <add>, %mul3A_46, %reduce_sum3A_47 [2] : vector<32x32x32x32xf32> to vector<32x32x32xf32>
    %concatenate3A = tpu.concatenate %dot_general3A_9, %dot_general3A_11, %reduce_sum3A_48 in 1 : vector<32x32x32xf32>, vector<32x32x32xf32>, vector<32x32x32xf32> -> vector<32x96x32xf32>
    %swap3A = arith.constant 0 : index
    %swap3A_49 = arith.constant 0 : index
    %swap3A_50 = arith.constant 0 : index
    %swap3A_51 = vector.load %arg4[%swap3A, %swap3A_49, %swap3A_50] : memref<32x96x32xf32, #tpu.memory_space<vmem>>, vector<32x96x32xf32>
    tpu.vector_store %arg4[%swap3A, %swap3A_49, %swap3A_50], %concatenate3A {strides = array<i32>} : memref<32x96x32xf32, #tpu.memory_space<vmem>>, vector<32x96x32xf32>,
    %reduce_sum3A_52 = arith.constant dense<0.000000e+00> : vector<32x32xf32>
    %reduce_sum3A_53 = vector.multi_reduction <add>, %dot_general3A_9, %reduce_sum3A_52 [1] : vector<32x32x32xf32> to vector<32x32xf32>
    %reduce_sum3A_54 = arith.constant dense<0.000000e+00> : vector<32x32xf32>
    %reduce_sum3A_55 = vector.multi_reduction <add>, %dot_general3A_11, %reduce_sum3A_54 [1] : vector<32x32x32xf32> to vector<32x32xf32>
    %reduce_sum3A_56 = arith.constant dense<0.000000e+00> : vector<32xf32>
    %reduce_sum3A_57 = vector.multi_reduction <add>, %reduce_sum3A_53, %reduce_sum3A_56 [0] : vector<32x32xf32> to vector<32xf32>
    %reduce_sum3A_58 = arith.constant dense<0.000000e+00> : vector<32xf32>
    %reduce_sum3A_59 = vector.multi_reduction <add>, %reduce_sum3A_55, %reduce_sum3A_58 [0] : vector<32x32xf32> to vector<32xf32>
    %mul3A_60 = arith.mulf %dot_general3A_9, %dot_general3A_9 : vector<32x32x32xf32>
    %reduce_sum3A_61 = arith.constant dense<0.000000e+00> : vector<32xf32>
    %reduce_sum3A_62 = vector.multi_reduction <add>, %mul3A_60, %reduce_sum3A_61 [0, 1] : vector<32x32x32xf32> to vector<32xf32>
    %mul3A_63 = arith.mulf %dot_general3A_11, %dot_general3A_11 : vector<32x32x32xf32>
    %reduce_sum3A_64 = arith.constant dense<0.000000e+00> : vector<32xf32>
    %reduce_sum3A_65 = vector.multi_reduction <add>, %mul3A_63, %reduce_sum3A_64 [0, 1] : vector<32x32x32xf32> to vector<32xf32>
    %mul3A_66 = arith.mulf %reduce_sum3A_53, %reduce_sum3A_55 : vector<32x32xf32>
    %reduce_sum3A_67 = arith.constant dense<0.000000e+00> : vector<32xf32>
    %reduce_sum3A_68 = vector.multi_reduction <add>, %mul3A_66, %reduce_sum3A_67 [0] : vector<32x32xf32> to vector<32xf32>
    %broadcast_in_dim3A_69 = arith.constant 0.000000e+00 : f32
    %broadcast_in_dim3A_70 = vector.broadcast %broadcast_in_dim3A_69 : f32 to vector<32xf32>
    %stack3A = vector.shape_cast %reduce_sum3A_57 : vector<32xf32> to vector<1x32xf32>
    %stack3A_71 = vector.shape_cast %reduce_sum3A_59 : vector<32xf32> to vector<1x32xf32>
    %stack3A_72 = vector.shape_cast %reduce_sum3A_62 : vector<32xf32> to vector<1x32xf32>
    %stack3A_73 = vector.shape_cast %reduce_sum3A_65 : vector<32xf32> to vector<1x32xf32>
    %stack3A_74 = vector.shape_cast %reduce_sum3A_68 : vector<32xf32> to vector<1x32xf32>
    %stack3A_75 = vector.shape_cast %broadcast_in_dim3A_70 : vector<32xf32> to vector<1x32xf32>
    %stack3A_76 = vector.shape_cast %broadcast_in_dim3A_70 : vector<32xf32> to vector<1x32xf32>
    %stack3A_77 = vector.shape_cast %broadcast_in_dim3A_70 : vector<32xf32> to vector<1x32xf32>
    %stack3A_78 = tpu.concatenate %stack3A, %stack3A_71, %stack3A_72, %stack3A_73, %stack3A_74, %stack3A_75, %stack3A_76, %stack3A_77 in 0 : vector<1x32xf32>, vector<1x32xf32>, vector<1x32xf32>, vector<1x32xf32>, vector<1x32xf32>, vector<1x32xf32>, vector<1x32xf32>, vector<1x32xf32> -> vector<8x32xf32>
    %eq3A_79 = arith.constant 0 : i32
    %eq3A_80 = arith.cmpi eq, %arg0, %eq3A_79 : i32
    %convert_element_type3A_81 = arith.extui %eq3A_80 : i1 to i32
    %cond3A = arith.constant 0 : i32
    %cond3A_82 = arith.cmpi ne, %convert_element_type3A_81, %cond3A : i32
    scf.if %cond3A_82 {
      %swap3A_87 = arith.constant 0 : index
      %swap3A_88 = arith.constant 0 : index
      %swap3A_89 = vector.load %arg5[%swap3A_87, %swap3A_88] : memref<8x32xf32, #tpu.memory_space<vmem>>, vector<8x32xf32>
      tpu.vector_store %arg5[%swap3A_87, %swap3A_88], %stack3A_78 {strides = array<i32>} : memref<8x32xf32, #tpu.memory_space<vmem>>, vector<8x32xf32>,
    } else {
    }
    %ne3A = arith.constant 0 : i32
    %ne3A_83 = arith.cmpi ne, %arg0, %ne3A : i32
    %convert_element_type3A_84 = arith.extui %ne3A_83 : i1 to i32
    %cond3A_85 = arith.constant 0 : i32
    %cond3A_86 = arith.cmpi ne, %convert_element_type3A_84, %cond3A_85 : i32
    scf.if %cond3A_86 {
      %get3A_87 = arith.constant 0 : index
      %get3A_88 = arith.constant 0 : index
      %get3A_89 = vector.load %arg5[%get3A_87, %get3A_88] : memref<8x32xf32, #tpu.memory_space<vmem>>, vector<8x32xf32>
      %add3A_90 = arith.addf %get3A_89, %stack3A_78 : vector<8x32xf32>
      %swap3A_91 = arith.constant 0 : index
      %swap3A_92 = arith.constant 0 : index
      %swap3A_93 = vector.load %arg5[%swap3A_91, %swap3A_92] : memref<8x32xf32, #tpu.memory_space<vmem>>, vector<8x32xf32>
      tpu.vector_store %arg5[%swap3A_91, %swap3A_92], %add3A_90 {strides = array<i32>} : memref<8x32xf32, #tpu.memory_space<vmem>>, vector<8x32xf32>,
    } else {
    }
    return
  }
  func.func @transform_0(%arg0: i32) -> (i32, i32, i32) {
    %c0_i32 = arith.constant 0 : i32
    %c0_i32_0 = arith.constant 0 : i32
    %c0_i32_1 = arith.constant 0 : i32
    return %arg0, %c0_i32, %c0_i32_0 : i32, i32, i32
  }
  func.func @transform_1(%arg0: i32) -> (i32, i32) {
    %c0_i32 = arith.constant 0 : i32
    %c0_i32_0 = arith.constant 0 : i32
    %c0_i32_1 = arith.constant 0 : i32
    return %c0_i32, %c0_i32_0 : i32, i32
  }
  func.func @transform_2(%arg0: i32) -> (i32, i32) {
    %c0_i32 = arith.constant 0 : i32
    %c0_i32_0 = arith.constant 0 : i32
    %c0_i32_1 = arith.constant 0 : i32
    return %c0_i32, %c0_i32_0 : i32, i32
  }
  func.func @transform_3(%arg0: i32) -> (i32, i32, i32) {
    %c0_i32 = arith.constant 0 : i32
    %c0_i32_0 = arith.constant 0 : i32
    %c0_i32_1 = arith.constant 0 : i32
    return %arg0, %c0_i32, %c0_i32_0 : i32, i32, i32
  }
  func.func @transform_4(%arg0: i32) -> (i32, i32) {
    %c0_i32 = arith.constant 0 : i32
    %c0_i32_0 = arith.constant 0 : i32
    %c0_i32_1 = arith.constant 0 : i32
    return %c0_i32, %c0_i32_0 : i32, i32
  }
}

</mosaic_0001>

<sc_bundles>
// kernel: kernel.4.cloned.1.call-start
scs
__scs_entry_jumppad:
0x0: {  	(pc) =	sbr.rel $0x88, $3  }
0x1: {  	(tag) =	ssettag $0x0;
	lr =	simm.s32 $0x1  }
0x2: {  	[smem:$0x3F9C] =	sst lr;
	_ =	strace $0xD0000000  }
0x3: {  	_ = 	snop  }
0x4: {  	_ = 	snop  }
0x5: {  	_ = 	snop  }
0x6: {  	_ = 	snop  }
0x7: {  	_ = 	snop  }
__scs_overlays_trampoline_lowered:
0x8: {  	[smem:$0x3FAB] =	sst s0  }
0x9: {  	[smem:$0x3FAC] =	sst s1  }
0xa: {  	[smem:$0x3FAD] =	sst s2  }
0xb: {  	[smem:$0x3FAE] =	sst s3  }
0xc: {  	[smem:$0x3FAF] =	sst s4  }
0xd: {  	[smem:$0x3FB0] =	sst s5  }
0xe: {  	[smem:$0x3FB1] =	sst s6  }
0xf: {  	[smem:$0x3FB2] =	sst s7  }
0x10: {  	[smem:$0x3FB3] =	sst s8  }
0x11: {  	[smem:$0x3FB4] =	sst s9;
	s0 =	simm.s32 @!p0 $0x0  }
0x12: {  	s1 =	sld [smem:$0x3F9A];
	s0 =	simm.s32 @p0 $0x1  }
0x13: {  	[smem:$0x3FB5] =	sst s0;
	s0 =	simm.s32 @!p1 $0x0  }
0x14: {  	s2 =	sld [smem:$0x3F99];
	s0 =	simm.s32 @p1 $0x1  }
0x15: {  	[smem:$0x3FB6] =	sst s0;
	s0 =	simm.s32 @!p2 $0x0  }
0x16: {  	s3 =	sld [smem:$0x3FDB];
	s0 =	simm.s32 @p2 $0x1  }
0x17: {  	s4 =	simm.s32 $0x1BF5;
	[smem:$0x3FB8] =	sst s0  }
0x18: {  	s0 =	sld [smem:$0x3F9B];
	_ =	swait.ge [sflag:s4], $0x0  }
0x19: {  	s7 =	sld [smem:$0x3F9C]  }
0x1a: {  	s8 =	sadd.s32 $0xFFFFE003, lr  }
0x1b: {  	s9 =	sadd.s32 $0xFFFFFEF7, lr;
	s5 =	simm.s32 $0xFFFFFFFF;
	p2 =	slt.u32 s8, $0xFFFFF086  }
0x1c: {  	p1 =	slt.u32 s9, $0xF7A;
	s5 =	simm.s32 @!p2 $0x0  }
0x1d: {  	s5 =	simm.s32 @p1 $0x1;
	p0 =	seq.s32 s7, s2  }
0x1e: {  	s7 =	smul.u32 @!p0 $0xF7A, s2;
	p2 =	seq.s32 @!p0 s5, $0x0  }
0x1f: {  	s9 =	smul.u32 $0xF7A, s1;
	s8 =	simm.s32 @!p0 $0x1BF5;
	p2 =	por !p2, p0  }
0x20: {  	[sflag:s8] =	ssyncset.s32 @!p0 $0xFFFFF086;
	s6 =	sadd.s32 @!p0 s3, s7;
	s7 =	simm.s32 @!p0 $0x108  }
0x21: {  	s3 =	sadd.s32 s3, s9;
	s6 =	sadd.s32 @!p0 $0x88, s6;
	s7 =	simm.s32 @p2 $0x1082  }
0x22: {  	[simem:s7], [sflag:s8] =	dma.local @!p0 [hbm:s6], $0xF7A  }
0x23: {  	s9 =	sor.u32 $0xD0000000, s2;
	s6 =	simm.s32 $0x108;
	_ =	swait.ge @!p0 [sflag:s8], $0x0  }
0x24: {  	s3 =	sadd.s32 $0x88, s3;
	s6 =	simm.s32 @!p1 $0x1082;
	[sflag:s4] =	ssyncset.s32 $0xFFFFF086  }
0x25: {  	[simem:s6], [sflag:s4] =	dma.local [hbm:s3], $0xF7A  }
0x26: {  	[smem:$0x3F9C] =	sst s1;
	(tag) =	ssettag s2;
	_ =	strace s9  }
0x27: {  	s1 =	sld [smem:$0x3FAC]  }
0x28: {  	s2 =	sld [smem:$0x3FAD]  }
0x29: {  	s4 =	sld [smem:$0x3FAF]  }
0x2a: {  	p0 =	seq.s32 s5, $0x0;
	s5 =	sld [smem:$0x3FB0]  }
0x2b: {  	s6 =	sld [smem:$0x3FB1]  }
0x2c: {  	s7 =	sld [smem:$0x3FB2]  }
0x2d: {  	s3 =	simm.s32 $0x108;
	s8 =	sld [smem:$0x3FB3]  }
0x2e: {  	s3 =	simm.s32 @!p0 $0x1082;
	s9 =	sld [smem:$0x3FB4]  }
0x2f: {  	lr =	sadd.s32 s0, s3;
	s0 =	sld [smem:$0x3FAB]  }
0x30: {  	s3 =	sld [smem:$0x3FAE]  }
0x31: {  	[smem:$0x3FB7] =	sst s10  }
0x32: {  	s10 =	sld [smem:$0x3FB5];
	_ =	sdelay $0x3  }
0x33: {  	p0 =	seq.s32 s10, $0x1;
	s10 =	sld [smem:$0x3FB7];
	_ =	sdelay $0x3  }
0x34: {  	[smem:$0x3FB7] =	sst s10  }
0x35: {  	s10 =	sld [smem:$0x3FB6];
	_ =	sdelay $0x3  }
0x36: {  	p1 =	seq.s32 s10, $0x1;
	s10 =	sld [smem:$0x3FB7];
	_ =	sdelay $0x3  }
0x37: {  	[smem:$0x3FB7] =	sst s10  }
0x38: {  	s10 =	sld [smem:$0x3FB8]  }
0x39: {  	_ = 	snop;
	(pc) =	sbr.ind lr, $3  }
0x3a: {  	_ = 	snop  }
0x3b: {  	_ = 	snop  }
0x3c: {  	p2 =	seq.s32 s10, $0x1;
	s10 =	sld [smem:$0x3FB7]  }
0x3d: {  	_ =	shalt  }
0x3e: {  	_ =	shalt  }
0x3f: {  	_ =	shalt  }
0x40: {  	_ =	shalt  }
0x41: {  	_ =	shalt  }
0x42: {  	_ =	shalt  }
0x43: {  	_ =	shalt  }
0x44: {  	_ =	shalt  }
0x45: {  	_ =	shalt  }
0x46: {  	_ =	shalt  }
0x47: {  	_ =	shalt  }
0x48: {  	_ =	shalt  }
0x49: {  	_ =	shalt  }
0x4a: {  	_ =	shalt  }
0x4b: {  	_ =	shalt  }
0x4c: {  	_ =	shalt  }
0x4d: {  	_ =	shalt  }
0x4e: {  	_ =	shalt  }
0x4f: {  	_ =	shalt  }
0x50: {  	_ =	shalt  }
0x51: {  	_ =	shalt  }
0x52: {  	_ =	shalt  }
0x53: {  	_ =	shalt  }
0x54: {  	_ =	shalt  }
0x55: {  	_ =	shalt  }
0x56: {  	_ =	shalt  }
0x57: {  	_ =	shalt  }
0x58: {  	_ =	shalt  }
0x59: {  	_ =	shalt  }
0x5a: {  	_ =	shalt  }
0x5b: {  	_ =	shalt  }
0x5c: {  	_ =	shalt  }
0x5d: {  	_ =	shalt  }
0x5e: {  	_ =	shalt  }
0x5f: {  	_ =	shalt  }
0x60: {  	_ =	shalt  }
0x61: {  	_ =	shalt  }
0x62: {  	_ =	shalt  }
0x63: {  	_ =	shalt  }
0x64: {  	_ =	shalt  }
0x65: {  	_ =	shalt  }
0x66: {  	_ =	shalt  }
0x67: {  	_ =	shalt  }
0x68: {  	_ =	shalt  }
0x69: {  	_ =	shalt  }
0x6a: {  	_ =	shalt  }
0x6b: {  	_ =	shalt  }
0x6c: {  	_ =	shalt  }
0x6d: {  	_ =	shalt  }
0x6e: {  	_ =	shalt  }
0x6f: {  	_ =	shalt  }
0x70: {  	_ =	shalt  }
0x71: {  	_ =	shalt  }
0x72: {  	_ =	shalt  }
0x73: {  	_ =	shalt  }
0x74: {  	_ =	shalt  }
0x75: {  	_ =	shalt  }
0x76: {  	_ =	shalt  }
0x77: {  	_ =	shalt  }
0x78: {  	_ =	shalt  }
0x79: {  	_ =	shalt  }
0x7a: {  	_ =	shalt  }
0x7b: {  	_ =	shalt  }
0x7c: {  	_ =	shalt  }
0x7d: {  	_ =	shalt  }
0x7e: {  	_ =	shalt  }
0x7f: {  	_ =	shalt  }
0x80: {  	_ =	shalt  }
0x81: {  	_ =	shalt  }
0x82: {  	_ =	shalt  }
0x83: {  	_ =	shalt  }
0x84: {  	_ =	shalt  }
0x85: {  	_ =	shalt  }
0x86: {  	_ =	shalt  }
0x87: {  	_ =	shalt  }
.Lfunc_end0:
.L_simem_size_0:
called_computation_lowered:
.L_overlay_start_0:
0x88: {  	s2 =	sld [smem:$0x3FD9]  }
0x89: {  	s3 =	sld [smem:$0x3FFE];
	_ =	sdelay $0x1  }
0x8a: {  	s1 =	srdreg.scid  }
0x8b: {  	s0 =	sand.u32 $0x1, s1  }
0x8c: {  	s17 =	sshll.u32 s0, $0xA;
	s2 =	sadd.s32 s3, s2  }
0x8d: {  	s2 =	sadd.s32 s2, s17  }
0x8e: {  	[smem:$0x3FC3] =	sst s2  }
0x8f: {  	_ = 	snop  }
0x90: {  	s2 =	sld [smem:$0x3FD0];
	(tm) =	ssettm $0x1  }
0x91: {  	s18 =	sld [smem:$0x3FFB];
	_ =	sdelay $0x3  }
0x92: {  	_ =	strace s18  }
0x93: {  	s3 =	sld [smem:$0x3FFC];
	_ =	sdelay $0x3  }
0x94: {  	_ =	strace s3  }
0x95: {  	s3 =	sld [smem:$0x3FFD];
	_ =	sdelay $0x3  }
0x96: {  	_ =	strace s3  }
0x97: {  	_ =	strace $0x8FFFFFFF  }
0x98: {  	s19 =	sld [smem:$0x3FDB];
	_ =	sdelay $0x1  }
0x99: {  	s4 =	simm.s32 $_scs_section_size  }
0x9a: {  	s5 =	simm.s32 $_size__tile_overlayer_lowered;
	s6 =	simm.s32 $_tile_overlayer_lowered  }
0x9b: {  	s22 =	simm.s32 $0x1BFF;
	s21 =	sshll.u32 s6, $0x1;
	s3 =	sadd.s32 s4, s19  }
0x9c: {  	s7 =	simm.s32 $0x0;
	s20 =	sshll.u32 s5, $0x1;
	s5 =	sadd.s32 s21, s3  }
0x9d: {  	[timem:s7], [sflag:s22] =	dma.local [hbm:s5], s20  }
0x9e: {  	_ =	swait.ge [sflag:s22], s20  }
0x9f: {  	s4 =	ssub.s32 $0x0, s20;
	[sflag:s22] =	ssyncset.done $0x0  }
0xa0: {  	[sflag:s22] =	ssyncadd.s32 s4;
	_ =	sdelay $0x1  }
0xa1: {  	s23 =	simm.s32 $0x1B8B  }
0xa2: {  	_ =	swait.ge [sflag:s23], $0x1  }
0xa3: {  	[sflag:s23] =	ssyncset.done $0x0  }
0xa4: {  	s25 =	simm.s32 $0x1B8E;
	s24 =	sld [smem:$0x3FFE];
	[sflag:s23] =	ssyncadd.s32 $0xFFFFFFFF  }
0xa5: {  	s26 =	simm.s32 $execute0_lowered;
	[smem:$0x3FD2] =	sst s25  }
0xa6: {  	s5 =	sshll.u32 s26, $0x1;
	_ =	strace $0x80000046;
	[dreg:$0x1] =	wrdreg $0xFFFFFFFF  }
0xa7: {  	s28 =	simm.s32 $_size_execute0_lowered;
	s3 =	sadd.s32 s3, s5;
	[dreg:$0x0] =	wrdreg $0x0  }
0xa8: {  	s5 =	sshll.u32 s28, $0x1;
	[dreg:$0x2] =	wrdreg s3  }
0xa9: {  	[dreg:$0x3] =	wrdreg s5  }
0xaa: {  	[dreg:$0x4] =	wrdreg $0xC0  }
0xab: {  	_ =	task [dreg:s7], $0x5FFFF  }
0xac: {  	[dreg:$0x1] =	wrdreg $0xFFFFFFFF  }
0xad: {  	[dreg:$0x0] =	wrdreg $0x60  }
0xae: {  	[dreg:$0x2] =	wrdreg s2  }
0xaf: {  	[dreg:$0x3] =	wrdreg s24  }
0xb0: {  	[dreg:$0x4] =	wrdreg $0x9  }
0xb1: {  	_ =	task.clear_ibuf [dreg:s7], $0x5FFFF;
	_ =	strace $0x90000046  }
0xb2: {  	s29 =	simm.s32 $0x9;
	_ =	strace $0x80000048  }
0xb3: {  	_ =	swait.ge [sflag:s29], $0x1  }
0xb4: {  	[sflag:s29] =	ssyncadd.s32 $0xFFFFFFFF  }
0xb5: {  	_ =	strace $0x90000048  }
0xb6: {  	_ =	sfence  }
0xb7: {  	s30 =	sld [smem:$0x0];
	_ =	sdelay $0x2  }
0xb8: {  	s31 =	sshll.u32 s1, $0xD;
	s1 =	sshrl.u32 s1, $0x2  }
0xb9: {  	s3 =	sand.u32 $0x4000, s31;
	s1 =	sadd.s32 s1, s30  }
0xba: {  	s0 =	sor.u32 s3, s0;
	s1 =	sshll.u32 s1, $0x11  }
0xbb: {  	s0 =	sor.u32 s1, s0  }
0xbc: {  	s0 =	sadd.s32 $0x8F2B, s0  }
0xbd: {  	[sflag:s0] =	ssyncadd.remote.s32 $0x1  }
0xbe: {  	_ =	sfence.sel $0xFFFF  }
0xbf: {  	[dreg:$0x0] =	wrdreg $0xFFFFFFFF;
	(pc) =	sbr.abs _section_cstart, $3  }
0xc0: {  	[dreg:$0x1] =	wrdreg $0xFFFFFFFF  }
0xc1: {  	_ =	task.clear_ibuf [dreg:s7], $0x2FFFF;
	_ =	strace $0x9FFFFFFF  }
0xc2: {  	(tm) =	ssettm $0x7FFFFFFF  }
0xc3: {  	_ =	shalt  }
tec
execute0_lowered:
.L_overlay_start_1:
0x0: {  	(tag) =	ssettag $0x1  }
0x1: {  	s1 =	rddreg [dreg:$0x0]  }
0x2: {  	s3 =	rddreg [dreg:$0x1]  }
0x3: {  	s0 =	rddreg [dreg:$0x2];
	s2 =	simm.s32 $0x0  }
0x4: {  	s4 =	srdreg.scid;
	s9 =	simm.s32 $0x1;
	s10 =	simm.s32 $0x3480  }
0x5: {  	v0 =	vimm.s32 $0x5;
	s11 =	simm.s32 $0x80;
	s12 =	simm.s32 $0x400;
	s13 =	simm.s32 $0x3880  }
0x6: {  	v1 =	vimm.s32 $0x0;
	v2 =	vimm.s32 $0x1;
	v3 =	vimm.s32 $0x2;
	s14 =	simm.s32 $0x0;
	[smem:$0x7FF] =	sst s2;
	s6 =	sand.u32 $0x1, s4  }
0x7: {  	v4 =	vimm.s32 $0x3;
	v5 =	vimm.s32 $0x4;
	v6 =	vimm.s32 $0x6;
	s4 =	sadd.s32 $0xA00, s3;
	s5 =	sadd.s32 $0xC00, s3;
	s7 =	ssub.s32 $0x2, s6  }
0x8: {  	v7 =	vimm.s32 $0x7;
	v8 =	vimm.s32 $0x8;
	v9 =	vimm.s32 $0x9;
	s3 =	stileid.u32;
	_ =	strace $0x80000047;
	s8 =	sshrl.u32 s7, $0x1  }
0x9: {  	v10 =	vimm.s32 $0xA;
	v11 =	vimm.s32 $0xB;
	v12 =	vimm.s32 $0xC;
	s31 =	sshll.u32 s3, $0x6;
	s6 =	sshll.u32 s6, $0x5;
	s7 =	ssub.s32 s7, s8  }
0xa: {  	v13 =	vimm.s32 $0xD;
	v14 =	vimm.s32 $0xE;
	v15 =	vimm.s32 $0xF;
	s6 =	sor.u32 s6, s31;
	s8 =	simm.s32 $0x3000;
	s7 =	smax.u32 s7, $0x1  }
.LBB2_1:
0xb: {  	[tilespmem:s8], [sflag:$0x1] =	stream.linear.gather [hbm4b:s4+s2], $0x80, $0x38;
	[tilespmem:$0xB880] =	vst v63  }
0xc: {  	_ =	swait.ge [sflag:s9], $0x80  }
0xd: {  	[sflag:s9] =	ssyncset.done $0x0  }
0xe: {  	s15 =	simm.s32 $0x0;
	[sflag:s9] =	ssyncadd.s32 $0xFFFFFF80  }
.LBB2_2:
0xf: {  	s16 =	sadd.s32 s6, s15  }
0x10: {  	s17 =	smul.u32 $0x600, s16;
	_ =	sdelay $0x1  }
0x11: {  	s18 =	sadd.s32 s1, s17;
	s17 =	simm.s32 $0x0  }
0x12: {  	[tilespmem:s17], [sflag:$0x1] =	stream.linear.gather [hbm4b:s18+s17], $0x3000, $0x38;
	[tilespmem:$0xB880] =	vst v63  }
0x13: {  	_ =	swait.ge [sflag:s9], $0x3000  }
0x14: {  	[sflag:s9] =	ssyncset.done $0x0  }
0x15: {  	[sflag:s9] =	ssyncadd.s32 $0xFFFFD000  }
0x16: {  	v16 =	vld [tilespmem:$0x3000]  }
0x17: {  	v37 =	vld [tilespmem:$0x3020]  }
0x18: {  	v34 =	vld [tilespmem:$0x0]  }
0x19: {  	v38 =	vld [tilespmem:$0x1000]  }
0x1a: {  	v45 =	vld [tilespmem:$0x3010]  }
0x1b: {  	v41 =	vld [tilespmem:$0x3030]  }
0x1c: {  	v35 =	vld [tilespmem:$0x10]  }
0x1d: {  	v46 =	vld [tilespmem:$0x1010]  }
0x1e: {  	v17 =	vld [tilespmem:$0x3000]  }
0x1f: {  	v48 =	vld [tilespmem:$0x3020]  }
0x20: {  	v36 =	vld [tilespmem:$0x80]  }
0x21: {  	v52 =	vld [tilespmem:$0x1080]  }
0x22: {  	v31 =	vld [tilespmem:$0x3010]  }
0x23: {  	v53 =	vld [tilespmem:$0x3030]  }
0x24: {  	v39 =	vld [tilespmem:$0x90]  }
0x25: {  	v59 =	vld [tilespmem:$0x1090]  }
0x26: {  	v18 =	vld [tilespmem:$0x3000]  }
0x27: {  	v32 =	vld [tilespmem:$0x3020]  }
0x28: {  	v47 =	vld [tilespmem:$0x100]  }
0x29: {  	v19 =	vld [tilespmem:$0x1100]  }
0x2a: {  	v42 =	vld [tilespmem:$0x3010]  }
0x2b: {  	v40 =	vld [tilespmem:$0x3030]  }
0x2c: {  	v51 =	vld [tilespmem:$0x110]  }
0x2d: {  	v43 =	vld [tilespmem:$0x1110]  }
0x2e: {  	v20 =	vld [tilespmem:$0x3020]  }
0x2f: {  	v56 =	vld [tilespmem:$0x180]  }
0x30: {  	v44 =	vld [tilespmem:$0x1180]  }
0x31: {  	v57 =	vld [tilespmem:$0x3010]  }
0x32: {  	v49 =	vld [tilespmem:$0x3030]  }
0x33: {  	v50 =	vld [tilespmem:$0x190]  }
0x34: {  	v54 =	vld [tilespmem:$0x1190]  }
0x35: {  	v21 =	vld [tilespmem:$0x3020]  }
0x36: {  	v55 =	vld [tilespmem:$0x200]  }
0x37: {  	v58 =	vld [tilespmem:$0x1200]  }
0x38: {  	v26 =	vld [tilespmem:$0x3010]  }
0x39: {  	v60 =	vld [tilespmem:$0x3030];
	[tilespmem:$0x1F8D0] =	vst v19  }
0x3a: {  	v61 =	vld [tilespmem:$0x210];
	[tilespmem:$0x1F8E0] =	vst v40  }
0x3b: {  	v62 =	vld [tilespmem:$0x1210];
	[tilespmem:$0x1F8F0] =	vst v43  }
0x3c: {  	v63 =	vld [tilespmem:$0x3020];
	[tilespmem:$0x1F900] =	vst v20  }
0x3d: {  	v24 =	vld [tilespmem:$0x280];
	[tilespmem:$0x1F920] =	vst v44  }
0x3e: {  	v25 =	vld [tilespmem:$0x1280];
	[tilespmem:$0x1F930] =	vst v49  }
0x3f: {  	v23 =	vld [tilespmem:$0x3010];
	[tilespmem:$0x1F910] =	vst v50  }
0x40: {  	v27 =	vld [tilespmem:$0x3030];
	[tilespmem:$0x1F950] =	vst v54  }
0x41: {  	v28 =	vld [tilespmem:$0x290];
	[tilespmem:$0x1F960] =	vst v21  }
0x42: {  	v29 =	vld [tilespmem:$0x1290];
	[tilespmem:$0x1F940] =	vst v55  }
0x43: {  	v30 =	vld [tilespmem:$0x3020];
	[tilespmem:$0x1F980] =	vst v58  }
0x44: {  	v33 =	vld [tilespmem:$0x300];
	[tilespmem:$0x1F990] =	vst v60  }
0x45: {  	v22 =	vld [tilespmem:$0x3030];
	[tilespmem:$0x1F970] =	vst v61  }
0x46: {  	v19 =	vld [tilespmem:$0x3000];
	[tilespmem:$0x1F9B0] =	vst v62  }
0x47: {  	v20 =	vld [tilespmem:$0x3000];
	[tilespmem:$0x1F9C0] =	vst v63  }
0x48: {  	v61 =	vld [tilespmem:$0x3000];
	[tilespmem:$0x1F9A0] =	vst v24  }
0x49: {  	[tilespmem:$0x1F9E0] =	vst v25;
	v40 =	vld [tilespmem:$0x3000]  }
0x4a: {  	[tilespmem:$0x1F9F0] =	vst v27;
	v43 =	vld [tilespmem:$0x1300]  }
0x4b: {  	[tilespmem:$0x1F9D0] =	vst v28;
	v21 =	vld [tilespmem:$0x3010]  }
0x4c: {  	[tilespmem:$0x1FA10] =	vst v29;
	v44 =	vld [tilespmem:$0x310]  }
0x4d: {  	[tilespmem:$0x1FA20] =	vst v30;
	v49 =	vld [tilespmem:$0x1310]  }
0x4e: {  	[tilespmem:$0x1FA00] =	vst v33;
	v24 =	vld [tilespmem:$0x3020]  }
0x4f: {  	[tilespmem:$0x1FA50] =	vst v22;
	v50 =	vld [tilespmem:$0x380]  }
0x50: {  	v54 =	vld [tilespmem:$0x1380];
	[tilespmem:$0x1FA40] =	vst v43  }
0x51: {  	v25 =	vld [tilespmem:$0x3030];
	[tilespmem:$0x1FA30] =	vst v44  }
0x52: {  	v55 =	vld [tilespmem:$0x390];
	[tilespmem:$0x1FA70] =	vst v49  }
0x53: {  	v58 =	vld [tilespmem:$0x1390];
	[tilespmem:$0x1FA80] =	vst v24  }
0x54: {  	v27 =	vld [tilespmem:$0x3020];
	[tilespmem:$0x1FA60] =	vst v50  }
0x55: {  	v60 =	vld [tilespmem:$0x400];
	[tilespmem:$0x1FAA0] =	vst v54  }
0x56: {  	v62 =	vld [tilespmem:$0x1400];
	[tilespmem:$0x1FAB0] =	vst v25  }
0x57: {  	v28 =	vld [tilespmem:$0x3030];
	[tilespmem:$0x1FA90] =	vst v55  }
0x58: {  	v63 =	vld [tilespmem:$0x410];
	[tilespmem:$0x1FAD0] =	vst v58  }
0x59: {  	v33 =	vld [tilespmem:$0x1410];
	[tilespmem:$0x1FAE0] =	vst v27  }
0x5a: {  	v29 =	vld [tilespmem:$0x3020];
	[tilespmem:$0x1FAC0] =	vst v60  }
0x5b: {  	[tilespmem:$0x1FB00] =	vst v62;
	v43 =	vld [tilespmem:$0x480]  }
0x5c: {  	v22 =	vld [tilespmem:$0x3000];
	[tilespmem:$0x1FB10] =	vst v28  }
0x5d: {  	v24 =	vld [tilespmem:$0x3010];
	[tilespmem:$0x1FAF0] =	vst v63  }
0x5e: {  	v25 =	vld [tilespmem:$0x3000];
	[tilespmem:$0x1FB30] =	vst v33  }
0x5f: {  	v34 =	vmul.f32 v34, v16;
	v16 =	vmul.f32 v38, v16;
	v27 =	vld [tilespmem:$0x3010];
	[tilespmem:$0x1FB40] =	vst v29  }
0x60: {  	v28 =	vld [tilespmem:$0x3000];
	[tilespmem:$0x1FB20] =	vst v43  }
0x61: {  	[tilespmem:$0x3480] =	vst v16;
	v16 =	vmul.f32 v46, v45;
	_ =	sdelay $0x1  }
0x62: {  	[tilespmem:$0x3490] =	vst v16;
	v16 =	vmul.f32 v52, v17;
	_ =	sdelay $0x1  }
0x63: {  	[tilespmem:$0x34A0] =	vst v16;
	v16 =	vmul.f32 v59, v31  }
0x64: {  	v35 =	vmul.f32 v35, v45;
	v34 =	vadd.f32 v34, v37  }
0x65: {  	[tilespmem:$0x34B0] =	vst v16;
	v16 =	vld [tilespmem:$0x1F8D0]  }
0x66: {  	[tilespmem:$0x3080] =	vst v34;
	v34 =	vadd.f32 v35, v41;
	v41 =	vmul.f32 v36, v17;
	v17 =	vld [tilespmem:$0x880];
	_ =	sdelay $0x2  }
0x67: {  	v46 =	vmul.f32 v39, v31  }
0x68: {  	v16 =	vmul.f32 v16, v18  }
0x69: {  	v52 =	vmul.f32 v47, v18;
	[tilespmem:$0x1FE50] =	vst v17;
	v17 =	vadd.f32 v46, v53  }
0x6a: {  	[tilespmem:$0x34C0] =	vst v16;
	v16 =	vld [tilespmem:$0x1F8F0]  }
0x6b: {  	v63 =	vld [tilespmem:$0x580];
	[tilespmem:$0x30B0] =	vst v17;
	v17 =	vadd.f32 v52, v32;
	_ =	sdelay $0x1  }
0x6c: {  	[tilespmem:$0x30C0] =	vst v17;
	v17 =	vld [tilespmem:$0x1F8E0];
	_ =	sdelay $0x1  }
0x6d: {  	v16 =	vmul.f32 v16, v42  }
0x6e: {  	v59 =	vmul.f32 v51, v42;
	[tilespmem:$0x1FBE0] =	vst v63;
	v63 =	vld [tilespmem:$0x600]  }
0x6f: {  	[tilespmem:$0x34D0] =	vst v16;
	v16 =	vld [tilespmem:$0x1F920]  }
0x70: {  	v17 =	vadd.f32 v59, v17;
	_ =	sdelay $0x1  }
0x71: {  	[tilespmem:$0x30D0] =	vst v17;
	v17 =	vld [tilespmem:$0x1F900]  }
0x72: {  	[tilespmem:$0x1FC40] =	vst v63;
	v63 =	vld [tilespmem:$0x680]  }
0x73: {  	v16 =	vmul.f32 v16, v19  }
0x74: {  	v36 =	vmul.f32 v56, v19  }
0x75: {  	[tilespmem:$0x34E0] =	vst v16;
	v16 =	vld [tilespmem:$0x1F950]  }
0x76: {  	v38 =	vld [tilespmem:$0x1F910];
	v17 =	vadd.f32 v36, v17  }
0x77: {  	[tilespmem:$0x1FCA0] =	vst v63;
	v63 =	vld [tilespmem:$0x700]  }
0x78: {  	[tilespmem:$0x30E0] =	vst v17;
	v17 =	vld [tilespmem:$0x1F930];
	_ =	sdelay $0x1  }
0x79: {  	v16 =	vmul.f32 v16, v57  }
0x7a: {  	v46 =	vld [tilespmem:$0x1F940];
	v18 =	vmul.f32 v38, v57  }
0x7b: {  	[tilespmem:$0x34F0] =	vst v16;
	v16 =	vld [tilespmem:$0x1F980]  }
0x7c: {  	[tilespmem:$0x1FD00] =	vst v63;
	v63 =	vld [tilespmem:$0x710];
	v17 =	vadd.f32 v18, v17;
	_ =	sdelay $0x1  }
0x7d: {  	[tilespmem:$0x30F0] =	vst v17;
	v17 =	vld [tilespmem:$0x1F960];
	_ =	sdelay $0x1  }
0x7e: {  	v16 =	vmul.f32 v16, v20  }
0x7f: {  	[tilespmem:$0x1FD30] =	vst v63;
	v63 =	vld [tilespmem:$0x1710];
	v18 =	vmul.f32 v46, v20  }
0x80: {  	[tilespmem:$0x3500] =	vst v16;
	v16 =	vld [tilespmem:$0x1F9B0]  }
0x81: {  	v47 =	vld [tilespmem:$0x1F970];
	v17 =	vadd.f32 v18, v17;
	_ =	sdelay $0x1  }
0x82: {  	[tilespmem:$0x3100] =	vst v17;
	v17 =	vld [tilespmem:$0x1F990]  }
0x83: {  	[tilespmem:$0x1FD70] =	vst v63;
	v63 =	vld [tilespmem:$0x3020]  }
0x84: {  	v16 =	vmul.f32 v16, v26  }
0x85: {  	v18 =	vmul.f32 v47, v26  }
0x86: {  	[tilespmem:$0x3510] =	vst v16;
	v16 =	vld [tilespmem:$0x1F9E0]  }
0x87: {  	v52 =	vld [tilespmem:$0x1F9A0];
	v17 =	vadd.f32 v18, v17  }
0x88: {  	[tilespmem:$0x1FD80] =	vst v63;
	v63 =	vld [tilespmem:$0x780]  }
0x89: {  	[tilespmem:$0x3110] =	vst v17;
	v17 =	vld [tilespmem:$0x1F9C0];
	_ =	sdelay $0x1  }
0x8a: {  	v16 =	vmul.f32 v16, v61  }
0x8b: {  	v56 =	vld [tilespmem:$0x1F9D0];
	v18 =	vmul.f32 v52, v61  }
0x8c: {  	[tilespmem:$0x3520] =	vst v16;
	v16 =	vld [tilespmem:$0x1FA10]  }
0x8d: {  	[tilespmem:$0x1FD60] =	vst v63;
	v63 =	vld [tilespmem:$0x1780];
	v17 =	vadd.f32 v18, v17;
	_ =	sdelay $0x1  }
0x8e: {  	[tilespmem:$0x3120] =	vst v17;
	v17 =	vld [tilespmem:$0x1F9F0];
	_ =	sdelay $0x1  }
0x8f: {  	v16 =	vmul.f32 v16, v23  }
0x90: {  	[tilespmem:$0x1FDB0] =	vst v63;
	v63 =	vld [tilespmem:$0x3010];
	v18 =	vmul.f32 v56, v23  }
0x91: {  	[tilespmem:$0x3530] =	vst v16;
	v16 =	vld [tilespmem:$0x1FA40]  }
0x92: {  	v26 =	vld [tilespmem:$0x1FA00];
	v17 =	vadd.f32 v18, v17  }
0x93: {  	v32 =	vld [tilespmem:$0x890]  }
0x94: {  	[tilespmem:$0x3130] =	vst v17;
	v17 =	vld [tilespmem:$0x1FA20]  }
0x95: {  	[tilespmem:$0x1FD90] =	vst v63;
	v63 =	vld [tilespmem:$0x3030]  }
0x96: {  	v16 =	vmul.f32 v16, v40  }
0x97: {  	v39 =	vld [tilespmem:$0x3020];
	v18 =	vmul.f32 v26, v40  }
0x98: {  	[tilespmem:$0x3540] =	vst v16;
	v16 =	vld [tilespmem:$0x1FA70]  }
0x99: {  	[tilespmem:$0x1FE80] =	vst v32;
	v32 =	vld [tilespmem:$0x1FA30];
	v17 =	vadd.f32 v18, v17  }
0x9a: {  	[tilespmem:$0x1FDC0] =	vst v63;
	v63 =	vld [tilespmem:$0x790]  }
0x9b: {  	[tilespmem:$0x3140] =	vst v17;
	v17 =	vld [tilespmem:$0x1FA50];
	_ =	sdelay $0x1  }
0x9c: {  	v41 =	vadd.f32 v41, v48;
	v48 =	vld [tilespmem:$0x3020];
	v16 =	vmul.f32 v16, v21  }
0x9d: {  	[tilespmem:$0x1FED0] =	vst v39;
	v39 =	vld [tilespmem:$0x1FA60];
	v18 =	vmul.f32 v32, v21  }
0x9e: {  	[tilespmem:$0x3550] =	vst v16;
	v16 =	vld [tilespmem:$0x1FAA0]  }
0x9f: {  	[tilespmem:$0x1FDA0] =	vst v63;
	v63 =	vld [tilespmem:$0x1790];
	v17 =	vadd.f32 v18, v17  }
0xa0: {  	[tilespmem:$0x30A0] =	vst v41;
	v41 =	vld [tilespmem:$0x900]  }
0xa1: {  	[tilespmem:$0x3150] =	vst v17;
	v17 =	vld [tilespmem:$0x1FA80]  }
0xa2: {  	[tilespmem:$0x1FE70] =	vst v48;
	v48 =	vld [tilespmem:$0x3030]  }
0xa3: {  	v53 =	vld [tilespmem:$0x1880];
	v16 =	vmul.f32 v16, v22  }
0xa4: {  	[tilespmem:$0x1FDF0] =	vst v63;
	v63 =	vld [tilespmem:$0x3000];
	v18 =	vmul.f32 v39, v22  }
0xa5: {  	[tilespmem:$0x3560] =	vst v16;
	v16 =	vld [tilespmem:$0x1FAD0]  }
0xa6: {  	[tilespmem:$0x1FEB0] =	vst v41;
	v41 =	vld [tilespmem:$0x1FA90];
	v17 =	vadd.f32 v18, v17  }
0xa7: {  	[tilespmem:$0x1FEF0] =	vst v48;
	v48 =	vld [tilespmem:$0x1FAC0]  }
0xa8: {  	[tilespmem:$0x3160] =	vst v17;
	v17 =	vld [tilespmem:$0x1FAB0]  }
0xa9: {  	[tilespmem:$0x1FDD0] =	vst v63;
	v63 =	vld [tilespmem:$0x3020]  }
0xaa: {  	v52 =	vmul.f32 v16, v24;
	v16 =	vld [tilespmem:$0x1FAE0]  }
0xab: {  	v18 =	vmul.f32 v41, v24;
	_ =	sdelay $0x1  }
0xac: {  	[tilespmem:$0x1FE90] =	vst v53;
	v53 =	vld [tilespmem:$0x1910];
	v17 =	vadd.f32 v18, v17;
	v18 =	vmul.f32 v48, v25  }
0xad: {  	[tilespmem:$0x1FE00] =	vst v63;
	v63 =	vld [tilespmem:$0x800]  }
0xae: {  	[tilespmem:$0x3170] =	vst v17;
	v17 =	vadd.f32 v18, v16;
	v16 =	vld [tilespmem:$0x1FAF0];
	_ =	sdelay $0x3  }
0xaf: {  	[tilespmem:$0x1FDE0] =	vst v63;
	v63 =	vld [tilespmem:$0x1800]  }
0xb0: {  	[tilespmem:$0x1FF10] =	vst v53;
	v53 =	vmul.f32 v16, v27;
	v16 =	vld [tilespmem:$0x3030];
	_ =	sdelay $0x3  }
0xb1: {  	[tilespmem:$0x1FE30] =	vst v63;
	v63 =	vld [tilespmem:$0x3010]  }
0xb2: {  	[tilespmem:$0x1FFB0] =	vst v16;
	v16 =	vld [tilespmem:$0x1FB00];
	_ =	sdelay $0x3  }
0xb3: {  	[tilespmem:$0x1FE10] =	vst v63;
	v63 =	vld [tilespmem:$0x3030]  }
0xb4: {  	v56 =	vmul.f32 v16, v25;
	v16 =	vld [tilespmem:$0xA10];
	_ =	sdelay $0x2  }
0xb5: {  	v59 =	vld [tilespmem:$0x3020]  }
0xb6: {  	[tilespmem:$0x1FE40] =	vst v63;
	v63 =	vld [tilespmem:$0x810]  }
0xb7: {  	[tilespmem:$0x1FF90] =	vst v16;
	v16 =	vld [tilespmem:$0x1FB10];
	_ =	sdelay $0x3  }
0xb8: {  	[tilespmem:$0x1FE20] =	vst v63;
	v63 =	vld [tilespmem:$0x1810]  }
0xb9: {  	[tilespmem:$0x1FF20] =	vst v59;
	v59 =	vadd.f32 v53, v16;
	v16 =	vld [tilespmem:$0x1FB20];
	_ =	sdelay $0x3  }
0xba: {  	[tilespmem:$0x1FE60] =	vst v63;
	v63 =	vld [tilespmem:$0x3030]  }
0xbb: {  	v61 =	vmul.f32 v16, v28;
	v16 =	vld [tilespmem:$0x1A10];
	_ =	sdelay $0x3  }
0xbc: {  	[tilespmem:$0x1FEA0] =	vst v63;
	v63 =	vld [tilespmem:$0x980]  }
0xbd: {  	[tilespmem:$0x1FFC0] =	vst v16;
	v16 =	vld [tilespmem:$0x1FB30];
	_ =	sdelay $0x1  }
0xbe: {  	v29 =	vld [tilespmem:$0x1480]  }
0xbf: {  	v44 =	vld [tilespmem:$0x490]  }
0xc0: {  	v37 =	vld [tilespmem:$0x1890]  }
0xc1: {  	[tilespmem:$0x1FF00] =	vst v63;
	v63 =	vmul.f32 v16, v27;
	v16 =	vld [tilespmem:$0x1FB40];
	_ =	sdelay $0x1  }
0xc2: {  	[tilespmem:$0x1FB60] =	vst v29  }
0xc3: {  	v29 =	vld [tilespmem:$0x3010];
	[tilespmem:$0x1FB50] =	vst v44  }
0xc4: {  	[tilespmem:$0x1FEC0] =	vst v37;
	v37 =	vld [tilespmem:$0x3030]  }
0xc5: {  	v27 =	vadd.f32 v61, v16;
	v16 =	vld [tilespmem:$0x1FB50];
	_ =	sdelay $0x4  }
0xc6: {  	[tilespmem:$0x1FF50] =	vst v37;
	v37 =	vmul.f32 v16, v29;
	v16 =	vld [tilespmem:$0x3020];
	_ =	sdelay $0x2  }
0xc7: {  	v30 =	vld [tilespmem:$0x3030]  }
0xc8: {  	v38 =	vld [tilespmem:$0x990]  }
0xc9: {  	[tilespmem:$0x1FFD0] =	vst v16;
	v16 =	vld [tilespmem:$0x1FB60];
	_ =	sdelay $0x3  }
0xca: {  	v50 =	vld [tilespmem:$0x500];
	[tilespmem:$0x1FB70] =	vst v30  }
0xcb: {  	[tilespmem:$0x1FF30] =	vst v38;
	v38 =	vmul.f32 v16, v28;
	v16 =	vld [tilespmem:$0x1FB70];
	_ =	sdelay $0x3  }
0xcc: {  	v30 =	vld [tilespmem:$0x3000];
	[tilespmem:$0x1FB80] =	vst v50  }
0xcd: {  	v22 =	vadd.f32 v37, v16;
	v16 =	vld [tilespmem:$0x1FB80];
	_ =	sdelay $0x3  }
0xce: {  	v49 =	vld [tilespmem:$0x1490]  }
0xcf: {  	v39 =	vmul.f32 v16, v30;
	v16 =	vld [tilespmem:$0x1A80];
	_ =	sdelay $0x2  }
0xd0: {  	v33 =	vld [tilespmem:$0x3020]  }
0xd1: {  	[tilespmem:$0x1FB90] =	vst v49;
	v40 =	vld [tilespmem:$0x1990]  }
0xd2: {  	[tilespmem:$0x1FFE0] =	vst v16;
	v16 =	vld [tilespmem:$0x1FB90];
	_ =	sdelay $0x3  }
0xd3: {  	v58 =	vld [tilespmem:$0x510];
	[tilespmem:$0x1FBA0] =	vst v33  }
0xd4: {  	[tilespmem:$0x1FF70] =	vst v40;
	v40 =	vmul.f32 v16, v29;
	v16 =	vld [tilespmem:$0x1FBA0];
	_ =	sdelay $0x2  }
0xd5: {  	v62 =	vld [tilespmem:$0x3010]  }
0xd6: {  	[tilespmem:$0x1FBB0] =	vst v58;
	v46 =	vld [tilespmem:$0x3020]  }
0xd7: {  	v41 =	vadd.f32 v39, v16;
	v16 =	vld [tilespmem:$0x1FBB0];
	_ =	sdelay $0x3  }
0xd8: {  	v54 =	vld [tilespmem:$0x1500]  }
0xd9: {  	[tilespmem:$0x1FF80] =	vst v46;
	v46 =	vmul.f32 v16, v62;
	v16 =	vld [tilespmem:$0x3030];
	_ =	sdelay $0x2  }
0xda: {  	v55 =	vld [tilespmem:$0x3030]  }
0xdb: {  	[tilespmem:$0x1FBC0] =	vst v54;
	v47 =	vld [tilespmem:$0xA00]  }
0xdc: {  	[tilespmem:$0x1FFF0] =	vst v16;
	v16 =	vld [tilespmem:$0x1FBC0];
	_ =	sdelay $0x3  }
0xdd: {  	[tilespmem:$0x1FBD0] =	vst v55  }
0xde: {  	[tilespmem:$0x1FF60] =	vst v47;
	v47 =	vmul.f32 v16, v30;
	v16 =	vld [tilespmem:$0x1FBD0];
	_ =	sdelay $0x2  }
0xdf: {  	v60 =	vld [tilespmem:$0x1510]  }
0xe0: {  	v33 =	vld [tilespmem:$0x3000]  }
0xe1: {  	[tilespmem:$0x31A0] =	vst v27;
	v27 =	vadd.f32 v46, v16;
	v16 =	vld [tilespmem:$0x1FBE0];
	_ =	sdelay $0x3  }
0xe2: {  	v43 =	vld [tilespmem:$0x3020];
	[tilespmem:$0x1FBF0] =	vst v60  }
0xe3: {  	v53 =	vmul.f32 v16, v33;
	v16 =	vld [tilespmem:$0x1FBF0];
	_ =	sdelay $0x3  }
0xe4: {  	[tilespmem:$0x1FC00] =	vst v43;
	v54 =	vld [tilespmem:$0x590]  }
0xe5: {  	[tilespmem:$0x3590] =	vst v63;
	v63 =	vmul.f32 v16, v62;
	v16 =	vld [tilespmem:$0x1FC00];
	_ =	sdelay $0x2  }
0xe6: {  	v49 =	vld [tilespmem:$0x1580]  }
0xe7: {  	v60 =	vld [tilespmem:$0x3010];
	[tilespmem:$0x1FC10] =	vst v54  }
0xe8: {  	v21 =	vadd.f32 v53, v16;
	v16 =	vld [tilespmem:$0x1FC10];
	_ =	sdelay $0x3  }
0xe9: {  	v50 =	vld [tilespmem:$0x3030];
	[tilespmem:$0x1FC20] =	vst v49  }
0xea: {  	v24 =	vmul.f32 v16, v60;
	v16 =	vld [tilespmem:$0x1FC20];
	_ =	sdelay $0x3  }
0xeb: {  	[tilespmem:$0x1FC30] =	vst v50  }
0xec: {  	v25 =	vmul.f32 v16, v33;
	v16 =	vld [tilespmem:$0x1FC30];
	_ =	sdelay $0x2  }
0xed: {  	v55 =	vld [tilespmem:$0x1590]  }
0xee: {  	v54 =	vld [tilespmem:$0x3000]  }
0xef: {  	v48 =	vadd.f32 v24, v16;
	v16 =	vld [tilespmem:$0x1FC40];
	_ =	sdelay $0x3  }
0xf0: {  	v58 =	vld [tilespmem:$0x3020];
	[tilespmem:$0x1FC50] =	vst v55  }
0xf1: {  	v53 =	vmul.f32 v16, v54;
	v16 =	vld [tilespmem:$0x1FC50];
	_ =	sdelay $0x2  }
0xf2: {  	v49 =	vld [tilespmem:$0x1600]  }
0xf3: {  	[tilespmem:$0x1FC60] =	vst v58;
	v55 =	vld [tilespmem:$0x610]  }
0xf4: {  	[tilespmem:$0x3190] =	vst v59;
	v59 =	vmul.f32 v16, v60;
	v16 =	vld [tilespmem:$0x1FC60];
	_ =	sdelay $0x2  }
0xf5: {  	[tilespmem:$0x1FC80] =	vst v49  }
0xf6: {  	v49 =	vld [tilespmem:$0x3010];
	[tilespmem:$0x1FC70] =	vst v55  }
0xf7: {  	[tilespmem:$0x35A0] =	vst v38;
	v38 =	vadd.f32 v53, v16;
	v16 =	vld [tilespmem:$0x1FC70];
	_ =	sdelay $0x3  }
0xf8: {  	v50 =	vld [tilespmem:$0x3030]  }
0xf9: {  	v60 =	vmul.f32 v16, v49;
	v16 =	vld [tilespmem:$0x1FC80];
	_ =	sdelay $0x3  }
0xfa: {  	[tilespmem:$0x1FC90] =	vst v50  }
0xfb: {  	v62 =	vmul.f32 v16, v54;
	v16 =	vld [tilespmem:$0x1FC90];
	_ =	sdelay $0x2  }
0xfc: {  	v43 =	vld [tilespmem:$0x3000]  }
0xfd: {  	v58 =	vld [tilespmem:$0x1610]  }
0xfe: {  	[tilespmem:$0x35D0] =	vst v63;
	v63 =	vadd.f32 v60, v16;
	v16 =	vld [tilespmem:$0x1FCA0];
	_ =	sdelay $0x3  }
0xff: {  	v44 =	vld [tilespmem:$0x3020];
	[tilespmem:$0x1FCB0] =	vst v58  }
0x100: {  	v20 =	vmul.f32 v16, v43;
	v16 =	vld [tilespmem:$0x1FCB0];
	_ =	sdelay $0x3  }
0x101: {  	[tilespmem:$0x1FCC0] =	vst v44;
	v55 =	vld [tilespmem:$0x690]  }
0x102: {  	[tilespmem:$0x31E0] =	vst v21;
	v21 =	vmul.f32 v16, v49;
	v16 =	vld [tilespmem:$0x1FCC0];
	_ =	sdelay $0x2  }
0x103: {  	v44 =	vld [tilespmem:$0x3010]  }
0x104: {  	v50 =	vld [tilespmem:$0x1680];
	[tilespmem:$0x1FCD0] =	vst v55  }
0x105: {  	v24 =	vadd.f32 v20, v16;
	v16 =	vld [tilespmem:$0x1FCD0];
	_ =	sdelay $0x3  }
0x106: {  	[tilespmem:$0x1FCE0] =	vst v50;
	v50 =	vld [tilespmem:$0x3030]  }
0x107: {  	[tilespmem:$0x35E0] =	vst v25;
	v25 =	vmul.f32 v16, v44;
	v16 =	vld [tilespmem:$0x1FCE0];
	_ =	sdelay $0x3  }
0x108: {  	[tilespmem:$0x1FCF0] =	vst v50  }
0x109: {  	v28 =	vmul.f32 v16, v43;
	v16 =	vld [tilespmem:$0x1FCF0];
	_ =	sdelay $0x2  }
0x10a: {  	v58 =	vld [tilespmem:$0x1690]  }
0x10b: {  	v50 =	vld [tilespmem:$0x3000]  }
0x10c: {  	v46 =	vadd.f32 v25, v16;
	v16 =	vld [tilespmem:$0x1FD00];
	_ =	sdelay $0x3  }
0x10d: {  	[tilespmem:$0x1FD10] =	vst v58;
	v55 =	vld [tilespmem:$0x3020]  }
0x10e: {  	v29 =	vmul.f32 v16, v50;
	v16 =	vld [tilespmem:$0x1FD10];
	_ =	sdelay $0x3  }
0x10f: {  	[tilespmem:$0x1FD20] =	vst v55  }
0x110: {  	v33 =	vmul.f32 v16, v44;
	v16 =	vld [tilespmem:$0x1FD20];
	_ =	sdelay $0x2  }
0x111: {  	v58 =	vld [tilespmem:$0x1700]  }
0x112: {  	v55 =	vld [tilespmem:$0x3010]  }
0x113: {  	v39 =	vadd.f32 v29, v16;
	v16 =	vld [tilespmem:$0x1FD30];
	_ =	sdelay $0x3  }
0x114: {  	[tilespmem:$0x1FD40] =	vst v58;
	v58 =	vld [tilespmem:$0x3030]  }
0x115: {  	v20 =	vmul.f32 v16, v55;
	v16 =	vld [tilespmem:$0x1FD40];
	_ =	sdelay $0x3  }
0x116: {  	[tilespmem:$0x1FD50] =	vst v58  }
0x117: {  	v50 =	vmul.f32 v16, v50;
	v16 =	vld [tilespmem:$0x1FD50];
	_ =	sdelay $0x3  }
0x118: {  	v58 =	vld [tilespmem:$0x3000]  }
0x119: {  	v60 =	vadd.f32 v20, v16;
	v16 =	vld [tilespmem:$0x1FD60];
	_ =	sdelay $0x4  }
0x11a: {  	[tilespmem:$0x3610] =	vst v21;
	v21 =	vmul.f32 v16, v58;
	v16 =	vld [tilespmem:$0x1FD70];
	_ =	sdelay $0x4  }
0x11b: {  	[tilespmem:$0x3220] =	vst v24;
	v24 =	vmul.f32 v16, v55;
	v16 =	vld [tilespmem:$0x1FD80];
	_ =	sdelay $0x3  }
0x11c: {  	[tilespmem:$0x3180] =	vst v17;
	v17 =	vld [tilespmem:$0x1FDA0]  }
0x11d: {  	v25 =	vadd.f32 v21, v16;
	v16 =	vld [tilespmem:$0x1FD90];
	_ =	sdelay $0x4  }
0x11e: {  	[tilespmem:$0x3620] =	vst v28;
	v28 =	vmul.f32 v17, v16;
	v17 =	vld [tilespmem:$0x1FDB0];
	_ =	sdelay $0x4  }
0x11f: {  	v29 =	vmul.f32 v17, v58;
	v17 =	vld [tilespmem:$0x1FDC0];
	_ =	sdelay $0x1  }
0x120: {  	[tilespmem:$0x3650] =	vst v24;
	v24 =	vld [tilespmem:$0x1FDF0];
	_ =	sdelay $0x1  }
0x121: {  	[tilespmem:$0x3210] =	vst v63;
	v63 =	vld [tilespmem:$0x1FDE0]  }
0x122: {  	[tilespmem:$0x3630] =	vst v33;
	v33 =	vadd.f32 v28, v17;
	v17 =	vld [tilespmem:$0x1FDD0];
	_ =	sdelay $0x1  }
0x123: {  	[tilespmem:$0x3260] =	vst v25;
	v25 =	vmul.f32 v24, v16;
	v16 =	vld [tilespmem:$0x1FE00];
	_ =	sdelay $0x1  }
0x124: {  	[tilespmem:$0x3640] =	vst v50;
	v50 =	vld [tilespmem:$0x1FE30]  }
0x125: {  	v21 =	vmul.f32 v63, v17  }
0x126: {  	v28 =	vld [tilespmem:$0x1FE20]  }
0x127: {  	v21 =	vadd.f32 v21, v16;
	v16 =	vld [tilespmem:$0x1FE10];
	_ =	sdelay $0x1  }
0x128: {  	v20 =	vmul.f32 v50, v17;
	v17 =	vld [tilespmem:$0x1FE40];
	_ =	sdelay $0x2  }
0x129: {  	[tilespmem:$0x3660] =	vst v29;
	v29 =	vmul.f32 v28, v16  }
0x12a: {  	v45 =	vld [tilespmem:$0x3000]  }
0x12b: {  	[tilespmem:$0x3280] =	vst v21;
	v21 =	vadd.f32 v29, v17;
	v17 =	vld [tilespmem:$0x1FE50];
	_ =	sdelay $0x4  }
0x12c: {  	v24 =	vmul.f32 v17, v45;
	v17 =	vld [tilespmem:$0x1FE60];
	_ =	sdelay $0x4  }
0x12d: {  	[tilespmem:$0x3680] =	vst v20;
	v20 =	vmul.f32 v17, v16;
	v17 =	vld [tilespmem:$0x1FE70];
	_ =	sdelay $0x3  }
0x12e: {  	v35 =	vld [tilespmem:$0x3010]  }
0x12f: {  	[tilespmem:$0x3290] =	vst v21;
	v21 =	vadd.f32 v24, v17;
	v17 =	vld [tilespmem:$0x1FE80];
	_ =	sdelay $0x4  }
0x130: {  	v24 =	vmul.f32 v17, v35;
	v17 =	vld [tilespmem:$0x1FE90];
	_ =	sdelay $0x1  }
0x131: {  	v51 =	vld [tilespmem:$0x910];
	_ =	sdelay $0x2  }
0x132: {  	v45 =	vmul.f32 v17, v45;
	v17 =	vld [tilespmem:$0x1FEA0]  }
0x133: {  	v31 =	vld [tilespmem:$0x1980]  }
0x134: {  	[tilespmem:$0x1FEE0] =	vst v51;
	v51 =	vld [tilespmem:$0x1A00]  }
0x135: {  	[tilespmem:$0x3090] =	vst v34;
	v34 =	vld [tilespmem:$0x3010]  }
0x136: {  	v42 =	vld [tilespmem:$0x3000]  }
0x137: {  	[tilespmem:$0x3690] =	vst v20;
	v20 =	vadd.f32 v24, v17;
	v17 =	vld [tilespmem:$0x1FEB0]  }
0x138: {  	[tilespmem:$0x1FF40] =	vst v31;
	v31 =	vld [tilespmem:$0x3010]  }
0x139: {  	[tilespmem:$0x1FFA0] =	vst v51;
	v51 =	vld [tilespmem:$0xA90]  }
0x13a: {  	v36 =	vld [tilespmem:$0x3000]  }
0x13b: {  	v19 =	vld [tilespmem:$0x1900]  }
0x13c: {  	[tilespmem:$0x32A0] =	vst v21;
	v21 =	vmul.f32 v17, v42;
	v17 =	vld [tilespmem:$0x1FEC0]  }
0x13d: {  	v23 =	vld [tilespmem:$0x3010]  }
0x13e: {  	[tilespmem:$0x3580] =	vst v56;
	v56 =	vld [tilespmem:$0x1A90]  }
0x13f: {  	v57 =	vld [tilespmem:$0x3010]  }
0x140: {  	v26 =	vld [tilespmem:$0x3000]  }
0x141: {  	v35 =	vmul.f32 v17, v35;
	v17 =	vld [tilespmem:$0x1FED0]  }
0x142: {  	v32 =	vld [tilespmem:$0x3000]  }
0x143: {  	v51 =	vmul.f32 v51, v23;
	[tilespmem:$0x3570] =	vst v52;
	v52 =	vld [tilespmem:$0x3020];
	v23 =	vmul.f32 v56, v23  }
0x144: {  	v18 =	vld [tilespmem:$0x1D00]  }
0x145: {  	[tilespmem:$0x3730] =	vst v23;
	v23 =	vld [tilespmem:$0xD90]  }
0x146: {  	v55 =	vadd.f32 v21, v17;
	v17 =	vld [tilespmem:$0x1FEE0]  }
0x147: {  	[tilespmem:$0x31B0] =	vst v22;
	v22 =	vld [tilespmem:$0x3000]  }
0x148: {  	[tilespmem:$0x31C0] =	vst v41;
	v41 =	vld [tilespmem:$0xB00]  }
0x149: {  	v61 =	vld [tilespmem:$0xA80]  }
0x14a: {  	v37 =	vld [tilespmem:$0x1C00]  }
0x14b: {  	[tilespmem:$0x3250] =	vst v60;
	v60 =	vmul.f32 v17, v57;
	v17 =	vld [tilespmem:$0x1FEF0]  }
0x14c: {  	[tilespmem:$0x35B0] =	vst v40;
	v40 =	vld [tilespmem:$0xB10]  }
0x14d: {  	v41 =	vmul.f32 v41, v22;
	[tilespmem:$0x31D0] =	vst v27;
	v27 =	vld [tilespmem:$0x3010]  }
0x14e: {  	[tilespmem:$0x35C0] =	vst v47;
	v47 =	vld [tilespmem:$0x1B00]  }
0x14f: {  	v41 =	vadd.f32 v41, v52;
	[tilespmem:$0x31F0] =	vst v48;
	v48 =	vld [tilespmem:$0x3030]  }
0x150: {  	[tilespmem:$0x32C0] =	vst v55;
	v55 =	vadd.f32 v60, v17;
	v17 =	vld [tilespmem:$0x1FF00]  }
0x151: {  	[tilespmem:$0x3340] =	vst v41;
	v41 =	vld [tilespmem:$0x3020]  }
0x152: {  	v30 =	vld [tilespmem:$0x3000];
	v40 =	vmul.f32 v40, v27  }
0x153: {  	v22 =	vmul.f32 v47, v22;
	v47 =	vld [tilespmem:$0x1D90]  }
0x154: {  	v40 =	vadd.f32 v40, v48;
	v48 =	vld [tilespmem:$0x3020]  }
0x155: {  	v60 =	vmul.f32 v17, v36;
	v17 =	vld [tilespmem:$0x1FF10]  }
0x156: {  	[tilespmem:$0x3350] =	vst v40;
	v40 =	vld [tilespmem:$0x3030]  }
0x157: {  	[tilespmem:$0x35F0] =	vst v59;
	v59 =	vld [tilespmem:$0xB90]  }
0x158: {  	v53 =	vld [tilespmem:$0xB80];
	[tilespmem:$0x36B0] =	vst v35;
	v35 =	vmul.f32 v19, v42  }
0x159: {  	v54 =	vld [tilespmem:$0x1B10]  }
0x15a: {  	[tilespmem:$0x36C0] =	vst v35;
	v35 =	vmul.f32 v17, v57;
	v17 =	vld [tilespmem:$0x1FF20]  }
0x15b: {  	v49 =	vld [tilespmem:$0x3020]  }
0x15c: {  	v43 =	vld [tilespmem:$0x1B80]  }
0x15d: {  	[tilespmem:$0x3200] =	vst v38;
	v38 =	vld [tilespmem:$0x3010]  }
0x15e: {  	[tilespmem:$0x3600] =	vst v62;
	v62 =	vld [tilespmem:$0x3020]  }
0x15f: {  	v53 =	vmul.f32 v53, v30;
	[tilespmem:$0x32D0] =	vst v55;
	v55 =	vadd.f32 v60, v17;
	v17 =	vld [tilespmem:$0x1FF30]  }
0x160: {  	v54 =	vmul.f32 v54, v27;
	v27 =	vld [tilespmem:$0x3000]  }
0x161: {  	v56 =	vadd.f32 v53, v49;
	v53 =	vmul.f32 v43, v30;
	v30 =	vld [tilespmem:$0xE00]  }
0x162: {  	[tilespmem:$0x3230] =	vst v46;
	v46 =	vld [tilespmem:$0x3000]  }
0x163: {  	v44 =	vld [tilespmem:$0x3030]  }
0x164: {  	v60 =	vmul.f32 v17, v34;
	v17 =	vld [tilespmem:$0x1FF40]  }
0x165: {  	[tilespmem:$0x3240] =	vst v39;
	v39 =	vld [tilespmem:$0x1B90]  }
0x166: {  	v52 =	vmul.f32 v59, v38;
	v58 =	vld [tilespmem:$0xC00]  }
0x167: {  	v43 =	vld [tilespmem:$0x1E00]  }
0x168: {  	[tilespmem:$0x3750] =	vst v54;
	v54 =	vadd.f32 v52, v44;
	v52 =	vld [tilespmem:$0xE80]  }
0x169: {  	[tilespmem:$0x36D0] =	vst v35;
	v35 =	vmul.f32 v17, v36;
	v17 =	vld [tilespmem:$0x1FF50]  }
0x16a: {  	[tilespmem:$0x3670] =	vst v25;
	v25 =	vld [tilespmem:$0xC10]  }
0x16b: {  	[tilespmem:$0x3360] =	vst v56;
	v56 =	vmul.f32 v58, v46;
	v58 =	vmul.f32 v39, v38;
	v38 =	vld [tilespmem:$0x3010]  }
0x16c: {  	v39 =	vld [tilespmem:$0x1E10]  }
0x16d: {  	[tilespmem:$0x3270] =	vst v33;
	v33 =	vld [tilespmem:$0x3030]  }
0x16e: {  	[tilespmem:$0x32E0] =	vst v55;
	v55 =	vadd.f32 v60, v17;
	v17 =	vld [tilespmem:$0x1FF60]  }
0x16f: {  	v59 =	vadd.f32 v56, v62;
	v62 =	vmul.f32 v37, v46;
	v37 =	vld [tilespmem:$0xE10]  }
0x170: {  	v63 =	vld [tilespmem:$0x3010]  }
0x171: {  	v56 =	vld [tilespmem:$0x3030]  }
0x172: {  	[tilespmem:$0x3770] =	vst v58;
	v58 =	vld [tilespmem:$0xE90]  }
0x173: {  	v60 =	vmul.f32 v17, v32;
	v17 =	vld [tilespmem:$0x1FF70]  }
0x174: {  	[tilespmem:$0x3780] =	vst v62;
	v62 =	vld [tilespmem:$0x1E90]  }
0x175: {  	v50 =	vld [tilespmem:$0xC80];
	v25 =	vmul.f32 v25, v63  }
0x176: {  	v28 =	vld [tilespmem:$0x3020]  }
0x177: {  	v25 =	vadd.f32 v25, v33;
	v33 =	vld [tilespmem:$0x3020]  }
0x178: {  	v34 =	vmul.f32 v17, v34;
	v17 =	vld [tilespmem:$0x1FF80]  }
0x179: {  	v29 =	vld [tilespmem:$0x1C10]  }
0x17a: {  	[tilespmem:$0x3390] =	vst v25;
	v25 =	vld [tilespmem:$0x1E80]  }
0x17b: {  	v16 =	vld [tilespmem:$0x3000]  }
0x17c: {  	[tilespmem:$0x36F0] =	vst v34;
	v34 =	vld [tilespmem:$0x1FFA0]  }
0x17d: {  	[tilespmem:$0x32F0] =	vst v55;
	v55 =	vadd.f32 v60, v17;
	v17 =	vld [tilespmem:$0x1FF90]  }
0x17e: {  	[tilespmem:$0x36A0] =	vst v45;
	v45 =	vld [tilespmem:$0x3010]  }
0x17f: {  	[tilespmem:$0x3300] =	vst v55;
	v55 =	vld [tilespmem:$0x1FFB0]  }
0x180: {  	v24 =	vld [tilespmem:$0x1C80]  }
0x181: {  	[tilespmem:$0x32B0] =	vst v20;
	v20 =	vld [tilespmem:$0x1C90]  }
0x182: {  	v42 =	vld [tilespmem:$0xC90];
	v32 =	vmul.f32 v34, v32;
	v60 =	vmul.f32 v17, v31  }
0x183: {  	v19 =	vld [tilespmem:$0x3020]  }
0x184: {  	[tilespmem:$0x3700] =	vst v32;
	v32 =	vld [tilespmem:$0x1FFC0];
	v55 =	vadd.f32 v60, v55  }
0x185: {  	v21 =	vld [tilespmem:$0x3030]  }
0x186: {  	[tilespmem:$0x3310] =	vst v55;
	v55 =	vld [tilespmem:$0x1FFD0]  }
0x187: {  	[tilespmem:$0x3740] =	vst v22;
	v57 =	vld [tilespmem:$0x3000]  }
0x188: {  	[tilespmem:$0x3760] =	vst v53;
	v36 =	vld [tilespmem:$0xD00]  }
0x189: {  	[tilespmem:$0x36E0] =	vst v35;
	v35 =	vld [tilespmem:$0x3010];
	v60 =	vmul.f32 v61, v26;
	v31 =	vmul.f32 v32, v31  }
0x18a: {  	[tilespmem:$0x3370] =	vst v54;
	v34 =	vld [tilespmem:$0xD10]  }
0x18b: {  	[tilespmem:$0x3710] =	vst v31;
	v31 =	vld [tilespmem:$0x1FFE0];
	v55 =	vadd.f32 v60, v55  }
0x18c: {  	[tilespmem:$0x3380] =	vst v59;
	v46 =	vmul.f32 v29, v63;
	v44 =	vmul.f32 v50, v16;
	v17 =	vld [tilespmem:$0x3030]  }
0x18d: {  	v16 =	vmul.f32 v24, v16;
	[tilespmem:$0x3320] =	vst v55;
	v55 =	vld [tilespmem:$0x1FFF0]  }
0x18e: {  	[tilespmem:$0x3790] =	vst v46;
	v49 =	vadd.f32 v44, v28;
	v61 =	vld [tilespmem:$0x1D10]  }
0x18f: {  	[tilespmem:$0x37A0] =	vst v16;
	v16 =	vmul.f32 v20, v45;
	v50 =	vmul.f32 v42, v45;
	v32 =	vld [tilespmem:$0x3000]  }
0x190: {  	[tilespmem:$0x33A0] =	vst v49;
	v26 =	vmul.f32 v31, v26;
	v31 =	vld [tilespmem:$0xD80]  }
0x191: {  	[tilespmem:$0x37B0] =	vst v16;
	v21 =	vadd.f32 v50, v21;
	v60 =	vld [tilespmem:$0x3020]  }
0x192: {  	v53 =	vmul.f32 v36, v57;
	[tilespmem:$0x3720] =	vst v26;
	v26 =	vld [tilespmem:$0x3010];
	v51 =	vadd.f32 v51, v55  }
0x193: {  	[tilespmem:$0x33B0] =	vst v21;
	v16 =	vmul.f32 v18, v57;
	v54 =	vmul.f32 v34, v35;
	v55 =	vld [tilespmem:$0x1D80]  }
0x194: {  	v19 =	vadd.f32 v53, v19;
	[tilespmem:$0x3330] =	vst v51;
	v51 =	vld [tilespmem:$0x3030]  }
0x195: {  	v29 =	vld [tilespmem:$0x3000];
	[tilespmem:$0x37C0] =	vst v16;
	v17 =	vadd.f32 v54, v17;
	v59 =	vmul.f32 v31, v32  }
0x196: {  	v63 =	vld [tilespmem:$0x3000];
	[tilespmem:$0x33C0] =	vst v19;
	v16 =	vmul.f32 v61, v35  }
0x197: {  	v46 =	vld [tilespmem:$0x3010];
	[tilespmem:$0x33D0] =	vst v17;
	v17 =	vadd.f32 v59, v60;
	v36 =	vmul.f32 v23, v26  }
0x198: {  	v49 =	vld [tilespmem:$0xF10];
	[tilespmem:$0x37D0] =	vst v16;
	v16 =	vmul.f32 v55, v32  }
0x199: {  	v44 =	vmul.f32 v30, v27;
	v20 =	vld [tilespmem:$0x3010];
	[tilespmem:$0x33E0] =	vst v17;
	v17 =	vadd.f32 v36, v51  }
0x19a: {  	v42 =	vld [tilespmem:$0xF00];
	[tilespmem:$0x37E0] =	vst v16;
	v16 =	vmul.f32 v47, v26  }
0x19b: {  	v45 =	vld [tilespmem:$0x1F00];
	v47 =	vmul.f32 v37, v38;
	[tilespmem:$0x33F0] =	vst v17;
	v17 =	vadd.f32 v44, v48  }
0x19c: {  	v50 =	vmul.f32 v52, v29;
	v52 =	vld [tilespmem:$0x3000];
	[tilespmem:$0x37F0] =	vst v16;
	v16 =	vmul.f32 v43, v27  }
0x19d: {  	v57 =	vld [tilespmem:$0xF90];
	[tilespmem:$0x3400] =	vst v17;
	v17 =	vadd.f32 v47, v40  }
0x19e: {  	v53 =	vld [tilespmem:$0x3020];
	[tilespmem:$0x3800] =	vst v16;
	v16 =	vmul.f32 v39, v38  }
0x19f: {  	v18 =	vmul.f32 v58, v20;
	v54 =	vld [tilespmem:$0xF80];
	[tilespmem:$0x3410] =	vst v17;
	v17 =	vadd.f32 v50, v33  }
0x1a0: {  	v48 =	vld [tilespmem:$0x3030];
	[tilespmem:$0x3810] =	vst v16;
	v16 =	vmul.f32 v25, v29  }
0x1a1: {  	v55 =	vmul.f32 v42, v63;
	v51 =	vld [tilespmem:$0x1F10];
	[tilespmem:$0x3420] =	vst v17;
	v17 =	vadd.f32 v18, v56  }
0x1a2: {  	v56 =	vld [tilespmem:$0x3010];
	[tilespmem:$0x3820] =	vst v16;
	v16 =	vmul.f32 v62, v20  }
0x1a3: {  	v58 =	vmul.f32 v49, v46;
	v59 =	vld [tilespmem:$0x1F80];
	[tilespmem:$0x3430] =	vst v17;
	v17 =	vadd.f32 v55, v41  }
0x1a4: {  	v60 =	vld [tilespmem:$0x3030];
	[tilespmem:$0x3830] =	vst v16;
	v16 =	vmul.f32 v45, v63  }
0x1a5: {  	v61 =	vmul.f32 v54, v52;
	v62 =	vld [tilespmem:$0x1F90];
	[tilespmem:$0x3440] =	vst v17;
	v17 =	vadd.f32 v58, v48  }
0x1a6: {  	[tilespmem:$0x3840] =	vst v16;
	v16 =	vmul.f32 v51, v46  }
0x1a7: {  	v63 =	vmul.f32 v57, v56;
	[tilespmem:$0x3450] =	vst v17;
	v17 =	vadd.f32 v61, v53  }
0x1a8: {  	[tilespmem:$0x3850] =	vst v16;
	v16 =	vmul.f32 v59, v52  }
0x1a9: {  	[tilespmem:$0x3460] =	vst v17;
	v17 =	vadd.f32 v63, v60  }
0x1aa: {  	[tilespmem:$0x3860] =	vst v16;
	v16 =	vmul.f32 v62, v56  }
0x1ab: {  	[tilespmem:$0x3470] =	vst v17  }
0x1ac: {  	s19 =	simm.s32 $0x0;
	s18 =	simm.s32 $0x2010;
	[tilespmem:$0x3870] =	vst v16  }
.LBB2_3:
0x1ad: {  	v16 =	vld [tilespmem:s18+$0xFFFFFFF0]  }
0x1ae: {  	v17 =	vld [tilespmem:s18+$0x0];
	_ =	sdelay $0x3  }
0x1af: {  	v16 =	vtrunc.f32 v16  }
0x1b0: {  	v17 =	vtrunc.f32 v17;
	v16 =	vcvt.f32.s32 v16  }
0x1b1: {  	v18 =	vcvt.f32.s32 v17  }
0x1b2: {  	v17 =	vshll.u32 v16, $0x5  }
0x1b3: {  	v16 =	vshll.u32 v18, $0x5  }
0x1b4: {  	s20 =	sshra.s32 s19, $0x2  }
0x1b5: {  	v19 =	vld [tilespmem:s20+$0x3080];
	_ =	sdelay $0x1  }
0x1b6: {  	v39 =	vld.idx.msk [tilespmem:v17+s10+$0x0], $0xffff  }
0x1b7: {  	v20 =	vld.idx.msk [tilespmem:v16+s10+$0x0], $0xffff;
	_ =	sdelay $0x1  }
0x1b8: {  	v21 =	vperm.xlane v19, v1;
	_ =	sdelay $0x1  }
0x1b9: {  	v22 =	vor.u32 $0x1, v17;
	v18 =	vadd.f32 v39, v21  }
0x1ba: {  	v40 =	vor.u32 $0x1, v16;
	v20 =	vadd.f32 v20, v21  }
0x1bb: {  	v18 =	vmax.f32 v18, $0.0e+00  }
0x1bc: {  	v41 =	vmax.f32 v20, $0.0e+00;
	[tilespmem:s20+$0x3880] =	vst v18  }
0x1bd: {  	[tilespmem:s20+$0x3890] =	vst v41  }
0x1be: {  	v18 =	vld.idx.msk [tilespmem:v22+s10+$0x0], $0xffff  }
0x1bf: {  	v42 =	vld.idx.msk [tilespmem:v40+s10+$0x0], $0xffff;
	_ =	sdelay $0x1  }
0x1c0: {  	v43 =	vperm.xlane v19, v2;
	_ =	sdelay $0x1  }
0x1c1: {  	v23 =	vor.u32 $0x2, v17;
	v22 =	vadd.f32 v18, v43  }
0x1c2: {  	v44 =	vor.u32 $0x2, v16;
	v20 =	vadd.f32 v42, v43  }
0x1c3: {  	s21 =	sand.u32 $0x3E0, s17;
	v22 =	vmax.f32 v22, $0.0e+00  }
0x1c4: {  	v18 =	vld [tilespmem:s20+$0x3090];
	v20 =	vmax.f32 v20, $0.0e+00;
	[tilespmem:s21+$0x3C80] =	vst v22  }
0x1c5: {  	[tilespmem:s20+$0x3C90] =	vst v20  }
0x1c6: {  	v20 =	vld.idx.msk [tilespmem:v23+s10+$0x0], $0xffff  }
0x1c7: {  	v21 =	vld.idx.msk [tilespmem:v44+s10+$0x0], $0xffff;
	_ =	sdelay $0x1  }
0x1c8: {  	v45 =	vperm.xlane v19, v3;
	_ =	sdelay $0x1  }
0x1c9: {  	v46 =	vor.u32 $0x3, v17;
	v20 =	vadd.f32 v20, v45  }
0x1ca: {  	v47 =	vor.u32 $0x3, v16;
	v21 =	vadd.f32 v21, v45  }
0x1cb: {  	v20 =	vmax.f32 v20, $0.0e+00  }
0x1cc: {  	v48 =	vmax.f32 v21, $0.0e+00;
	[tilespmem:s21+$0x4080] =	vst v20  }
0x1cd: {  	[tilespmem:s20+$0x4090] =	vst v48  }
0x1ce: {  	v20 =	vld.idx.msk [tilespmem:v46+s10+$0x0], $0xffff  }
0x1cf: {  	v49 =	vld.idx.msk [tilespmem:v47+s10+$0x0], $0xffff;
	_ =	sdelay $0x1  }
0x1d0: {  	v50 =	vperm.xlane v19, v4;
	_ =	sdelay $0x1  }
0x1d1: {  	v51 =	vor.u32 $0x4, v17;
	v20 =	vadd.f32 v20, v50  }
0x1d2: {  	v52 =	vor.u32 $0x4, v16;
	v21 =	vadd.f32 v49, v50  }
0x1d3: {  	v20 =	vmax.f32 v20, $0.0e+00  }
0x1d4: {  	v53 =	vmax.f32 v21, $0.0e+00;
	[tilespmem:s21+$0x4480] =	vst v20  }
0x1d5: {  	[tilespmem:s20+$0x4490] =	vst v53  }
0x1d6: {  	v20 =	vld.idx.msk [tilespmem:v51+s10+$0x0], $0xffff  }
0x1d7: {  	v54 =	vld.idx.msk [tilespmem:v52+s10+$0x0], $0xffff;
	_ =	sdelay $0x1  }
0x1d8: {  	v55 =	vperm.xlane v19, v5;
	_ =	sdelay $0x1  }
0x1d9: {  	v56 =	vor.u32 $0x5, v17;
	v20 =	vadd.f32 v20, v55  }
0x1da: {  	v57 =	vor.u32 $0x5, v16;
	v21 =	vadd.f32 v54, v55  }
0x1db: {  	v20 =	vmax.f32 v20, $0.0e+00  }
0x1dc: {  	v58 =	vmax.f32 v21, $0.0e+00;
	[tilespmem:s21+$0x4880] =	vst v20  }
0x1dd: {  	[tilespmem:s20+$0x4890] =	vst v58  }
0x1de: {  	v20 =	vld.idx.msk [tilespmem:v56+s10+$0x0], $0xffff  }
0x1df: {  	v59 =	vld.idx.msk [tilespmem:v57+s10+$0x0], $0xffff;
	_ =	sdelay $0x1  }
0x1e0: {  	v60 =	vperm.xlane v19, v0;
	_ =	sdelay $0x1  }
0x1e1: {  	v61 =	vor.u32 $0x6, v17;
	v20 =	vadd.f32 v20, v60  }
0x1e2: {  	v62 =	vor.u32 $0x6, v16;
	v21 =	vadd.f32 v59, v60  }
0x1e3: {  	v20 =	vmax.f32 v20, $0.0e+00  }
0x1e4: {  	v63 =	vmax.f32 v21, $0.0e+00;
	[tilespmem:s21+$0x4C80] =	vst v20  }
0x1e5: {  	[tilespmem:s20+$0x4C90] =	vst v63  }
0x1e6: {  	v20 =	vld.idx.msk [tilespmem:v61+s10+$0x0], $0xffff  }
0x1e7: {  	v24 =	vld.idx.msk [tilespmem:v62+s10+$0x0], $0xffff;
	_ =	sdelay $0x1  }
0x1e8: {  	v25 =	vperm.xlane v19, v6;
	_ =	sdelay $0x1  }
0x1e9: {  	v26 =	vor.u32 $0x7, v17;
	v20 =	vadd.f32 v20, v25  }
0x1ea: {  	v27 =	vor.u32 $0x7, v16;
	v21 =	vadd.f32 v24, v25  }
0x1eb: {  	v20 =	vmax.f32 v20, $0.0e+00  }
0x1ec: {  	v28 =	vmax.f32 v21, $0.0e+00;
	[tilespmem:s21+$0x5080] =	vst v20  }
0x1ed: {  	[tilespmem:s20+$0x5090] =	vst v28  }
0x1ee: {  	v20 =	vld.idx.msk [tilespmem:v26+s10+$0x0], $0xffff  }
0x1ef: {  	v29 =	vld.idx.msk [tilespmem:v27+s10+$0x0], $0xffff;
	_ =	sdelay $0x1  }
0x1f0: {  	v30 =	vperm.xlane v19, v7;
	_ =	sdelay $0x1  }
0x1f1: {  	v31 =	vor.u32 $0x8, v17;
	v20 =	vadd.f32 v20, v30  }
0x1f2: {  	v32 =	vor.u32 $0x8, v16;
	v21 =	vadd.f32 v29, v30  }
0x1f3: {  	v20 =	vmax.f32 v20, $0.0e+00  }
0x1f4: {  	v33 =	vmax.f32 v21, $0.0e+00;
	[tilespmem:s21+$0x5480] =	vst v20  }
0x1f5: {  	[tilespmem:s20+$0x5490] =	vst v33  }
0x1f6: {  	v20 =	vld.idx.msk [tilespmem:v31+s10+$0x0], $0xffff  }
0x1f7: {  	v34 =	vld.idx.msk [tilespmem:v32+s10+$0x0], $0xffff;
	_ =	sdelay $0x1  }
0x1f8: {  	v35 =	vperm.xlane v19, v8;
	_ =	sdelay $0x1  }
0x1f9: {  	v36 =	vor.u32 $0x9, v17;
	v20 =	vadd.f32 v20, v35  }
0x1fa: {  	v37 =	vor.u32 $0x9, v16;
	v21 =	vadd.f32 v34, v35  }
0x1fb: {  	v20 =	vmax.f32 v20, $0.0e+00  }
0x1fc: {  	v38 =	vmax.f32 v21, $0.0e+00;
	[tilespmem:s21+$0x5880] =	vst v20  }
0x1fd: {  	[tilespmem:s20+$0x5890] =	vst v38  }
0x1fe: {  	v20 =	vld.idx.msk [tilespmem:v36+s10+$0x0], $0xffff  }
0x1ff: {  	v39 =	vld.idx.msk [tilespmem:v37+s10+$0x0], $0xffff;
	_ =	sdelay $0x1  }
0x200: {  	v40 =	vperm.xlane v19, v9;
	_ =	sdelay $0x1  }
0x201: {  	v41 =	vor.u32 $0xA, v17;
	v20 =	vadd.f32 v20, v40  }
0x202: {  	v42 =	vor.u32 $0xA, v16;
	v21 =	vadd.f32 v39, v40  }
0x203: {  	v20 =	vmax.f32 v20, $0.0e+00  }
0x204: {  	v43 =	vmax.f32 v21, $0.0e+00;
	[tilespmem:s21+$0x5C80] =	vst v20  }
0x205: {  	[tilespmem:s20+$0x5C90] =	vst v43  }
0x206: {  	v20 =	vld.idx.msk [tilespmem:v41+s10+$0x0], $0xffff  }
0x207: {  	v44 =	vld.idx.msk [tilespmem:v42+s10+$0x0], $0xffff;
	_ =	sdelay $0x1  }
0x208: {  	v45 =	vperm.xlane v19, v10;
	_ =	sdelay $0x1  }
0x209: {  	v46 =	vor.u32 $0xB, v17;
	v20 =	vadd.f32 v20, v45  }
0x20a: {  	v47 =	vor.u32 $0xB, v16;
	v21 =	vadd.f32 v44, v45  }
0x20b: {  	v20 =	vmax.f32 v20, $0.0e+00  }
0x20c: {  	v48 =	vmax.f32 v21, $0.0e+00;
	[tilespmem:s21+$0x6080] =	vst v20  }
0x20d: {  	[tilespmem:s20+$0x6090] =	vst v48  }
0x20e: {  	v20 =	vld.idx.msk [tilespmem:v46+s10+$0x0], $0xffff  }
0x20f: {  	v49 =	vld.idx.msk [tilespmem:v47+s10+$0x0], $0xffff;
	_ =	sdelay $0x1  }
0x210: {  	v50 =	vperm.xlane v19, v11;
	_ =	sdelay $0x1  }
0x211: {  	v51 =	vor.u32 $0xC, v17;
	v20 =	vadd.f32 v20, v50  }
0x212: {  	v52 =	vor.u32 $0xC, v16;
	v21 =	vadd.f32 v49, v50  }
0x213: {  	v20 =	vmax.f32 v20, $0.0e+00  }
0x214: {  	v53 =	vmax.f32 v21, $0.0e+00;
	[tilespmem:s21+$0x6480] =	vst v20  }
0x215: {  	[tilespmem:s20+$0x6490] =	vst v53  }
0x216: {  	v20 =	vld.idx.msk [tilespmem:v51+s10+$0x0], $0xffff  }
0x217: {  	v54 =	vld.idx.msk [tilespmem:v52+s10+$0x0], $0xffff;
	_ =	sdelay $0x1  }
0x218: {  	v55 =	vperm.xlane v19, v12;
	_ =	sdelay $0x1  }
0x219: {  	v56 =	vor.u32 $0xD, v17;
	v20 =	vadd.f32 v20, v55  }
0x21a: {  	v57 =	vor.u32 $0xD, v16;
	v21 =	vadd.f32 v54, v55  }
0x21b: {  	v20 =	vmax.f32 v20, $0.0e+00  }
0x21c: {  	v58 =	vmax.f32 v21, $0.0e+00;
	[tilespmem:s21+$0x6880] =	vst v20  }
0x21d: {  	[tilespmem:s20+$0x6890] =	vst v58  }
0x21e: {  	v20 =	vld.idx.msk [tilespmem:v56+s10+$0x0], $0xffff  }
0x21f: {  	v59 =	vld.idx.msk [tilespmem:v57+s10+$0x0], $0xffff;
	_ =	sdelay $0x1  }
0x220: {  	v60 =	vperm.xlane v19, v13;
	_ =	sdelay $0x1  }
0x221: {  	v61 =	vor.u32 $0xE, v17;
	v20 =	vadd.f32 v20, v60  }
0x222: {  	v62 =	vor.u32 $0xE, v16;
	v21 =	vadd.f32 v59, v60  }
0x223: {  	v20 =	vmax.f32 v20, $0.0e+00  }
0x224: {  	v63 =	vmax.f32 v21, $0.0e+00;
	[tilespmem:s21+$0x6C80] =	vst v20  }
0x225: {  	[tilespmem:s20+$0x6C90] =	vst v63  }
0x226: {  	v20 =	vld.idx.msk [tilespmem:v61+s10+$0x0], $0xffff  }
0x227: {  	v24 =	vld.idx.msk [tilespmem:v62+s10+$0x0], $0xffff;
	_ =	sdelay $0x1  }
0x228: {  	v25 =	vperm.xlane v19, v14;
	_ =	sdelay $0x1  }
0x229: {  	v26 =	vor.u32 $0xF, v17;
	v20 =	vadd.f32 v20, v25  }
0x22a: {  	v27 =	vor.u32 $0xF, v16;
	v21 =	vadd.f32 v24, v25  }
0x22b: {  	v20 =	vmax.f32 v20, $0.0e+00  }
0x22c: {  	v28 =	vmax.f32 v21, $0.0e+00;
	[tilespmem:s21+$0x7080] =	vst v20  }
0x22d: {  	[tilespmem:s20+$0x7090] =	vst v28  }
0x22e: {  	v20 =	vld.idx.msk [tilespmem:v26+s10+$0x0], $0xffff  }
0x22f: {  	v29 =	vld.idx.msk [tilespmem:v27+s10+$0x0], $0xffff;
	_ =	sdelay $0x1  }
0x230: {  	v19 =	vperm.xlane v19, v15;
	_ =	sdelay $0x1  }
0x231: {  	v30 =	vor.u32 $0x10, v17;
	v20 =	vadd.f32 v20, v19  }
0x232: {  	v31 =	vor.u32 $0x10, v16;
	v19 =	vadd.f32 v29, v19  }
0x233: {  	v20 =	vmax.f32 v20, $0.0e+00  }
0x234: {  	v19 =	vmax.f32 v19, $0.0e+00;
	[tilespmem:s21+$0x7480] =	vst v20  }
0x235: {  	[tilespmem:s20+$0x7490] =	vst v19  }
0x236: {  	v19 =	vld.idx.msk [tilespmem:v30+s10+$0x0], $0xffff  }
0x237: {  	v20 =	vld.idx.msk [tilespmem:v31+s10+$0x0], $0xffff;
	_ =	sdelay $0x1  }
0x238: {  	v32 =	vperm.xlane v18, v1;
	_ =	sdelay $0x1  }
0x239: {  	v33 =	vor.u32 $0x11, v17;
	v19 =	vadd.f32 v19, v32  }
0x23a: {  	v34 =	vor.u32 $0x11, v16;
	v20 =	vadd.f32 v20, v32  }
0x23b: {  	v19 =	vmax.f32 v19, $0.0e+00  }
0x23c: {  	v35 =	vmax.f32 v20, $0.0e+00;
	[tilespmem:s21+$0x7880] =	vst v19  }
0x23d: {  	[tilespmem:s20+$0x7890] =	vst v35  }
0x23e: {  	v19 =	vld.idx.msk [tilespmem:v33+s10+$0x0], $0xffff  }
0x23f: {  	v36 =	vld.idx.msk [tilespmem:v34+s10+$0x0], $0xffff;
	_ =	sdelay $0x1  }
0x240: {  	v37 =	vperm.xlane v18, v2;
	_ =	sdelay $0x1  }
0x241: {  	v38 =	vor.u32 $0x12, v17;
	v19 =	vadd.f32 v19, v37  }
0x242: {  	v39 =	vor.u32 $0x12, v16;
	v20 =	vadd.f32 v36, v37  }
0x243: {  	v19 =	vmax.f32 v19, $0.0e+00  }
0x244: {  	v40 =	vmax.f32 v20, $0.0e+00;
	[tilespmem:s21+$0x7C80] =	vst v19  }
0x245: {  	[tilespmem:s20+$0x7C90] =	vst v40  }
0x246: {  	v19 =	vld.idx.msk [tilespmem:v38+s10+$0x0], $0xffff  }
0x247: {  	v41 =	vld.idx.msk [tilespmem:v39+s10+$0x0], $0xffff;
	_ =	sdelay $0x1  }
0x248: {  	v42 =	vperm.xlane v18, v3;
	_ =	sdelay $0x1  }
0x249: {  	v43 =	vor.u32 $0x13, v17;
	v19 =	vadd.f32 v19, v42  }
0x24a: {  	v44 =	vor.u32 $0x13, v16;
	v20 =	vadd.f32 v41, v42  }
0x24b: {  	v19 =	vmax.f32 v19, $0.0e+00  }
0x24c: {  	v45 =	vmax.f32 v20, $0.0e+00;
	[tilespmem:s21+$0x8080] =	vst v19  }
0x24d: {  	[tilespmem:s20+$0x8090] =	vst v45  }
0x24e: {  	v19 =	vld.idx.msk [tilespmem:v43+s10+$0x0], $0xffff  }
0x24f: {  	v46 =	vld.idx.msk [tilespmem:v44+s10+$0x0], $0xffff;
	_ =	sdelay $0x1  }
0x250: {  	v47 =	vperm.xlane v18, v4;
	_ =	sdelay $0x1  }
0x251: {  	v48 =	vor.u32 $0x14, v17;
	v19 =	vadd.f32 v19, v47  }
0x252: {  	v49 =	vor.u32 $0x14, v16;
	v20 =	vadd.f32 v46, v47  }
0x253: {  	v19 =	vmax.f32 v19, $0.0e+00  }
0x254: {  	v50 =	vmax.f32 v20, $0.0e+00;
	[tilespmem:s21+$0x8480] =	vst v19  }
0x255: {  	[tilespmem:s20+$0x8490] =	vst v50  }
0x256: {  	v19 =	vld.idx.msk [tilespmem:v48+s10+$0x0], $0xffff  }
0x257: {  	v51 =	vld.idx.msk [tilespmem:v49+s10+$0x0], $0xffff;
	_ =	sdelay $0x1  }
0x258: {  	v52 =	vperm.xlane v18, v5;
	_ =	sdelay $0x1  }
0x259: {  	v53 =	vor.u32 $0x15, v17;
	v19 =	vadd.f32 v19, v52  }
0x25a: {  	v54 =	vor.u32 $0x15, v16;
	v20 =	vadd.f32 v51, v52  }
0x25b: {  	v19 =	vmax.f32 v19, $0.0e+00  }
0x25c: {  	v55 =	vmax.f32 v20, $0.0e+00;
	[tilespmem:s21+$0x8880] =	vst v19  }
0x25d: {  	[tilespmem:s20+$0x8890] =	vst v55  }
0x25e: {  	v19 =	vld.idx.msk [tilespmem:v53+s10+$0x0], $0xffff  }
0x25f: {  	v56 =	vld.idx.msk [tilespmem:v54+s10+$0x0], $0xffff;
	_ =	sdelay $0x1  }
0x260: {  	v57 =	vperm.xlane v18, v0;
	_ =	sdelay $0x1  }
0x261: {  	v58 =	vor.u32 $0x16, v17;
	v19 =	vadd.f32 v19, v57  }
0x262: {  	v59 =	vor.u32 $0x16, v16;
	v20 =	vadd.f32 v56, v57  }
0x263: {  	v19 =	vmax.f32 v19, $0.0e+00  }
0x264: {  	v60 =	vmax.f32 v20, $0.0e+00;
	[tilespmem:s21+$0x8C80] =	vst v19  }
0x265: {  	[tilespmem:s20+$0x8C90] =	vst v60  }
0x266: {  	v19 =	vld.idx.msk [tilespmem:v58+s10+$0x0], $0xffff  }
0x267: {  	v61 =	vld.idx.msk [tilespmem:v59+s10+$0x0], $0xffff;
	_ =	sdelay $0x1  }
0x268: {  	v62 =	vperm.xlane v18, v6;
	_ =	sdelay $0x1  }
0x269: {  	v63 =	vor.u32 $0x17, v17;
	v19 =	vadd.f32 v19, v62  }
0x26a: {  	v24 =	vor.u32 $0x17, v16;
	v20 =	vadd.f32 v61, v62  }
0x26b: {  	v19 =	vmax.f32 v19, $0.0e+00  }
0x26c: {  	v25 =	vmax.f32 v20, $0.0e+00;
	[tilespmem:s21+$0x9080] =	vst v19  }
0x26d: {  	[tilespmem:s20+$0x9090] =	vst v25  }
0x26e: {  	v19 =	vld.idx.msk [tilespmem:v63+s10+$0x0], $0xffff  }
0x26f: {  	v26 =	vld.idx.msk [tilespmem:v24+s10+$0x0], $0xffff;
	_ =	sdelay $0x1  }
0x270: {  	v27 =	vperm.xlane v18, v7;
	_ =	sdelay $0x1  }
0x271: {  	v28 =	vor.u32 $0x18, v17;
	v19 =	vadd.f32 v19, v27  }
0x272: {  	v29 =	vor.u32 $0x18, v16;
	v20 =	vadd.f32 v26, v27  }
0x273: {  	v19 =	vmax.f32 v19, $0.0e+00  }
0x274: {  	v30 =	vmax.f32 v20, $0.0e+00;
	[tilespmem:s21+$0x9480] =	vst v19  }
0x275: {  	[tilespmem:s20+$0x9490] =	vst v30  }
0x276: {  	v19 =	vld.idx.msk [tilespmem:v28+s10+$0x0], $0xffff  }
0x277: {  	v31 =	vld.idx.msk [tilespmem:v29+s10+$0x0], $0xffff;
	_ =	sdelay $0x1  }
0x278: {  	v32 =	vperm.xlane v18, v8;
	_ =	sdelay $0x1  }
0x279: {  	v33 =	vor.u32 $0x19, v17;
	v19 =	vadd.f32 v19, v32  }
0x27a: {  	v34 =	vor.u32 $0x19, v16;
	v20 =	vadd.f32 v31, v32  }
0x27b: {  	v19 =	vmax.f32 v19, $0.0e+00  }
0x27c: {  	v35 =	vmax.f32 v20, $0.0e+00;
	[tilespmem:s21+$0x9880] =	vst v19  }
0x27d: {  	[tilespmem:s20+$0x9890] =	vst v35  }
0x27e: {  	v19 =	vld.idx.msk [tilespmem:v33+s10+$0x0], $0xffff  }
0x27f: {  	v36 =	vld.idx.msk [tilespmem:v34+s10+$0x0], $0xffff;
	_ =	sdelay $0x1  }
0x280: {  	v37 =	vperm.xlane v18, v9;
	_ =	sdelay $0x1  }
0x281: {  	v38 =	vor.u32 $0x1A, v17;
	v19 =	vadd.f32 v19, v37  }
0x282: {  	v39 =	vor.u32 $0x1A, v16;
	v20 =	vadd.f32 v36, v37  }
0x283: {  	v19 =	vmax.f32 v19, $0.0e+00  }
0x284: {  	v40 =	vmax.f32 v20, $0.0e+00;
	[tilespmem:s21+$0x9C80] =	vst v19  }
0x285: {  	[tilespmem:s20+$0x9C90] =	vst v40  }
0x286: {  	v19 =	vld.idx.msk [tilespmem:v38+s10+$0x0], $0xffff  }
0x287: {  	v41 =	vld.idx.msk [tilespmem:v39+s10+$0x0], $0xffff;
	_ =	sdelay $0x1  }
0x288: {  	v42 =	vperm.xlane v18, v10;
	_ =	sdelay $0x1  }
0x289: {  	v43 =	vor.u32 $0x1B, v17;
	v19 =	vadd.f32 v19, v42  }
0x28a: {  	v44 =	vor.u32 $0x1B, v16;
	v20 =	vadd.f32 v41, v42  }
0x28b: {  	v19 =	vmax.f32 v19, $0.0e+00  }
0x28c: {  	v45 =	vmax.f32 v20, $0.0e+00;
	[tilespmem:s21+$0xA080] =	vst v19  }
0x28d: {  	[tilespmem:s20+$0xA090] =	vst v45  }
0x28e: {  	v19 =	vld.idx.msk [tilespmem:v43+s10+$0x0], $0xffff  }
0x28f: {  	v46 =	vld.idx.msk [tilespmem:v44+s10+$0x0], $0xffff;
	_ =	sdelay $0x1  }
0x290: {  	v47 =	vperm.xlane v18, v11;
	_ =	sdelay $0x1  }
0x291: {  	v48 =	vor.u32 $0x1C, v17;
	v19 =	vadd.f32 v19, v47  }
0x292: {  	v49 =	vor.u32 $0x1C, v16;
	v20 =	vadd.f32 v46, v47  }
0x293: {  	v19 =	vmax.f32 v19, $0.0e+00  }
0x294: {  	v50 =	vmax.f32 v20, $0.0e+00;
	[tilespmem:s21+$0xA480] =	vst v19  }
0x295: {  	[tilespmem:s20+$0xA490] =	vst v50  }
0x296: {  	v19 =	vld.idx.msk [tilespmem:v48+s10+$0x0], $0xffff  }
0x297: {  	v51 =	vld.idx.msk [tilespmem:v49+s10+$0x0], $0xffff;
	_ =	sdelay $0x1  }
0x298: {  	v52 =	vperm.xlane v18, v12;
	_ =	sdelay $0x1  }
0x299: {  	v53 =	vor.u32 $0x1D, v17;
	v19 =	vadd.f32 v19, v52  }
0x29a: {  	v54 =	vor.u32 $0x1D, v16;
	v20 =	vadd.f32 v51, v52  }
0x29b: {  	v19 =	vmax.f32 v19, $0.0e+00  }
0x29c: {  	v55 =	vmax.f32 v20, $0.0e+00;
	[tilespmem:s21+$0xA880] =	vst v19  }
0x29d: {  	[tilespmem:s20+$0xA890] =	vst v55  }
0x29e: {  	v19 =	vld.idx.msk [tilespmem:v53+s10+$0x0], $0xffff  }
0x29f: {  	v56 =	vld.idx.msk [tilespmem:v54+s10+$0x0], $0xffff;
	_ =	sdelay $0x1  }
0x2a0: {  	v57 =	vperm.xlane v18, v13;
	_ =	sdelay $0x1  }
0x2a1: {  	v58 =	vor.u32 $0x1E, v17;
	v19 =	vadd.f32 v19, v57  }
0x2a2: {  	v59 =	vor.u32 $0x1E, v16;
	v20 =	vadd.f32 v56, v57  }
0x2a3: {  	v19 =	vmax.f32 v19, $0.0e+00  }
0x2a4: {  	v60 =	vmax.f32 v20, $0.0e+00;
	[tilespmem:s21+$0xAC80] =	vst v19  }
0x2a5: {  	[tilespmem:s20+$0xAC90] =	vst v60  }
0x2a6: {  	v19 =	vld.idx.msk [tilespmem:v58+s10+$0x0], $0xffff  }
0x2a7: {  	v61 =	vld.idx.msk [tilespmem:v59+s10+$0x0], $0xffff;
	_ =	sdelay $0x1  }
0x2a8: {  	v62 =	vperm.xlane v18, v14;
	_ =	sdelay $0x1  }
0x2a9: {  	v17 =	vor.u32 $0x1F, v17;
	v19 =	vadd.f32 v19, v62  }
0x2aa: {  	v16 =	vor.u32 $0x1F, v16;
	v20 =	vadd.f32 v61, v62  }
0x2ab: {  	v19 =	vmax.f32 v19, $0.0e+00  }
0x2ac: {  	v63 =	vmax.f32 v20, $0.0e+00;
	[tilespmem:s21+$0xB080] =	vst v19  }
0x2ad: {  	[tilespmem:s20+$0xB090] =	vst v63  }
0x2ae: {  	v17 =	vld.idx.msk [tilespmem:v17+s10+$0x0], $0xffff  }
0x2af: {  	v16 =	vld.idx.msk [tilespmem:v16+s10+$0x0], $0xffff;
	_ =	sdelay $0x1  }
0x2b0: {  	v18 =	vperm.xlane v18, v15  }
0x2b1: {  	p0 =	sne.s32 s19, $0xF80  }
.Ltmp0:
0x2b2: {  	v17 =	vadd.f32 v17, v18;
	(pc) =	sbr.rel @p0 .LBB2_3-.Ltmp0, $4  }
0x2b3: {  	v16 =	vadd.f32 v16, v18  }
0x2b4: {  	v17 =	vmax.f32 v17, $0.0e+00  }
0x2b5: {  	v16 =	vmax.f32 v16, $0.0e+00;
	[tilespmem:s21+$0xB480] =	vst v17  }
0x2b6: {  	s17 =	sadd.s32 $0x20, s17;
	s18 =	sadd.s32 $0x80, s18;
	s19 =	sadd.s32 $0x80, s19;
	[tilespmem:s20+$0xB490] =	vst v16  }
0x2b7: {  	s17 =	sshll.u32 s15, $0x4  }
0x2b8: {  	s16 =	sshll.u32 s16, $0xC;
	s15 =	sadd.s32 $0x1, s15;
	s17 =	sand.u32 $0x70, s17  }
0x2b9: {  	s16 =	sand.u32 $0x3F8000, s16;
	p0 =	sne.s32 s15, $0x20;
	s17 =	sadd.s32 s5, s17  }
.Ltmp1:
0x2ba: {  	s16 =	sadd.s32 s16, s17;
	(pc) =	sbr.rel @p0 .LBB2_2-.Ltmp1, $4  }
0x2bb: {  	[hbm4b:s16+s11] =	stream.strided.scatter [tilespmem:s13], [sflag:$0x1], $0x8000, s12, s11, $0x38;
	[tilespmem:$0xB880] =	vst v63  }
0x2bc: {  	_ =	swait.ge [sflag:s9], $0x8000  }
0x2bd: {  	[sflag:s9] =	ssyncset.done $0x0  }
0x2be: {  	[sflag:s9] =	ssyncadd.s32 $0xFFFF8000  }
0x2bf: {  	s14 =	sadd.s32 $0x1, s14  }
0x2c0: {  	p0 =	sne.s32 s14, s7  }
.Ltmp2:
0x2c1: {  	_ = 	snop;
	(pc) =	sbr.rel @p0 .LBB2_1-.Ltmp2, $1  }
0x2c2: {  	_ =	sdelay $0x3  }
0x2c3: {  	_ =	sfence.sel $0x180000  }
0x2c4: {  	[bflag:$0x0] =	sbarrier.arrive $0xFFFF  }
0x2c5: {  	p0 =	sne.s32 s3, $0x0;
	_ =	strace $0x90000047  }
0x2c6: {  	s0 =	sadd.s32 @!p0 $0x100000, s0;
	[bflag:$0x2] =	sbarrier.arrive $0xFFFF  }
0x2c7: {  	[sflag:s0] =	ssyncadd.tile.s32 @!p0 $0x1;
	_ =	shalt  }
.Lfunc_end2:
_tile_overlayer_lowered:
.L_overlay_start_2:
0x2c8: {  	(tag) =	ssettag $0x2  }
0x2c9: {  	s0 =	rddreg [dreg:$0x0];
	s2 =	stileid.u32  }
0x2ca: {  	s1 =	rddreg [dreg:$0x1];
	p0 =	sne.s32 s2, $0x0  }
0x2cb: {  	s3 =	rddreg [dreg:$0x2];
	[bflag:$0x3] =	sbarrier.arrive $0xFFFF;
	s2 =	simm.s32 @!p0 $0x1C01  }
0x2cc: {  	[timem:s3], [sflag:s2] =	dma.local @!p0 [hbm:s0], s1  }
0x2cd: {  	s0 =	simm.s32 @!p0 $0x1  }
0x2ce: {  	_ =	swait.ge @!p0 [sflag:s0], s1  }
0x2cf: {  	s1 =	ssub.s32 @!p0 $0x0, s1;
	[sflag:s0] =	ssyncset.done @!p0 $0x0  }
0x2d0: {  	[sflag:s0] =	ssyncadd.s32 @!p0 s1  }
0x2d1: {  	[bflag:$0x3] =	sbarrier.arrive $0xFFFF  }
0x2d2: {  	_ =	shalt  }

</sc_bundles>
